<compile_context>
chip_gen: v7x
topology: tpu7x:2x2x1
jax: 0.10.2.dev20260603
libtpu: 0.0.44.dev20260713+nightly
codegen_flags: <defaults>
</compile_context>

<pallas_src>
import functools
import jax
import jax.numpy as jnp
from jax import lax
from jax.experimental import pallas as pl
from jax.experimental.pallas import tpu as pltpu
from jax.experimental.pallas import tpu_sc as plsc

POST_CONF = 0.97
MARGIN2 = 25.0
MIN_CLUSTER = 100
B, ND, H, W = 4, 8, 144, 256
KMAX = H * W
MAX_LANES = 4
ACAP = 4096
CCAP = 1024
SLOTS = 48
NC = 2
INF = float("inf")

_mesh = plsc.VectorSubcoreMesh(core_axis_name="c", subcore_axis_name="s")

_GDN = lax.GatherDimensionNumbers(
    offset_dims=(), collapsed_slice_dims=(0,), start_index_map=(0,))


def _iota16():
    return lax.iota(jnp.int32, 16)


def _vbcast(vec, idx_vec):
    return lax.gather(vec, idx_vec[:, None], _GDN, (1,),
                      mode=lax.GatherScatterMode.PROMISE_IN_BOUNDS)


@functools.partial(
    pl.kernel,
    mesh=_mesh,
    compiler_params=pltpu.CompilerParams(needs_layout_passes=False),
    out_type=[
        jax.ShapeDtypeStruct((B, MAX_LANES * H), jnp.float32),
        jax.ShapeDtypeStruct((B, MAX_LANES * H), jnp.float32),
        jax.ShapeDtypeStruct((B, MAX_LANES * H), jnp.float32),
        jax.ShapeDtypeStruct((B, 16), jnp.int32),
    ],
    scratch_types=[
        pltpu.VMEM((KMAX,), jnp.float32),
        pltpu.VMEM((ACAP,), jnp.int32),
        pltpu.VMEM((ND * ACAP,), jnp.float32),
        pltpu.VMEM((ND * CCAP,), jnp.float32),
        pltpu.VMEM((CCAP,), jnp.int32),
        pltpu.VMEM((ACAP,), jnp.int32),
        pltpu.VMEM((ACAP,), jnp.float32),
        pltpu.VMEM((ACAP,), jnp.float32),
        pltpu.VMEM((CCAP,), jnp.int32),
        pltpu.VMEM((SLOTS * H,), jnp.int32),
        pltpu.VMEM((SLOTS * H,), jnp.float32),
        pltpu.VMEM((SLOTS * H,), jnp.float32),
        pltpu.VMEM((MAX_LANES * H,), jnp.float32),
        pltpu.VMEM((MAX_LANES * H,), jnp.float32),
        pltpu.VMEM((MAX_LANES * H,), jnp.float32),
        pltpu.VMEM((16,), jnp.int32),
    ],
)
def _fused_kernel(seg_hbm, emb_hbm, off_hbm, z_hbm,
                 ox_out, oy_out, oz_out, cnt_out,
                 imgbuf, aidx, aemb, centers, counts, cids, xadj, zact,
                 slotmap, scnt, ssx, ssz, obx, oby, obz, cntv):
    wid = lax.axis_index("s") * NC + lax.axis_index("c")

    @pl.when(wid < B)
    def _():
        b = wid
        lanes = _iota16()
        zi16 = jnp.zeros((16,), jnp.int32)
        zf16 = jnp.zeros((16,), jnp.float32)

        pltpu.sync_copy(seg_hbm.at[b], imgbuf)

        @plsc.parallel_loop(0, ACAP // 16, unroll=4)
        def _(i):
            aidx[pl.ds(i * 16, 16)] = zi16
            cids[pl.ds(i * 16, 16)] = zi16

        @plsc.parallel_loop(0, CCAP // 16, unroll=4)
        def _(i):
            counts[pl.ds(i * 16, 16)] = zi16

        l15 = jnp.full((16,), 15, jnp.int32)

        @plsc.parallel_loop(0, KMAX // 16, unroll=4, carry=zi16)
        def offv(c, offv):
            sv = imgbuf[pl.ds(c * 16, 16)]
            m = sv >= POST_CONF
            idxv = _iota16() + c * 16
            mi = m.astype(jnp.int32)
            incl = plsc.cumsum(mi)
            pos = jnp.minimum(offv + (incl - mi), ACAP - 1)
            plsc.store_scatter(aidx, [pos], idxv, mask=m)
            return offv + _vbcast(incl, l15)
        n = jnp.minimum(jnp.max(offv), ACAP)

        nchp = (n + 15) // 16

        for d in range(ND):
            pltpu.sync_copy(emb_hbm.at[b * ND + d], imgbuf)

            @plsc.parallel_loop(0, nchp, unroll=4)
            def _(c, d=d):
                pidx = aidx[pl.ds(c * 16, 16)]
                aemb[pl.ds(d * ACAP + c * 16, 16)] = plsc.load_gather(
                    imgbuf, [pidx])

        pltpu.sync_copy(off_hbm.at[b], imgbuf)

        @plsc.parallel_loop(0, nchp, unroll=4)
        def _(c):
            pidx = aidx[pl.ds(c * 16, 16)]
            ov = plsc.load_gather(imgbuf, [pidx])
            sig = 1.0 / (1.0 + jnp.exp(-ov))
            col = (pidx & (W - 1)).astype(jnp.float32)
            xadj[pl.ds(c * 16, 16)] = col + sig

        pltpu.sync_copy(z_hbm.at[b], imgbuf)

        @plsc.parallel_loop(0, nchp, unroll=4)
        def _(c):
            pidx = aidx[pl.ds(c * 16, 16)]
            zact[pl.ds(c * 16, 16)] = plsc.load_gather(imgbuf, [pidx])

        m_lo8 = lanes < 8
        m_l0 = lanes == 0
        ones_i = jnp.ones((16,), jnp.int32)

        def point_body(i, ncent):
            iv = jnp.full((16,), i, jnp.int32)
            ev = plsc.load_gather(aemb, [lanes * ACAP + iv], mask=m_lo8)
            bc = [plsc.load_gather(aemb,
                                   [jnp.full((16,), d * ACAP, jnp.int32) + iv])
                  for d in range(ND)]

            nch = (ncent + 15) // 16

            def ch_body(c, carry):
                bd, bi = carry
                base = c * 16
                qs = []
                for d in range(ND):
                    cd = centers[pl.ds(d * CCAP + base, 16)]
                    dd = cd - bc[d]
                    qs.append(dd * dd)
                acc = ((qs[0] + qs[1]) + (qs[2] + qs[3])) + (
                    (qs[4] + qs[5]) + (qs[6] + qs[7]))
                lid = _iota16() + base
                dm = jnp.where(lid < ncent, acc, INF)
                better = dm < bd
                return jnp.where(better, dm, bd), jnp.where(better, lid, bi)

            bd0 = jnp.full((16,), INF)
            bi0 = jnp.full((16,), KMAX, jnp.int32)
            bd, bi = lax.fori_loop(0, nch, ch_body, (bd0, bi0))

            d2min = jnp.min(bd)
            merge = (ncent > 0) & (d2min < MARGIN2)
            eqm = bd == d2min
            def _fast():
                ffs = plsc.all_reduce_ffs(eqm)
                return _vbcast(bi, jnp.minimum(ffs, 15))

            def _slow():
                return jnp.full((16,), jnp.min(jnp.where(eqm, bi, KMAX)),
                                jnp.int32)
            idxv = lax.cond(nch <= 1, _fast, _slow)

            tv = jnp.where(merge, idxv, jnp.full((16,), ncent, jnp.int32))
            tv = jnp.minimum(tv, CCAP - 1)
            cntf = plsc.load_gather(counts, [tv]).astype(jnp.float32)
            cidx = lanes * CCAP + tv
            cold = plsc.load_gather(centers, [cidx], mask=m_lo8)
            cnew = (cold * cntf + ev) / (cntf + 1.0)
            plsc.store_scatter(centers, [cidx], cnew, mask=m_lo8)
            plsc.addupdate_scatter(counts, [tv], ones_i, mask=m_l0)
            plsc.store_scatter(cids, [iv], tv, mask=m_l0)
            return ncent + jnp.where(merge, 0, 1)

        lax.fori_loop(0, n, point_body, jnp.int32(0))

        def slot_body(c, s):
            cv = counts[pl.ds(c * 16, 16)]
            el = cv >= MIN_CLUSTER
            eli = el.astype(jnp.int32)
            incl = plsc.cumsum(eli)
            slotv = jnp.where(el, s + (incl - eli), -1)
            slotv = jnp.where(slotv < SLOTS, slotv, -1)
            slotmap[pl.ds(c * 16, 16)] = slotv
            return s + jnp.sum(eli)
        lax.fori_loop(0, CCAP // 16, slot_body, jnp.int32(0))

        @plsc.parallel_loop(0, SLOTS * H // 16, unroll=4)
        def _(i):
            scnt[pl.ds(i * 16, 16)] = zi16
            ssx[pl.ds(i * 16, 16)] = zf16
            ssz[pl.ds(i * 16, 16)] = zf16

        @plsc.parallel_loop(0, MAX_LANES * H // 16, unroll=4)
        def _(i):
            obx[pl.ds(i * 16, 16)] = zf16
            oby[pl.ds(i * 16, 16)] = zf16
            obz[pl.ds(i * 16, 16)] = zf16
        cntv[pl.ds(0, 16)] = zi16

        def st_body(c, _):
            base = c * 16
            pidx = aidx[pl.ds(base, 16)]
            cid = cids[pl.ds(base, 16)]
            slot = plsc.load_gather(slotmap, [cid])
            valid = (slot >= 0) & ((lanes + base) < n)
            rows = pidx >> 8
            sidx = jnp.where(valid, slot * H + rows, 0)
            xv = xadj[pl.ds(base, 16)]
            zv = zact[pl.ds(base, 16)]
            for j in range(16):
                mj = (lanes == j) & valid
                plsc.addupdate_scatter(scnt, [sidx], ones_i, mask=mj)
                plsc.addupdate_scatter(ssx, [sidx], xv, mask=mj)
                plsc.addupdate_scatter(ssz, [sidx], zv, mask=mj)
            return 0
        lax.fori_loop(0, nchp, st_body, 0)

        def lane_body(s, lane):
            def nr_body(c9, acc):
                cv = scnt[pl.ds(s * H + c9 * 16, 16)]
                return acc + jnp.sum((cv > 0).astype(jnp.int32))
            nr = lax.fori_loop(0, H // 16, nr_body, jnp.int32(0))
            cand = nr >= 2
            do_lane = cand & (lane < MAX_LANES)

            @pl.when(do_lane)
            def _():
                def row_body(t, pos_carry):
                    c9 = (H // 16 - 1) - t
                    o = s * H + c9 * 16
                    cv = scnt[pl.ds(o, 16)]
                    pres = cv > 0
                    pi = pres.astype(jnp.int32)
                    denom = jnp.where(pres, cv, 1).astype(jnp.float32)
                    mean_x = ssx[pl.ds(o, 16)] / denom
                    mean_z = ssz[pl.ds(o, 16)] / denom
                    rr = (lanes + c9 * 16).astype(jnp.float32)
                    xvv = (100.0 - (rr + 0.5)) * 0.5
                    yvv = 64.0 - 0.5 * mean_x
                    incl = plsc.cumsum(lax.rev(pi, (0,)))
                    pos_local = lax.rev(incl, (0,)) - pi
                    pos = pos_local + pos_carry + lane * H
                    plsc.store_scatter(obx, [pos], xvv, mask=pres)
                    plsc.store_scatter(oby, [pos], yvv, mask=pres)
                    plsc.store_scatter(obz, [pos], mean_z, mask=pres)
                    return pos_carry + jnp.sum(pi)
                n_l = lax.fori_loop(0, H // 16, row_body, jnp.int32(0))
                plsc.store_scatter(
                    cntv, [jnp.full((16,), lane, jnp.int32)],
                    jnp.full((16,), n_l, jnp.int32), mask=lanes == 0)

            return lane + jnp.where(cand, 1, 0)
        lax.fori_loop(0, SLOTS, lane_body, jnp.int32(0))

        pltpu.sync_copy(obx, ox_out.at[b])
        pltpu.sync_copy(oby, oy_out.at[b])
        pltpu.sync_copy(obz, oz_out.at[b])
        pltpu.sync_copy(cntv, cnt_out.at[b])


def kernel(seg, embedding, offset_pred, z_pred, intrinsic, extrinsic):
    segf = seg.reshape(B, KMAX)
    embf = embedding.reshape(B * ND, KMAX)
    offf = offset_pred.reshape(B, KMAX)
    zf = z_pred.reshape(B, KMAX)

    ox, oy, oz, cnt = _fused_kernel(segf, embf, offf, zf)

    out = jnp.stack(
        [ox.reshape(B, MAX_LANES, H),
         oy.reshape(B, MAX_LANES, H),
         oz.reshape(B, MAX_LANES, H)], axis=-1)
    return out, cnt[:, :MAX_LANES]

# --- scband reference (transcript-rebuilt; emitter-appended) ---
"""Pipeline reference for scband-post-processing-module-50577534878281 (READ-ONLY COPY).

The authoritative reference and input builder live on the scoring server;
editing this copy changes nothing except your own understanding.
"""

import jax, jax.numpy as jnp
import numpy as np

POST_CONF = 0.97
EMB_MARGIN = 5.0
MIN_CLUSTER = 100
MAX_X = 50.0
MPP = (0.5, 0.5)
B, ND, H, W = 4, 8, 144, 256
MAX_LANES = 4
MAX_PTS = H
KMAX = H * W


def setup_inputs(seed: int = 0) -> dict:
    key = jax.random.key(seed)
    k1, k2, k3, k4, k5, k6 = jax.random.split(key, 6)
    seg = jax.random.uniform(k1, (B, 1, H, W), dtype=jnp.float32)
    embedding = jax.random.normal(k2, (B, ND, H, W), dtype=jnp.float32)
    offset_pred = jax.random.normal(k3, (B, 1, H, W), dtype=jnp.float32)
    z_pred = jax.random.normal(k4, (B, 1, H, W), dtype=jnp.float32)
    intrinsic = jax.random.normal(k5, (3, 3), dtype=jnp.float32)
    extrinsic = jax.random.normal(k6, (4, 4), dtype=jnp.float32)
    return {"seg": seg, "embedding": embedding, "offset_pred": offset_pred,
            "z_pred": z_pred, "intrinsic": intrinsic, "extrinsic": extrinsic}


def _cluster(seg, embedding):
    def one_batch(seg_b, emb_b):
        m = (seg_b[0] >= POST_CONF).reshape(-1)
        E = emb_b.reshape(ND, -1).T

        def body(p, carry):
            centers, counts, ncent, cids = carry
            e = E[p]
            diff = centers - e[None, :]
            sq = diff * diff
            d2 = ((sq[:, 0] + sq[:, 1]) + (sq[:, 2] + sq[:, 3])) + (
                (sq[:, 4] + sq[:, 5]) + (sq[:, 6] + sq[:, 7]))
            d = jnp.sqrt(d2)
            alive = jnp.arange(KMAX, dtype=jnp.int32) < ncent
            dmask = jnp.where(alive, d, jnp.inf)
            mc = jnp.argmin(dmask).astype(jnp.int32)
            do = m[p]
            merge = do & (ncent > 0) & (dmask[mc] < EMB_MARGIN)
            target = jnp.where(merge, mc, ncent)
            c = counts[target]
            upd = (centers[target] * c + e) / (c + 1)
            tgt = jnp.where(do, target, KMAX)
            centers = centers.at[tgt].set(upd, mode="drop")
            counts = counts.at[tgt].add(1, mode="drop")
            ncent = ncent + (do & ~merge).astype(jnp.int32)
            cids = cids.at[p].set(jnp.where(do, target, -1))
            return centers, counts, ncent, cids

        init = (jnp.zeros((KMAX, ND), dtype=jnp.float32),
                jnp.zeros((KMAX,), dtype=jnp.int32),
                jnp.int32(0),
                jnp.full((KMAX,), -1, dtype=jnp.int32))
        centers, counts, ncent, cids = jax.lax.fori_loop(0, KMAX, body, init)
        return cids, counts

    cids_all = []
    counts_all = []
    for b in range(B):
        cb, kb = one_batch(seg[b], embedding[b])
        cids_all.append(cb)
        counts_all.append(kb)
    return jnp.stack(cids_all), jnp.stack(counts_all)


def reference(seg, embedding, offset_pred, z_pred, intrinsic, extrinsic):
    cids, counts = _cluster(seg, embedding)
    offset_y = jax.nn.sigmoid(offset_pred)
    rows = jnp.arange(KMAX, dtype=jnp.int32) // W
    cols = jnp.arange(KMAX, dtype=jnp.int32) % W
    ks = jnp.arange(KMAX, dtype=jnp.int32)
    out_b = []
    cnt_b = []
    for b in range(B):
        cid = cids[b]
        cnt = counts[b]
        eligible = cnt >= MIN_CLUSTER
        valid = (cid >= 0) & eligible[jnp.clip(cid, 0, KMAX - 1)]
        kk = jnp.where(valid, cid, KMAX + 1)
        off = offset_y[b, 0].reshape(-1)
        zz = z_pred[b, 0].reshape(-1)
        x_adj = cols.astype(jnp.float32) + off
        cnt2d = jnp.zeros((KMAX + 1, H), jnp.int32).at[kk, rows].add(1, mode="drop")
        sumx2d = jnp.zeros((KMAX + 1, H), jnp.float32).at[kk, rows].add(x_adj, mode="drop")
        sumz2d = jnp.zeros((KMAX + 1, H), jnp.float32).at[kk, rows].add(zz, mode="drop")
        nrows = jnp.sum((cnt2d > 0).astype(jnp.int32), axis=1)
        cand = eligible & (nrows[:KMAX] >= 2)
        rank = jnp.cumsum(cand.astype(jnp.int32)) - 1
        lanes_out = []
        lane_cnts = []
        for l in range(MAX_LANES):
            sel = cand & (rank == l)
            k_l = jnp.min(jnp.where(sel, ks, KMAX))
            rc = cnt2d[k_l]
            sx = sumx2d[k_l]
            sz = sumz2d[k_l]
            pres = rc > 0
            denom = jnp.where(pres, rc, 1).astype(jnp.float32)
            mean_x = sx / denom
            mean_z = sz / denom
            n_l = jnp.sum(pres.astype(jnp.int32))
            rr = jnp.arange(H, dtype=jnp.float32)
            xv = (MAX_X / MPP[0] - (rr + 0.5)) * MPP[0]
            yv = -(mean_x * MPP[1] - (W // 2) * MPP[1])
            pres_rev = pres[::-1].astype(jnp.int32)
            pos = (jnp.cumsum(pres_rev) - pres_rev)[::-1]
            idx = jnp.where(pres, pos, MAX_PTS)
            pts = jnp.zeros((MAX_PTS, 3), jnp.float32)
            pts = pts.at[idx, 0].set(xv, mode="drop")
            pts = pts.at[idx, 1].set(yv, mode="drop")
            pts = pts.at[idx, 2].set(mean_z, mode="drop")
            lanes_out.append(pts)
            lane_cnts.append(n_l)
        out_b.append(jnp.stack(lanes_out))
        cnt_b.append(jnp.stack(lane_cnts))
    out = jnp.stack(out_b).astype(jnp.float32)
    cnts = jnp.stack(cnt_b).astype(jnp.int32)
    return (out, cnts)

if __name__ == "__main__":
    import jax
    _d = setup_inputs()
    print(jax.jit(kernel)(*tuple(_d.values())))

</pallas_src>

<mosaic_0001>
#map = affine_map<(d0, d1) -> (0, 0)>
module attributes {stable_mosaic.version = 14 : i64} {
  func.func @_fused_kernel(%arg0: i32, %arg1: i32, %arg2: memref<4x36864xf32, #tpu.memory_space<hbm>>, %arg3: memref<32x36864xf32, #tpu.memory_space<hbm>>, %arg4: memref<4x36864xf32, #tpu.memory_space<hbm>>, %arg5: memref<4x36864xf32, #tpu.memory_space<hbm>>, %arg6: memref<4x576xf32, #tpu.memory_space<hbm>>, %arg7: memref<4x576xf32, #tpu.memory_space<hbm>>, %arg8: memref<4x576xf32, #tpu.memory_space<hbm>>, %arg9: memref<4x16xi32, #tpu.memory_space<hbm>>, %arg10: memref<36864xf32, #tpu.memory_space<vmem>>, %arg11: memref<4096xi32, #tpu.memory_space<vmem>>, %arg12: memref<32768xf32, #tpu.memory_space<vmem>>, %arg13: memref<8192xf32, #tpu.memory_space<vmem>>, %arg14: memref<1024xi32, #tpu.memory_space<vmem>>, %arg15: memref<4096xi32, #tpu.memory_space<vmem>>, %arg16: memref<4096xf32, #tpu.memory_space<vmem>>, %arg17: memref<4096xf32, #tpu.memory_space<vmem>>, %arg18: memref<1024xi32, #tpu.memory_space<vmem>>, %arg19: memref<6912xi32, #tpu.memory_space<vmem>>, %arg20: memref<6912xf32, #tpu.memory_space<vmem>>, %arg21: memref<6912xf32, #tpu.memory_space<vmem>>, %arg22: memref<576xf32, #tpu.memory_space<vmem>>, %arg23: memref<576xf32, #tpu.memory_space<vmem>>, %arg24: memref<576xf32, #tpu.memory_space<vmem>>, %arg25: memref<16xi32, #tpu.memory_space<vmem>>) attributes {dimension_semantics = [#tpu.dimension_semantics<core_parallel>, #tpu.dimension_semantics<subcore_parallel>], iteration_bounds = array<i64: 2, 16>, scalar_prefetch = 0 : i64, scratch_operands = 16 : i64, tpu.core_type = #tpu.core_type<sc_vector_subcore>, window_params = [{transform_indices = #map}, {transform_indices = #map}, {transform_indices = #map}, {transform_indices = #map}, {transform_indices = #map}, {transform_indices = #map}, {transform_indices = #map}, {transform_indices = #map}]} {
    %mul3A = arith.constant 2 : i32
    %mul3A_0 = arith.muli %arg1, %mul3A : i32
    %add3A = arith.addi %mul3A_0, %arg0 : i32
    %lt3A = arith.constant 4 : i32
    %lt3A_1 = arith.cmpi slt, %add3A, %lt3A : i32
    %convert_element_type3A = arith.extui %lt3A_1 : i1 to i32
    %cond3A = arith.constant 0 : i32
    %cond3A_2 = arith.cmpi ne, %convert_element_type3A, %cond3A : i32
    scf.if %cond3A_2 {
      %iota3A = tpu.iota {dimensions = array<i32: 0>} : vector<16xi32>
      %broadcast_in_dim3A = arith.constant 0 : i32
      %broadcast_in_dim3A_3 = vector.broadcast %broadcast_in_dim3A : i32 to vector<16xi32>
      %broadcast_in_dim3A_4 = arith.constant 0.000000e+00 : f32
      %broadcast_in_dim3A_5 = vector.broadcast %broadcast_in_dim3A_4 : f32 to vector<16xf32>
      "tpu.region"() ({
        %run_scoped3A = tpu.sem_alloc : memref<!tpu.dma_semaphore, #tpu.memory_space<semaphore_mem>>
        %dma_start3A = arith.constant 0 : i32
        %dma_start3A_145 = tpu.memref_slice %arg2[%add3A, %dma_start3A] : memref<4x36864xf32, #tpu.memory_space<hbm>> -> memref<1x36864xf32, #tpu.memory_space<hbm>>
        %dma_start3A_146 = tpu.memref_squeeze %dma_start3A_145 : memref<1x36864xf32, #tpu.memory_space<hbm>> -> memref<36864xf32, #tpu.memory_space<hbm>>
        %dma_start3A_147 = arith.constant 0 : i32
        %dma_start3A_148 = tpu.memref_slice %arg2[%add3A, %dma_start3A_147] : memref<4x36864xf32, #tpu.memory_space<hbm>> -> memref<1x36864xf32, #tpu.memory_space<hbm>>
        %dma_start3A_149 = tpu.memref_squeeze %dma_start3A_148 : memref<1x36864xf32, #tpu.memory_space<hbm>> -> memref<36864xf32, #tpu.memory_space<hbm>>
        tpu.enqueue_dma source(%dma_start3A_149 : memref<36864xf32, #tpu.memory_space<hbm>>) target(%arg10 : memref<36864xf32, #tpu.memory_space<vmem>>) target_semaphore(%run_scoped3A : memref<!tpu.dma_semaphore, #tpu.memory_space<semaphore_mem>>)
        %dma_wait3A = arith.constant 0 : i32
        %dma_wait3A_150 = tpu.memref_slice %arg2[%add3A, %dma_wait3A] : memref<4x36864xf32, #tpu.memory_space<hbm>> -> memref<1x36864xf32, #tpu.memory_space<hbm>>
        %dma_wait3A_151 = tpu.memref_squeeze %dma_wait3A_150 : memref<1x36864xf32, #tpu.memory_space<hbm>> -> memref<36864xf32, #tpu.memory_space<hbm>>
        %dma_wait3A_152 = arith.constant 0 : i32
        %dma_wait3A_153 = tpu.memref_slice %arg2[%add3A, %dma_wait3A_152] : memref<4x36864xf32, #tpu.memory_space<hbm>> -> memref<1x36864xf32, #tpu.memory_space<hbm>>
        %dma_wait3A_154 = tpu.memref_squeeze %dma_wait3A_153 : memref<1x36864xf32, #tpu.memory_space<hbm>> -> memref<36864xf32, #tpu.memory_space<hbm>>
        tpu.wait_dma2 semaphore(%run_scoped3A : memref<!tpu.dma_semaphore, #tpu.memory_space<semaphore_mem>>) src(%dma_wait3A_154 : memref<36864xf32, #tpu.memory_space<hbm>>) dst(%arg10 : memref<36864xf32, #tpu.memory_space<vmem>>)
        tpu.yield
      }) : () -> ()
      %parallel_loop3A = arith.constant 0 : i32
      %parallel_loop3A_6 = arith.constant 256 : i32
      %parallel_loop3A_7 = arith.constant 1 : i32
      scf.for %parallel_loop3A_145 = %parallel_loop3A to %parallel_loop3A_6 step %parallel_loop3A_7  : i32 {
        %parallel_loop3A_146 = arith.constant 16 : i32
        %parallel_loop3A_147 = arith.muli %parallel_loop3A_145, %parallel_loop3A_146 : i32
        %parallel_loop3A_148 = arith.index_cast %parallel_loop3A_147 : i32 to index
        %parallel_loop3A_149 = tpu.vector_load %arg11[%parallel_loop3A_148] {strides = array<i32>} : memref<4096xi32, #tpu.memory_space<vmem>>, vector<16xi32>,
        tpu.vector_store %arg11[%parallel_loop3A_148], %broadcast_in_dim3A_3 {strides = array<i32>} : memref<4096xi32, #tpu.memory_space<vmem>>, vector<16xi32>,
        %parallel_loop3A_150 = arith.constant 16 : i32
        %parallel_loop3A_151 = arith.muli %parallel_loop3A_145, %parallel_loop3A_150 : i32
        %parallel_loop3A_152 = arith.index_cast %parallel_loop3A_151 : i32 to index
        %parallel_loop3A_153 = tpu.vector_load %arg15[%parallel_loop3A_152] {strides = array<i32>} : memref<4096xi32, #tpu.memory_space<vmem>>, vector<16xi32>,
        tpu.vector_store %arg15[%parallel_loop3A_152], %broadcast_in_dim3A_3 {strides = array<i32>} : memref<4096xi32, #tpu.memory_space<vmem>>, vector<16xi32>,
      } {sc.loop_unroll_factor = 4 : i64, sc.parallel_access}
      %parallel_loop3A_8 = arith.constant 0 : i32
      %parallel_loop3A_9 = arith.constant 64 : i32
      %parallel_loop3A_10 = arith.constant 1 : i32
      scf.for %parallel_loop3A_145 = %parallel_loop3A_8 to %parallel_loop3A_9 step %parallel_loop3A_10  : i32 {
        %parallel_loop3A_146 = arith.constant 16 : i32
        %parallel_loop3A_147 = arith.muli %parallel_loop3A_145, %parallel_loop3A_146 : i32
        %parallel_loop3A_148 = arith.index_cast %parallel_loop3A_147 : i32 to index
        %parallel_loop3A_149 = tpu.vector_load %arg14[%parallel_loop3A_148] {strides = array<i32>} : memref<1024xi32, #tpu.memory_space<vmem>>, vector<16xi32>,
        tpu.vector_store %arg14[%parallel_loop3A_148], %broadcast_in_dim3A_3 {strides = array<i32>} : memref<1024xi32, #tpu.memory_space<vmem>>, vector<16xi32>,
      } {sc.loop_unroll_factor = 4 : i64, sc.parallel_access}
      %broadcast_in_dim3A_11 = arith.constant 15 : i32
      %broadcast_in_dim3A_12 = vector.broadcast %broadcast_in_dim3A_11 : i32 to vector<16xi32>
      %parallel_loop3A_13 = arith.constant 0 : i32
      %parallel_loop3A_14 = arith.constant 2304 : i32
      %parallel_loop3A_15 = arith.constant 1 : i32
      %parallel_loop3A_16 = scf.for %parallel_loop3A_145 = %parallel_loop3A_13 to %parallel_loop3A_14 step %parallel_loop3A_15 iter_args(%parallel_loop3A_146 = %broadcast_in_dim3A_3) -> (vector<16xi32>)  : i32 {
        %parallel_loop3A_147 = arith.constant 16 : i32
        %parallel_loop3A_148 = arith.muli %parallel_loop3A_145, %parallel_loop3A_147 : i32
        %parallel_loop3A_149 = arith.index_cast %parallel_loop3A_148 : i32 to index
        %parallel_loop3A_150 = tpu.vector_load %arg10[%parallel_loop3A_149] {strides = array<i32>} : memref<36864xf32, #tpu.memory_space<vmem>>, vector<16xf32>,
        %parallel_loop3A_151 = arith.constant 9.700000e-01 : f32
        %parallel_loop3A_152 = vector.broadcast %parallel_loop3A_151 : f32 to vector<16xf32>
        %parallel_loop3A_153 = arith.cmpf oge, %parallel_loop3A_150, %parallel_loop3A_152 : vector<16xf32>
        %parallel_loop3A_154 = tpu.iota {dimensions = array<i32: 0>} : vector<16xi32>
        %parallel_loop3A_155 = arith.constant 16 : i32
        %parallel_loop3A_156 = arith.muli %parallel_loop3A_145, %parallel_loop3A_155 : i32
        %parallel_loop3A_157 = vector.broadcast %parallel_loop3A_156 : i32 to vector<16xi32>
        %parallel_loop3A_158 = arith.addi %parallel_loop3A_154, %parallel_loop3A_157 : vector<16xi32>
        %parallel_loop3A_159 = arith.extui %parallel_loop3A_153 : vector<16xi1> to vector<16xi32>
        %parallel_loop3A_160 = arith.constant true
        %parallel_loop3A_161 = vector.broadcast %parallel_loop3A_160 : i1 to vector<16xi1>
        %parallel_loop3A_162 = tpu.scan <sum>, %parallel_loop3A_159 masked %parallel_loop3A_161 : vector<16xi32>, vector<16xi1> -> vector<16xi32>
        %parallel_loop3A_163 = arith.subi %parallel_loop3A_162, %parallel_loop3A_159 : vector<16xi32>
        %parallel_loop3A_164 = arith.addi %parallel_loop3A_146, %parallel_loop3A_163 : vector<16xi32>
        %parallel_loop3A_165 = arith.constant 4095 : i32
        %parallel_loop3A_166 = vector.broadcast %parallel_loop3A_165 : i32 to vector<16xi32>
        %parallel_loop3A_167 = arith.minsi %parallel_loop3A_164, %parallel_loop3A_166 : vector<16xi32>
        tpu.vector_store_idx %arg11[%parallel_loop3A_167], %parallel_loop3A_158 masked %parallel_loop3A_153 : memref<4096xi32, #tpu.memory_space<vmem>>[vector<16xi32>], vector<16xi32>, vector<16xi1>
        %parallel_loop3A_168 = vector.shape_cast %broadcast_in_dim3A_12 : vector<16xi32> to vector<16x1xi32>
        %parallel_loop3A_169 = vector.shape_cast %parallel_loop3A_168 : vector<16x1xi32> to vector<16xi32>
        %parallel_loop3A_170 = tpu.dynamic_gather %parallel_loop3A_162[%parallel_loop3A_169] in [0] : vector<16xi32>, vector<16xi32> -> vector<16xi32>
        %parallel_loop3A_171 = arith.addi %parallel_loop3A_146, %parallel_loop3A_170 : vector<16xi32>
        scf.yield %parallel_loop3A_171 : vector<16xi32>
      } {sc.loop_unroll_factor = 4 : i64, sc.parallel_access}
      %reduce_max3A = arith.constant true
      %reduce_max3A_17 = vector.broadcast %reduce_max3A : i1 to vector<16xi1>
      %reduce_max3A_18 = arith.constant -2147483648 : i32
      %reduce_max3A_19 = vector.broadcast %reduce_max3A_18 : i32 to vector<16xi32>
      %reduce_max3A_20 = arith.xori %parallel_loop3A_16, %reduce_max3A_19 : vector<16xi32>
      %reduce_max3A_21 = tpu.scan <max>, %reduce_max3A_20 masked %reduce_max3A_17 : vector<16xi32>, vector<16xi1> -> vector<16xi32>
      %reduce_max3A_22 = arith.xori %reduce_max3A_21, %reduce_max3A_19 : vector<16xi32>
      %reduce_max3A_23 = vector.extract %reduce_max3A_22[15] : i32 from vector<16xi32>
      %min3A = arith.constant 4096 : i32
      %min3A_24 = arith.minsi %reduce_max3A_23, %min3A : i32
      %add3A_25 = arith.constant 15 : i32
      %add3A_26 = arith.addi %min3A_24, %add3A_25 : i32
      %jit3A = arith.constant 16 : i32
      %div3A = arith.divsi %add3A_26, %jit3A : i32
      %sign3A = arith.constant 0 : i32
      %sign3A_27 = arith.cmpi sgt, %add3A_26, %sign3A : i32
      %sign3A_28 = arith.extui %sign3A_27 : i1 to i32
      %sign3A_29 = arith.constant 0 : i32
      %sign3A_30 = arith.cmpi slt, %add3A_26, %sign3A_29 : i32
      %sign3A_31 = arith.extui %sign3A_30 : i1 to i32
      %sign3A_32 = arith.subi %sign3A_28, %sign3A_31 : i32
      %sign3A_33 = arith.constant 0 : i32
      %sign3A_34 = arith.cmpi sgt, %jit3A, %sign3A_33 : i32
      %sign3A_35 = arith.extui %sign3A_34 : i1 to i32
      %sign3A_36 = arith.constant 0 : i32
      %sign3A_37 = arith.cmpi slt, %jit3A, %sign3A_36 : i32
      %sign3A_38 = arith.extui %sign3A_37 : i1 to i32
      %sign3A_39 = arith.subi %sign3A_35, %sign3A_38 : i32
      %ne3A = arith.cmpi ne, %sign3A_32, %sign3A_39 : i32
      %rem3A = arith.remsi %add3A_26, %jit3A : i32
      %ne3A_40 = arith.constant 0 : i32
      %ne3A_41 = arith.cmpi ne, %rem3A, %ne3A_40 : i32
      %and3A = arith.andi %ne3A, %ne3A_41 : i1
      %sub3A = arith.constant 1 : i32
      %sub3A_42 = arith.subi %div3A, %sub3A : i32
      %select_n3A = arith.select %and3A, %sub3A_42, %div3A : i32
      %mul3A_43 = arith.constant 8 : i32
      %mul3A_44 = arith.muli %add3A, %mul3A_43 : i32
      %add3A_45 = arith.constant 0 : i32
      %add3A_46 = arith.addi %mul3A_44, %add3A_45 : i32
      "tpu.region"() ({
        %run_scoped3A = tpu.sem_alloc : memref<!tpu.dma_semaphore, #tpu.memory_space<semaphore_mem>>
        %dma_start3A = arith.constant 0 : i32
        %dma_start3A_145 = tpu.memref_slice %arg3[%add3A_46, %dma_start3A] : memref<32x36864xf32, #tpu.memory_space<hbm>> -> memref<1x36864xf32, #tpu.memory_space<hbm>>
        %dma_start3A_146 = tpu.memref_squeeze %dma_start3A_145 : memref<1x36864xf32, #tpu.memory_space<hbm>> -> memref<36864xf32, #tpu.memory_space<hbm>>
        %dma_start3A_147 = arith.constant 0 : i32
        %dma_start3A_148 = tpu.memref_slice %arg3[%add3A_46, %dma_start3A_147] : memref<32x36864xf32, #tpu.memory_space<hbm>> -> memref<1x36864xf32, #tpu.memory_space<hbm>>
        %dma_start3A_149 = tpu.memref_squeeze %dma_start3A_148 : memref<1x36864xf32, #tpu.memory_space<hbm>> -> memref<36864xf32, #tpu.memory_space<hbm>>
        tpu.enqueue_dma source(%dma_start3A_149 : memref<36864xf32, #tpu.memory_space<hbm>>) target(%arg10 : memref<36864xf32, #tpu.memory_space<vmem>>) target_semaphore(%run_scoped3A : memref<!tpu.dma_semaphore, #tpu.memory_space<semaphore_mem>>)
        %dma_wait3A = arith.constant 0 : i32
        %dma_wait3A_150 = tpu.memref_slice %arg3[%add3A_46, %dma_wait3A] : memref<32x36864xf32, #tpu.memory_space<hbm>> -> memref<1x36864xf32, #tpu.memory_space<hbm>>
        %dma_wait3A_151 = tpu.memref_squeeze %dma_wait3A_150 : memref<1x36864xf32, #tpu.memory_space<hbm>> -> memref<36864xf32, #tpu.memory_space<hbm>>
        %dma_wait3A_152 = arith.constant 0 : i32
        %dma_wait3A_153 = tpu.memref_slice %arg3[%add3A_46, %dma_wait3A_152] : memref<32x36864xf32, #tpu.memory_space<hbm>> -> memref<1x36864xf32, #tpu.memory_space<hbm>>
        %dma_wait3A_154 = tpu.memref_squeeze %dma_wait3A_153 : memref<1x36864xf32, #tpu.memory_space<hbm>> -> memref<36864xf32, #tpu.memory_space<hbm>>
        tpu.wait_dma2 semaphore(%run_scoped3A : memref<!tpu.dma_semaphore, #tpu.memory_space<semaphore_mem>>) src(%dma_wait3A_154 : memref<36864xf32, #tpu.memory_space<hbm>>) dst(%arg10 : memref<36864xf32, #tpu.memory_space<vmem>>)
        tpu.yield
      }) : () -> ()
      %parallel_loop3A_47 = arith.constant 0 : i32
      %parallel_loop3A_48 = arith.constant 1 : i32
      scf.for %parallel_loop3A_145 = %parallel_loop3A_47 to %select_n3A step %parallel_loop3A_48  : i32 {
        %parallel_loop3A_146 = arith.constant 16 : i32
        %parallel_loop3A_147 = arith.muli %parallel_loop3A_145, %parallel_loop3A_146 : i32
        %parallel_loop3A_148 = arith.index_cast %parallel_loop3A_147 : i32 to index
        %parallel_loop3A_149 = tpu.vector_load %arg11[%parallel_loop3A_148] {strides = array<i32>} : memref<4096xi32, #tpu.memory_space<vmem>>, vector<16xi32>,
        %parallel_loop3A_150 = tpu.vector_load_idx %arg10[%parallel_loop3A_149] : memref<36864xf32, #tpu.memory_space<vmem>>[vector<16xi32>], vector<16xf32>,
        %parallel_loop3A_151 = arith.constant 16 : i32
        %parallel_loop3A_152 = arith.muli %parallel_loop3A_145, %parallel_loop3A_151 : i32
        %parallel_loop3A_153 = arith.constant 0 : i32
        %parallel_loop3A_154 = arith.addi %parallel_loop3A_153, %parallel_loop3A_152 : i32
        %parallel_loop3A_155 = arith.index_cast %parallel_loop3A_154 : i32 to index
        %parallel_loop3A_156 = tpu.vector_load %arg12[%parallel_loop3A_155] {strides = array<i32>} : memref<32768xf32, #tpu.memory_space<vmem>>, vector<16xf32>,
        tpu.vector_store %arg12[%parallel_loop3A_155], %parallel_loop3A_150 {strides = array<i32>} : memref<32768xf32, #tpu.memory_space<vmem>>, vector<16xf32>,
      } {sc.loop_unroll_factor = 4 : i64, sc.parallel_access}
      %mul3A_49 = arith.constant 8 : i32
      %mul3A_50 = arith.muli %add3A, %mul3A_49 : i32
      %add3A_51 = arith.constant 1 : i32
      %add3A_52 = arith.addi %mul3A_50, %add3A_51 : i32
      "tpu.region"() ({
        %run_scoped3A = tpu.sem_alloc : memref<!tpu.dma_semaphore, #tpu.memory_space<semaphore_mem>>
        %dma_start3A = arith.constant 0 : i32
        %dma_start3A_145 = tpu.memref_slice %arg3[%add3A_52, %dma_start3A] : memref<32x36864xf32, #tpu.memory_space<hbm>> -> memref<1x36864xf32, #tpu.memory_space<hbm>>
        %dma_start3A_146 = tpu.memref_squeeze %dma_start3A_145 : memref<1x36864xf32, #tpu.memory_space<hbm>> -> memref<36864xf32, #tpu.memory_space<hbm>>
        %dma_start3A_147 = arith.constant 0 : i32
        %dma_start3A_148 = tpu.memref_slice %arg3[%add3A_52, %dma_start3A_147] : memref<32x36864xf32, #tpu.memory_space<hbm>> -> memref<1x36864xf32, #tpu.memory_space<hbm>>
        %dma_start3A_149 = tpu.memref_squeeze %dma_start3A_148 : memref<1x36864xf32, #tpu.memory_space<hbm>> -> memref<36864xf32, #tpu.memory_space<hbm>>
        tpu.enqueue_dma source(%dma_start3A_149 : memref<36864xf32, #tpu.memory_space<hbm>>) target(%arg10 : memref<36864xf32, #tpu.memory_space<vmem>>) target_semaphore(%run_scoped3A : memref<!tpu.dma_semaphore, #tpu.memory_space<semaphore_mem>>)
        %dma_wait3A = arith.constant 0 : i32
        %dma_wait3A_150 = tpu.memref_slice %arg3[%add3A_52, %dma_wait3A] : memref<32x36864xf32, #tpu.memory_space<hbm>> -> memref<1x36864xf32, #tpu.memory_space<hbm>>
        %dma_wait3A_151 = tpu.memref_squeeze %dma_wait3A_150 : memref<1x36864xf32, #tpu.memory_space<hbm>> -> memref<36864xf32, #tpu.memory_space<hbm>>
        %dma_wait3A_152 = arith.constant 0 : i32
        %dma_wait3A_153 = tpu.memref_slice %arg3[%add3A_52, %dma_wait3A_152] : memref<32x36864xf32, #tpu.memory_space<hbm>> -> memref<1x36864xf32, #tpu.memory_space<hbm>>
        %dma_wait3A_154 = tpu.memref_squeeze %dma_wait3A_153 : memref<1x36864xf32, #tpu.memory_space<hbm>> -> memref<36864xf32, #tpu.memory_space<hbm>>
        tpu.wait_dma2 semaphore(%run_scoped3A : memref<!tpu.dma_semaphore, #tpu.memory_space<semaphore_mem>>) src(%dma_wait3A_154 : memref<36864xf32, #tpu.memory_space<hbm>>) dst(%arg10 : memref<36864xf32, #tpu.memory_space<vmem>>)
        tpu.yield
      }) : () -> ()
      %parallel_loop3A_53 = arith.constant 0 : i32
      %parallel_loop3A_54 = arith.constant 1 : i32
      scf.for %parallel_loop3A_145 = %parallel_loop3A_53 to %select_n3A step %parallel_loop3A_54  : i32 {
        %parallel_loop3A_146 = arith.constant 16 : i32
        %parallel_loop3A_147 = arith.muli %parallel_loop3A_145, %parallel_loop3A_146 : i32
        %parallel_loop3A_148 = arith.index_cast %parallel_loop3A_147 : i32 to index
        %parallel_loop3A_149 = tpu.vector_load %arg11[%parallel_loop3A_148] {strides = array<i32>} : memref<4096xi32, #tpu.memory_space<vmem>>, vector<16xi32>,
        %parallel_loop3A_150 = tpu.vector_load_idx %arg10[%parallel_loop3A_149] : memref<36864xf32, #tpu.memory_space<vmem>>[vector<16xi32>], vector<16xf32>,
        %parallel_loop3A_151 = arith.constant 16 : i32
        %parallel_loop3A_152 = arith.muli %parallel_loop3A_145, %parallel_loop3A_151 : i32
        %parallel_loop3A_153 = arith.constant 4096 : i32
        %parallel_loop3A_154 = arith.addi %parallel_loop3A_153, %parallel_loop3A_152 : i32
        %parallel_loop3A_155 = arith.index_cast %parallel_loop3A_154 : i32 to index
        %parallel_loop3A_156 = tpu.vector_load %arg12[%parallel_loop3A_155] {strides = array<i32>} : memref<32768xf32, #tpu.memory_space<vmem>>, vector<16xf32>,
        tpu.vector_store %arg12[%parallel_loop3A_155], %parallel_loop3A_150 {strides = array<i32>} : memref<32768xf32, #tpu.memory_space<vmem>>, vector<16xf32>,
      } {sc.loop_unroll_factor = 4 : i64, sc.parallel_access}
      %mul3A_55 = arith.constant 8 : i32
      %mul3A_56 = arith.muli %add3A, %mul3A_55 : i32
      %add3A_57 = arith.constant 2 : i32
      %add3A_58 = arith.addi %mul3A_56, %add3A_57 : i32
      "tpu.region"() ({
        %run_scoped3A = tpu.sem_alloc : memref<!tpu.dma_semaphore, #tpu.memory_space<semaphore_mem>>
        %dma_start3A = arith.constant 0 : i32
        %dma_start3A_145 = tpu.memref_slice %arg3[%add3A_58, %dma_start3A] : memref<32x36864xf32, #tpu.memory_space<hbm>> -> memref<1x36864xf32, #tpu.memory_space<hbm>>
        %dma_start3A_146 = tpu.memref_squeeze %dma_start3A_145 : memref<1x36864xf32, #tpu.memory_space<hbm>> -> memref<36864xf32, #tpu.memory_space<hbm>>
        %dma_start3A_147 = arith.constant 0 : i32
        %dma_start3A_148 = tpu.memref_slice %arg3[%add3A_58, %dma_start3A_147] : memref<32x36864xf32, #tpu.memory_space<hbm>> -> memref<1x36864xf32, #tpu.memory_space<hbm>>
        %dma_start3A_149 = tpu.memref_squeeze %dma_start3A_148 : memref<1x36864xf32, #tpu.memory_space<hbm>> -> memref<36864xf32, #tpu.memory_space<hbm>>
        tpu.enqueue_dma source(%dma_start3A_149 : memref<36864xf32, #tpu.memory_space<hbm>>) target(%arg10 : memref<36864xf32, #tpu.memory_space<vmem>>) target_semaphore(%run_scoped3A : memref<!tpu.dma_semaphore, #tpu.memory_space<semaphore_mem>>)
        %dma_wait3A = arith.constant 0 : i32
        %dma_wait3A_150 = tpu.memref_slice %arg3[%add3A_58, %dma_wait3A] : memref<32x36864xf32, #tpu.memory_space<hbm>> -> memref<1x36864xf32, #tpu.memory_space<hbm>>
        %dma_wait3A_151 = tpu.memref_squeeze %dma_wait3A_150 : memref<1x36864xf32, #tpu.memory_space<hbm>> -> memref<36864xf32, #tpu.memory_space<hbm>>
        %dma_wait3A_152 = arith.constant 0 : i32
        %dma_wait3A_153 = tpu.memref_slice %arg3[%add3A_58, %dma_wait3A_152] : memref<32x36864xf32, #tpu.memory_space<hbm>> -> memref<1x36864xf32, #tpu.memory_space<hbm>>
        %dma_wait3A_154 = tpu.memref_squeeze %dma_wait3A_153 : memref<1x36864xf32, #tpu.memory_space<hbm>> -> memref<36864xf32, #tpu.memory_space<hbm>>
        tpu.wait_dma2 semaphore(%run_scoped3A : memref<!tpu.dma_semaphore, #tpu.memory_space<semaphore_mem>>) src(%dma_wait3A_154 : memref<36864xf32, #tpu.memory_space<hbm>>) dst(%arg10 : memref<36864xf32, #tpu.memory_space<vmem>>)
        tpu.yield
      }) : () -> ()
      %parallel_loop3A_59 = arith.constant 0 : i32
      %parallel_loop3A_60 = arith.constant 1 : i32
      scf.for %parallel_loop3A_145 = %parallel_loop3A_59 to %select_n3A step %parallel_loop3A_60  : i32 {
        %parallel_loop3A_146 = arith.constant 16 : i32
        %parallel_loop3A_147 = arith.muli %parallel_loop3A_145, %parallel_loop3A_146 : i32
        %parallel_loop3A_148 = arith.index_cast %parallel_loop3A_147 : i32 to index
        %parallel_loop3A_149 = tpu.vector_load %arg11[%parallel_loop3A_148] {strides = array<i32>} : memref<4096xi32, #tpu.memory_space<vmem>>, vector<16xi32>,
        %parallel_loop3A_150 = tpu.vector_load_idx %arg10[%parallel_loop3A_149] : memref<36864xf32, #tpu.memory_space<vmem>>[vector<16xi32>], vector<16xf32>,
        %parallel_loop3A_151 = arith.constant 16 : i32
        %parallel_loop3A_152 = arith.muli %parallel_loop3A_145, %parallel_loop3A_151 : i32
        %parallel_loop3A_153 = arith.constant 8192 : i32
        %parallel_loop3A_154 = arith.addi %parallel_loop3A_153, %parallel_loop3A_152 : i32
        %parallel_loop3A_155 = arith.index_cast %parallel_loop3A_154 : i32 to index
        %parallel_loop3A_156 = tpu.vector_load %arg12[%parallel_loop3A_155] {strides = array<i32>} : memref<32768xf32, #tpu.memory_space<vmem>>, vector<16xf32>,
        tpu.vector_store %arg12[%parallel_loop3A_155], %parallel_loop3A_150 {strides = array<i32>} : memref<32768xf32, #tpu.memory_space<vmem>>, vector<16xf32>,
      } {sc.loop_unroll_factor = 4 : i64, sc.parallel_access}
      %mul3A_61 = arith.constant 8 : i32
      %mul3A_62 = arith.muli %add3A, %mul3A_61 : i32
      %add3A_63 = arith.constant 3 : i32
      %add3A_64 = arith.addi %mul3A_62, %add3A_63 : i32
      "tpu.region"() ({
        %run_scoped3A = tpu.sem_alloc : memref<!tpu.dma_semaphore, #tpu.memory_space<semaphore_mem>>
        %dma_start3A = arith.constant 0 : i32
        %dma_start3A_145 = tpu.memref_slice %arg3[%add3A_64, %dma_start3A] : memref<32x36864xf32, #tpu.memory_space<hbm>> -> memref<1x36864xf32, #tpu.memory_space<hbm>>
        %dma_start3A_146 = tpu.memref_squeeze %dma_start3A_145 : memref<1x36864xf32, #tpu.memory_space<hbm>> -> memref<36864xf32, #tpu.memory_space<hbm>>
        %dma_start3A_147 = arith.constant 0 : i32
        %dma_start3A_148 = tpu.memref_slice %arg3[%add3A_64, %dma_start3A_147] : memref<32x36864xf32, #tpu.memory_space<hbm>> -> memref<1x36864xf32, #tpu.memory_space<hbm>>
        %dma_start3A_149 = tpu.memref_squeeze %dma_start3A_148 : memref<1x36864xf32, #tpu.memory_space<hbm>> -> memref<36864xf32, #tpu.memory_space<hbm>>
        tpu.enqueue_dma source(%dma_start3A_149 : memref<36864xf32, #tpu.memory_space<hbm>>) target(%arg10 : memref<36864xf32, #tpu.memory_space<vmem>>) target_semaphore(%run_scoped3A : memref<!tpu.dma_semaphore, #tpu.memory_space<semaphore_mem>>)
        %dma_wait3A = arith.constant 0 : i32
        %dma_wait3A_150 = tpu.memref_slice %arg3[%add3A_64, %dma_wait3A] : memref<32x36864xf32, #tpu.memory_space<hbm>> -> memref<1x36864xf32, #tpu.memory_space<hbm>>
        %dma_wait3A_151 = tpu.memref_squeeze %dma_wait3A_150 : memref<1x36864xf32, #tpu.memory_space<hbm>> -> memref<36864xf32, #tpu.memory_space<hbm>>
        %dma_wait3A_152 = arith.constant 0 : i32
        %dma_wait3A_153 = tpu.memref_slice %arg3[%add3A_64, %dma_wait3A_152] : memref<32x36864xf32, #tpu.memory_space<hbm>> -> memref<1x36864xf32, #tpu.memory_space<hbm>>
        %dma_wait3A_154 = tpu.memref_squeeze %dma_wait3A_153 : memref<1x36864xf32, #tpu.memory_space<hbm>> -> memref<36864xf32, #tpu.memory_space<hbm>>
        tpu.wait_dma2 semaphore(%run_scoped3A : memref<!tpu.dma_semaphore, #tpu.memory_space<semaphore_mem>>) src(%dma_wait3A_154 : memref<36864xf32, #tpu.memory_space<hbm>>) dst(%arg10 : memref<36864xf32, #tpu.memory_space<vmem>>)
        tpu.yield
      }) : () -> ()
      %parallel_loop3A_65 = arith.constant 0 : i32
      %parallel_loop3A_66 = arith.constant 1 : i32
      scf.for %parallel_loop3A_145 = %parallel_loop3A_65 to %select_n3A step %parallel_loop3A_66  : i32 {
        %parallel_loop3A_146 = arith.constant 16 : i32
        %parallel_loop3A_147 = arith.muli %parallel_loop3A_145, %parallel_loop3A_146 : i32
        %parallel_loop3A_148 = arith.index_cast %parallel_loop3A_147 : i32 to index
        %parallel_loop3A_149 = tpu.vector_load %arg11[%parallel_loop3A_148] {strides = array<i32>} : memref<4096xi32, #tpu.memory_space<vmem>>, vector<16xi32>,
        %parallel_loop3A_150 = tpu.vector_load_idx %arg10[%parallel_loop3A_149] : memref<36864xf32, #tpu.memory_space<vmem>>[vector<16xi32>], vector<16xf32>,
        %parallel_loop3A_151 = arith.constant 16 : i32
        %parallel_loop3A_152 = arith.muli %parallel_loop3A_145, %parallel_loop3A_151 : i32
        %parallel_loop3A_153 = arith.constant 12288 : i32
        %parallel_loop3A_154 = arith.addi %parallel_loop3A_153, %parallel_loop3A_152 : i32
        %parallel_loop3A_155 = arith.index_cast %parallel_loop3A_154 : i32 to index
        %parallel_loop3A_156 = tpu.vector_load %arg12[%parallel_loop3A_155] {strides = array<i32>} : memref<32768xf32, #tpu.memory_space<vmem>>, vector<16xf32>,
        tpu.vector_store %arg12[%parallel_loop3A_155], %parallel_loop3A_150 {strides = array<i32>} : memref<32768xf32, #tpu.memory_space<vmem>>, vector<16xf32>,
      } {sc.loop_unroll_factor = 4 : i64, sc.parallel_access}
      %mul3A_67 = arith.constant 8 : i32
      %mul3A_68 = arith.muli %add3A, %mul3A_67 : i32
      %add3A_69 = arith.constant 4 : i32
      %add3A_70 = arith.addi %mul3A_68, %add3A_69 : i32
      "tpu.region"() ({
        %run_scoped3A = tpu.sem_alloc : memref<!tpu.dma_semaphore, #tpu.memory_space<semaphore_mem>>
        %dma_start3A = arith.constant 0 : i32
        %dma_start3A_145 = tpu.memref_slice %arg3[%add3A_70, %dma_start3A] : memref<32x36864xf32, #tpu.memory_space<hbm>> -> memref<1x36864xf32, #tpu.memory_space<hbm>>
        %dma_start3A_146 = tpu.memref_squeeze %dma_start3A_145 : memref<1x36864xf32, #tpu.memory_space<hbm>> -> memref<36864xf32, #tpu.memory_space<hbm>>
        %dma_start3A_147 = arith.constant 0 : i32
        %dma_start3A_148 = tpu.memref_slice %arg3[%add3A_70, %dma_start3A_147] : memref<32x36864xf32, #tpu.memory_space<hbm>> -> memref<1x36864xf32, #tpu.memory_space<hbm>>
        %dma_start3A_149 = tpu.memref_squeeze %dma_start3A_148 : memref<1x36864xf32, #tpu.memory_space<hbm>> -> memref<36864xf32, #tpu.memory_space<hbm>>
        tpu.enqueue_dma source(%dma_start3A_149 : memref<36864xf32, #tpu.memory_space<hbm>>) target(%arg10 : memref<36864xf32, #tpu.memory_space<vmem>>) target_semaphore(%run_scoped3A : memref<!tpu.dma_semaphore, #tpu.memory_space<semaphore_mem>>)
        %dma_wait3A = arith.constant 0 : i32
        %dma_wait3A_150 = tpu.memref_slice %arg3[%add3A_70, %dma_wait3A] : memref<32x36864xf32, #tpu.memory_space<hbm>> -> memref<1x36864xf32, #tpu.memory_space<hbm>>
        %dma_wait3A_151 = tpu.memref_squeeze %dma_wait3A_150 : memref<1x36864xf32, #tpu.memory_space<hbm>> -> memref<36864xf32, #tpu.memory_space<hbm>>
        %dma_wait3A_152 = arith.constant 0 : i32
        %dma_wait3A_153 = tpu.memref_slice %arg3[%add3A_70, %dma_wait3A_152] : memref<32x36864xf32, #tpu.memory_space<hbm>> -> memref<1x36864xf32, #tpu.memory_space<hbm>>
        %dma_wait3A_154 = tpu.memref_squeeze %dma_wait3A_153 : memref<1x36864xf32, #tpu.memory_space<hbm>> -> memref<36864xf32, #tpu.memory_space<hbm>>
        tpu.wait_dma2 semaphore(%run_scoped3A : memref<!tpu.dma_semaphore, #tpu.memory_space<semaphore_mem>>) src(%dma_wait3A_154 : memref<36864xf32, #tpu.memory_space<hbm>>) dst(%arg10 : memref<36864xf32, #tpu.memory_space<vmem>>)
        tpu.yield
      }) : () -> ()
      %parallel_loop3A_71 = arith.constant 0 : i32
      %parallel_loop3A_72 = arith.constant 1 : i32
      scf.for %parallel_loop3A_145 = %parallel_loop3A_71 to %select_n3A step %parallel_loop3A_72  : i32 {
        %parallel_loop3A_146 = arith.constant 16 : i32
        %parallel_loop3A_147 = arith.muli %parallel_loop3A_145, %parallel_loop3A_146 : i32
        %parallel_loop3A_148 = arith.index_cast %parallel_loop3A_147 : i32 to index
        %parallel_loop3A_149 = tpu.vector_load %arg11[%parallel_loop3A_148] {strides = array<i32>} : memref<4096xi32, #tpu.memory_space<vmem>>, vector<16xi32>,
        %parallel_loop3A_150 = tpu.vector_load_idx %arg10[%parallel_loop3A_149] : memref<36864xf32, #tpu.memory_space<vmem>>[vector<16xi32>], vector<16xf32>,
        %parallel_loop3A_151 = arith.constant 16 : i32
        %parallel_loop3A_152 = arith.muli %parallel_loop3A_145, %parallel_loop3A_151 : i32
        %parallel_loop3A_153 = arith.constant 16384 : i32
        %parallel_loop3A_154 = arith.addi %parallel_loop3A_153, %parallel_loop3A_152 : i32
        %parallel_loop3A_155 = arith.index_cast %parallel_loop3A_154 : i32 to index
        %parallel_loop3A_156 = tpu.vector_load %arg12[%parallel_loop3A_155] {strides = array<i32>} : memref<32768xf32, #tpu.memory_space<vmem>>, vector<16xf32>,
        tpu.vector_store %arg12[%parallel_loop3A_155], %parallel_loop3A_150 {strides = array<i32>} : memref<32768xf32, #tpu.memory_space<vmem>>, vector<16xf32>,
      } {sc.loop_unroll_factor = 4 : i64, sc.parallel_access}
      %mul3A_73 = arith.constant 8 : i32
      %mul3A_74 = arith.muli %add3A, %mul3A_73 : i32
      %add3A_75 = arith.constant 5 : i32
      %add3A_76 = arith.addi %mul3A_74, %add3A_75 : i32
      "tpu.region"() ({
        %run_scoped3A = tpu.sem_alloc : memref<!tpu.dma_semaphore, #tpu.memory_space<semaphore_mem>>
        %dma_start3A = arith.constant 0 : i32
        %dma_start3A_145 = tpu.memref_slice %arg3[%add3A_76, %dma_start3A] : memref<32x36864xf32, #tpu.memory_space<hbm>> -> memref<1x36864xf32, #tpu.memory_space<hbm>>
        %dma_start3A_146 = tpu.memref_squeeze %dma_start3A_145 : memref<1x36864xf32, #tpu.memory_space<hbm>> -> memref<36864xf32, #tpu.memory_space<hbm>>
        %dma_start3A_147 = arith.constant 0 : i32
        %dma_start3A_148 = tpu.memref_slice %arg3[%add3A_76, %dma_start3A_147] : memref<32x36864xf32, #tpu.memory_space<hbm>> -> memref<1x36864xf32, #tpu.memory_space<hbm>>
        %dma_start3A_149 = tpu.memref_squeeze %dma_start3A_148 : memref<1x36864xf32, #tpu.memory_space<hbm>> -> memref<36864xf32, #tpu.memory_space<hbm>>
        tpu.enqueue_dma source(%dma_start3A_149 : memref<36864xf32, #tpu.memory_space<hbm>>) target(%arg10 : memref<36864xf32, #tpu.memory_space<vmem>>) target_semaphore(%run_scoped3A : memref<!tpu.dma_semaphore, #tpu.memory_space<semaphore_mem>>)
        %dma_wait3A = arith.constant 0 : i32
        %dma_wait3A_150 = tpu.memref_slice %arg3[%add3A_76, %dma_wait3A] : memref<32x36864xf32, #tpu.memory_space<hbm>> -> memref<1x36864xf32, #tpu.memory_space<hbm>>
        %dma_wait3A_151 = tpu.memref_squeeze %dma_wait3A_150 : memref<1x36864xf32, #tpu.memory_space<hbm>> -> memref<36864xf32, #tpu.memory_space<hbm>>
        %dma_wait3A_152 = arith.constant 0 : i32
        %dma_wait3A_153 = tpu.memref_slice %arg3[%add3A_76, %dma_wait3A_152] : memref<32x36864xf32, #tpu.memory_space<hbm>> -> memref<1x36864xf32, #tpu.memory_space<hbm>>
        %dma_wait3A_154 = tpu.memref_squeeze %dma_wait3A_153 : memref<1x36864xf32, #tpu.memory_space<hbm>> -> memref<36864xf32, #tpu.memory_space<hbm>>
        tpu.wait_dma2 semaphore(%run_scoped3A : memref<!tpu.dma_semaphore, #tpu.memory_space<semaphore_mem>>) src(%dma_wait3A_154 : memref<36864xf32, #tpu.memory_space<hbm>>) dst(%arg10 : memref<36864xf32, #tpu.memory_space<vmem>>)
        tpu.yield
      }) : () -> ()
      %parallel_loop3A_77 = arith.constant 0 : i32
      %parallel_loop3A_78 = arith.constant 1 : i32
      scf.for %parallel_loop3A_145 = %parallel_loop3A_77 to %select_n3A step %parallel_loop3A_78  : i32 {
        %parallel_loop3A_146 = arith.constant 16 : i32
        %parallel_loop3A_147 = arith.muli %parallel_loop3A_145, %parallel_loop3A_146 : i32
        %parallel_loop3A_148 = arith.index_cast %parallel_loop3A_147 : i32 to index
        %parallel_loop3A_149 = tpu.vector_load %arg11[%parallel_loop3A_148] {strides = array<i32>} : memref<4096xi32, #tpu.memory_space<vmem>>, vector<16xi32>,
        %parallel_loop3A_150 = tpu.vector_load_idx %arg10[%parallel_loop3A_149] : memref<36864xf32, #tpu.memory_space<vmem>>[vector<16xi32>], vector<16xf32>,
        %parallel_loop3A_151 = arith.constant 16 : i32
        %parallel_loop3A_152 = arith.muli %parallel_loop3A_145, %parallel_loop3A_151 : i32
        %parallel_loop3A_153 = arith.constant 20480 : i32
        %parallel_loop3A_154 = arith.addi %parallel_loop3A_153, %parallel_loop3A_152 : i32
        %parallel_loop3A_155 = arith.index_cast %parallel_loop3A_154 : i32 to index
        %parallel_loop3A_156 = tpu.vector_load %arg12[%parallel_loop3A_155] {strides = array<i32>} : memref<32768xf32, #tpu.memory_space<vmem>>, vector<16xf32>,
        tpu.vector_store %arg12[%parallel_loop3A_155], %parallel_loop3A_150 {strides = array<i32>} : memref<32768xf32, #tpu.memory_space<vmem>>, vector<16xf32>,
      } {sc.loop_unroll_factor = 4 : i64, sc.parallel_access}
      %mul3A_79 = arith.constant 8 : i32
      %mul3A_80 = arith.muli %add3A, %mul3A_79 : i32
      %add3A_81 = arith.constant 6 : i32
      %add3A_82 = arith.addi %mul3A_80, %add3A_81 : i32
      "tpu.region"() ({
        %run_scoped3A = tpu.sem_alloc : memref<!tpu.dma_semaphore, #tpu.memory_space<semaphore_mem>>
        %dma_start3A = arith.constant 0 : i32
        %dma_start3A_145 = tpu.memref_slice %arg3[%add3A_82, %dma_start3A] : memref<32x36864xf32, #tpu.memory_space<hbm>> -> memref<1x36864xf32, #tpu.memory_space<hbm>>
        %dma_start3A_146 = tpu.memref_squeeze %dma_start3A_145 : memref<1x36864xf32, #tpu.memory_space<hbm>> -> memref<36864xf32, #tpu.memory_space<hbm>>
        %dma_start3A_147 = arith.constant 0 : i32
        %dma_start3A_148 = tpu.memref_slice %arg3[%add3A_82, %dma_start3A_147] : memref<32x36864xf32, #tpu.memory_space<hbm>> -> memref<1x36864xf32, #tpu.memory_space<hbm>>
        %dma_start3A_149 = tpu.memref_squeeze %dma_start3A_148 : memref<1x36864xf32, #tpu.memory_space<hbm>> -> memref<36864xf32, #tpu.memory_space<hbm>>
        tpu.enqueue_dma source(%dma_start3A_149 : memref<36864xf32, #tpu.memory_space<hbm>>) target(%arg10 : memref<36864xf32, #tpu.memory_space<vmem>>) target_semaphore(%run_scoped3A : memref<!tpu.dma_semaphore, #tpu.memory_space<semaphore_mem>>)
        %dma_wait3A = arith.constant 0 : i32
        %dma_wait3A_150 = tpu.memref_slice %arg3[%add3A_82, %dma_wait3A] : memref<32x36864xf32, #tpu.memory_space<hbm>> -> memref<1x36864xf32, #tpu.memory_space<hbm>>
        %dma_wait3A_151 = tpu.memref_squeeze %dma_wait3A_150 : memref<1x36864xf32, #tpu.memory_space<hbm>> -> memref<36864xf32, #tpu.memory_space<hbm>>
        %dma_wait3A_152 = arith.constant 0 : i32
        %dma_wait3A_153 = tpu.memref_slice %arg3[%add3A_82, %dma_wait3A_152] : memref<32x36864xf32, #tpu.memory_space<hbm>> -> memref<1x36864xf32, #tpu.memory_space<hbm>>
        %dma_wait3A_154 = tpu.memref_squeeze %dma_wait3A_153 : memref<1x36864xf32, #tpu.memory_space<hbm>> -> memref<36864xf32, #tpu.memory_space<hbm>>
        tpu.wait_dma2 semaphore(%run_scoped3A : memref<!tpu.dma_semaphore, #tpu.memory_space<semaphore_mem>>) src(%dma_wait3A_154 : memref<36864xf32, #tpu.memory_space<hbm>>) dst(%arg10 : memref<36864xf32, #tpu.memory_space<vmem>>)
        tpu.yield
      }) : () -> ()
      %parallel_loop3A_83 = arith.constant 0 : i32
      %parallel_loop3A_84 = arith.constant 1 : i32
      scf.for %parallel_loop3A_145 = %parallel_loop3A_83 to %select_n3A step %parallel_loop3A_84  : i32 {
        %parallel_loop3A_146 = arith.constant 16 : i32
        %parallel_loop3A_147 = arith.muli %parallel_loop3A_145, %parallel_loop3A_146 : i32
        %parallel_loop3A_148 = arith.index_cast %parallel_loop3A_147 : i32 to index
        %parallel_loop3A_149 = tpu.vector_load %arg11[%parallel_loop3A_148] {strides = array<i32>} : memref<4096xi32, #tpu.memory_space<vmem>>, vector<16xi32>,
        %parallel_loop3A_150 = tpu.vector_load_idx %arg10[%parallel_loop3A_149] : memref<36864xf32, #tpu.memory_space<vmem>>[vector<16xi32>], vector<16xf32>,
        %parallel_loop3A_151 = arith.constant 16 : i32
        %parallel_loop3A_152 = arith.muli %parallel_loop3A_145, %parallel_loop3A_151 : i32
        %parallel_loop3A_153 = arith.constant 24576 : i32
        %parallel_loop3A_154 = arith.addi %parallel_loop3A_153, %parallel_loop3A_152 : i32
        %parallel_loop3A_155 = arith.index_cast %parallel_loop3A_154 : i32 to index
        %parallel_loop3A_156 = tpu.vector_load %arg12[%parallel_loop3A_155] {strides = array<i32>} : memref<32768xf32, #tpu.memory_space<vmem>>, vector<16xf32>,
        tpu.vector_store %arg12[%parallel_loop3A_155], %parallel_loop3A_150 {strides = array<i32>} : memref<32768xf32, #tpu.memory_space<vmem>>, vector<16xf32>,
      } {sc.loop_unroll_factor = 4 : i64, sc.parallel_access}
      %mul3A_85 = arith.constant 8 : i32
      %mul3A_86 = arith.muli %add3A, %mul3A_85 : i32
      %add3A_87 = arith.constant 7 : i32
      %add3A_88 = arith.addi %mul3A_86, %add3A_87 : i32
      "tpu.region"() ({
        %run_scoped3A = tpu.sem_alloc : memref<!tpu.dma_semaphore, #tpu.memory_space<semaphore_mem>>
        %dma_start3A = arith.constant 0 : i32
        %dma_start3A_145 = tpu.memref_slice %arg3[%add3A_88, %dma_start3A] : memref<32x36864xf32, #tpu.memory_space<hbm>> -> memref<1x36864xf32, #tpu.memory_space<hbm>>
        %dma_start3A_146 = tpu.memref_squeeze %dma_start3A_145 : memref<1x36864xf32, #tpu.memory_space<hbm>> -> memref<36864xf32, #tpu.memory_space<hbm>>
        %dma_start3A_147 = arith.constant 0 : i32
        %dma_start3A_148 = tpu.memref_slice %arg3[%add3A_88, %dma_start3A_147] : memref<32x36864xf32, #tpu.memory_space<hbm>> -> memref<1x36864xf32, #tpu.memory_space<hbm>>
        %dma_start3A_149 = tpu.memref_squeeze %dma_start3A_148 : memref<1x36864xf32, #tpu.memory_space<hbm>> -> memref<36864xf32, #tpu.memory_space<hbm>>
        tpu.enqueue_dma source(%dma_start3A_149 : memref<36864xf32, #tpu.memory_space<hbm>>) target(%arg10 : memref<36864xf32, #tpu.memory_space<vmem>>) target_semaphore(%run_scoped3A : memref<!tpu.dma_semaphore, #tpu.memory_space<semaphore_mem>>)
        %dma_wait3A = arith.constant 0 : i32
        %dma_wait3A_150 = tpu.memref_slice %arg3[%add3A_88, %dma_wait3A] : memref<32x36864xf32, #tpu.memory_space<hbm>> -> memref<1x36864xf32, #tpu.memory_space<hbm>>
        %dma_wait3A_151 = tpu.memref_squeeze %dma_wait3A_150 : memref<1x36864xf32, #tpu.memory_space<hbm>> -> memref<36864xf32, #tpu.memory_space<hbm>>
        %dma_wait3A_152 = arith.constant 0 : i32
        %dma_wait3A_153 = tpu.memref_slice %arg3[%add3A_88, %dma_wait3A_152] : memref<32x36864xf32, #tpu.memory_space<hbm>> -> memref<1x36864xf32, #tpu.memory_space<hbm>>
        %dma_wait3A_154 = tpu.memref_squeeze %dma_wait3A_153 : memref<1x36864xf32, #tpu.memory_space<hbm>> -> memref<36864xf32, #tpu.memory_space<hbm>>
        tpu.wait_dma2 semaphore(%run_scoped3A : memref<!tpu.dma_semaphore, #tpu.memory_space<semaphore_mem>>) src(%dma_wait3A_154 : memref<36864xf32, #tpu.memory_space<hbm>>) dst(%arg10 : memref<36864xf32, #tpu.memory_space<vmem>>)
        tpu.yield
      }) : () -> ()
      %parallel_loop3A_89 = arith.constant 0 : i32
      %parallel_loop3A_90 = arith.constant 1 : i32
      scf.for %parallel_loop3A_145 = %parallel_loop3A_89 to %select_n3A step %parallel_loop3A_90  : i32 {
        %parallel_loop3A_146 = arith.constant 16 : i32
        %parallel_loop3A_147 = arith.muli %parallel_loop3A_145, %parallel_loop3A_146 : i32
        %parallel_loop3A_148 = arith.index_cast %parallel_loop3A_147 : i32 to index
        %parallel_loop3A_149 = tpu.vector_load %arg11[%parallel_loop3A_148] {strides = array<i32>} : memref<4096xi32, #tpu.memory_space<vmem>>, vector<16xi32>,
        %parallel_loop3A_150 = tpu.vector_load_idx %arg10[%parallel_loop3A_149] : memref<36864xf32, #tpu.memory_space<vmem>>[vector<16xi32>], vector<16xf32>,
        %parallel_loop3A_151 = arith.constant 16 : i32
        %parallel_loop3A_152 = arith.muli %parallel_loop3A_145, %parallel_loop3A_151 : i32
        %parallel_loop3A_153 = arith.constant 28672 : i32
        %parallel_loop3A_154 = arith.addi %parallel_loop3A_153, %parallel_loop3A_152 : i32
        %parallel_loop3A_155 = arith.index_cast %parallel_loop3A_154 : i32 to index
        %parallel_loop3A_156 = tpu.vector_load %arg12[%parallel_loop3A_155] {strides = array<i32>} : memref<32768xf32, #tpu.memory_space<vmem>>, vector<16xf32>,
        tpu.vector_store %arg12[%parallel_loop3A_155], %parallel_loop3A_150 {strides = array<i32>} : memref<32768xf32, #tpu.memory_space<vmem>>, vector<16xf32>,
      } {sc.loop_unroll_factor = 4 : i64, sc.parallel_access}
      "tpu.region"() ({
        %run_scoped3A = tpu.sem_alloc : memref<!tpu.dma_semaphore, #tpu.memory_space<semaphore_mem>>
        %dma_start3A = arith.constant 0 : i32
        %dma_start3A_145 = tpu.memref_slice %arg4[%add3A, %dma_start3A] : memref<4x36864xf32, #tpu.memory_space<hbm>> -> memref<1x36864xf32, #tpu.memory_space<hbm>>
        %dma_start3A_146 = tpu.memref_squeeze %dma_start3A_145 : memref<1x36864xf32, #tpu.memory_space<hbm>> -> memref<36864xf32, #tpu.memory_space<hbm>>
        %dma_start3A_147 = arith.constant 0 : i32
        %dma_start3A_148 = tpu.memref_slice %arg4[%add3A, %dma_start3A_147] : memref<4x36864xf32, #tpu.memory_space<hbm>> -> memref<1x36864xf32, #tpu.memory_space<hbm>>
        %dma_start3A_149 = tpu.memref_squeeze %dma_start3A_148 : memref<1x36864xf32, #tpu.memory_space<hbm>> -> memref<36864xf32, #tpu.memory_space<hbm>>
        tpu.enqueue_dma source(%dma_start3A_149 : memref<36864xf32, #tpu.memory_space<hbm>>) target(%arg10 : memref<36864xf32, #tpu.memory_space<vmem>>) target_semaphore(%run_scoped3A : memref<!tpu.dma_semaphore, #tpu.memory_space<semaphore_mem>>)
        %dma_wait3A = arith.constant 0 : i32
        %dma_wait3A_150 = tpu.memref_slice %arg4[%add3A, %dma_wait3A] : memref<4x36864xf32, #tpu.memory_space<hbm>> -> memref<1x36864xf32, #tpu.memory_space<hbm>>
        %dma_wait3A_151 = tpu.memref_squeeze %dma_wait3A_150 : memref<1x36864xf32, #tpu.memory_space<hbm>> -> memref<36864xf32, #tpu.memory_space<hbm>>
        %dma_wait3A_152 = arith.constant 0 : i32
        %dma_wait3A_153 = tpu.memref_slice %arg4[%add3A, %dma_wait3A_152] : memref<4x36864xf32, #tpu.memory_space<hbm>> -> memref<1x36864xf32, #tpu.memory_space<hbm>>
        %dma_wait3A_154 = tpu.memref_squeeze %dma_wait3A_153 : memref<1x36864xf32, #tpu.memory_space<hbm>> -> memref<36864xf32, #tpu.memory_space<hbm>>
        tpu.wait_dma2 semaphore(%run_scoped3A : memref<!tpu.dma_semaphore, #tpu.memory_space<semaphore_mem>>) src(%dma_wait3A_154 : memref<36864xf32, #tpu.memory_space<hbm>>) dst(%arg10 : memref<36864xf32, #tpu.memory_space<vmem>>)
        tpu.yield
      }) : () -> ()
      %parallel_loop3A_91 = arith.constant 0 : i32
      %parallel_loop3A_92 = arith.constant 1 : i32
      scf.for %parallel_loop3A_145 = %parallel_loop3A_91 to %select_n3A step %parallel_loop3A_92  : i32 {
        %parallel_loop3A_146 = arith.constant 16 : i32
        %parallel_loop3A_147 = arith.muli %parallel_loop3A_145, %parallel_loop3A_146 : i32
        %parallel_loop3A_148 = arith.index_cast %parallel_loop3A_147 : i32 to index
        %parallel_loop3A_149 = tpu.vector_load %arg11[%parallel_loop3A_148] {strides = array<i32>} : memref<4096xi32, #tpu.memory_space<vmem>>, vector<16xi32>,
        %parallel_loop3A_150 = tpu.vector_load_idx %arg10[%parallel_loop3A_149] : memref<36864xf32, #tpu.memory_space<vmem>>[vector<16xi32>], vector<16xf32>,
        %parallel_loop3A_151 = arith.constant 0.000000e+00 : f32
        %parallel_loop3A_152 = vector.broadcast %parallel_loop3A_151 : f32 to vector<16xf32>
        %parallel_loop3A_153 = arith.subf %parallel_loop3A_152, %parallel_loop3A_150 : vector<16xf32>
        %parallel_loop3A_154 = math.exp %parallel_loop3A_153 : vector<16xf32>
        %parallel_loop3A_155 = arith.constant 1.000000e+00 : f32
        %parallel_loop3A_156 = vector.broadcast %parallel_loop3A_155 : f32 to vector<16xf32>
        %parallel_loop3A_157 = arith.addf %parallel_loop3A_156, %parallel_loop3A_154 : vector<16xf32>
        %parallel_loop3A_158 = arith.constant 1.000000e+00 : f32
        %parallel_loop3A_159 = vector.broadcast %parallel_loop3A_158 : f32 to vector<16xf32>
        %parallel_loop3A_160 = arith.divf %parallel_loop3A_159, %parallel_loop3A_157 : vector<16xf32>
        %parallel_loop3A_161 = arith.constant 255 : i32
        %parallel_loop3A_162 = vector.broadcast %parallel_loop3A_161 : i32 to vector<16xi32>
        %parallel_loop3A_163 = arith.andi %parallel_loop3A_149, %parallel_loop3A_162 : vector<16xi32>
        %parallel_loop3A_164 = arith.sitofp %parallel_loop3A_163 : vector<16xi32> to vector<16xf32>
        %parallel_loop3A_165 = arith.addf %parallel_loop3A_164, %parallel_loop3A_160 : vector<16xf32>
        %parallel_loop3A_166 = arith.constant 16 : i32
        %parallel_loop3A_167 = arith.muli %parallel_loop3A_145, %parallel_loop3A_166 : i32
        %parallel_loop3A_168 = arith.index_cast %parallel_loop3A_167 : i32 to index
        %parallel_loop3A_169 = tpu.vector_load %arg16[%parallel_loop3A_168] {strides = array<i32>} : memref<4096xf32, #tpu.memory_space<vmem>>, vector<16xf32>,
        tpu.vector_store %arg16[%parallel_loop3A_168], %parallel_loop3A_165 {strides = array<i32>} : memref<4096xf32, #tpu.memory_space<vmem>>, vector<16xf32>,
      } {sc.loop_unroll_factor = 4 : i64, sc.parallel_access}
      "tpu.region"() ({
        %run_scoped3A = tpu.sem_alloc : memref<!tpu.dma_semaphore, #tpu.memory_space<semaphore_mem>>
        %dma_start3A = arith.constant 0 : i32
        %dma_start3A_145 = tpu.memref_slice %arg5[%add3A, %dma_start3A] : memref<4x36864xf32, #tpu.memory_space<hbm>> -> memref<1x36864xf32, #tpu.memory_space<hbm>>
        %dma_start3A_146 = tpu.memref_squeeze %dma_start3A_145 : memref<1x36864xf32, #tpu.memory_space<hbm>> -> memref<36864xf32, #tpu.memory_space<hbm>>
        %dma_start3A_147 = arith.constant 0 : i32
        %dma_start3A_148 = tpu.memref_slice %arg5[%add3A, %dma_start3A_147] : memref<4x36864xf32, #tpu.memory_space<hbm>> -> memref<1x36864xf32, #tpu.memory_space<hbm>>
        %dma_start3A_149 = tpu.memref_squeeze %dma_start3A_148 : memref<1x36864xf32, #tpu.memory_space<hbm>> -> memref<36864xf32, #tpu.memory_space<hbm>>
        tpu.enqueue_dma source(%dma_start3A_149 : memref<36864xf32, #tpu.memory_space<hbm>>) target(%arg10 : memref<36864xf32, #tpu.memory_space<vmem>>) target_semaphore(%run_scoped3A : memref<!tpu.dma_semaphore, #tpu.memory_space<semaphore_mem>>)
        %dma_wait3A = arith.constant 0 : i32
        %dma_wait3A_150 = tpu.memref_slice %arg5[%add3A, %dma_wait3A] : memref<4x36864xf32, #tpu.memory_space<hbm>> -> memref<1x36864xf32, #tpu.memory_space<hbm>>
        %dma_wait3A_151 = tpu.memref_squeeze %dma_wait3A_150 : memref<1x36864xf32, #tpu.memory_space<hbm>> -> memref<36864xf32, #tpu.memory_space<hbm>>
        %dma_wait3A_152 = arith.constant 0 : i32
        %dma_wait3A_153 = tpu.memref_slice %arg5[%add3A, %dma_wait3A_152] : memref<4x36864xf32, #tpu.memory_space<hbm>> -> memref<1x36864xf32, #tpu.memory_space<hbm>>
        %dma_wait3A_154 = tpu.memref_squeeze %dma_wait3A_153 : memref<1x36864xf32, #tpu.memory_space<hbm>> -> memref<36864xf32, #tpu.memory_space<hbm>>
        tpu.wait_dma2 semaphore(%run_scoped3A : memref<!tpu.dma_semaphore, #tpu.memory_space<semaphore_mem>>) src(%dma_wait3A_154 : memref<36864xf32, #tpu.memory_space<hbm>>) dst(%arg10 : memref<36864xf32, #tpu.memory_space<vmem>>)
        tpu.yield
      }) : () -> ()
      %parallel_loop3A_93 = arith.constant 0 : i32
      %parallel_loop3A_94 = arith.constant 1 : i32
      scf.for %parallel_loop3A_145 = %parallel_loop3A_93 to %select_n3A step %parallel_loop3A_94  : i32 {
        %parallel_loop3A_146 = arith.constant 16 : i32
        %parallel_loop3A_147 = arith.muli %parallel_loop3A_145, %parallel_loop3A_146 : i32
        %parallel_loop3A_148 = arith.index_cast %parallel_loop3A_147 : i32 to index
        %parallel_loop3A_149 = tpu.vector_load %arg11[%parallel_loop3A_148] {strides = array<i32>} : memref<4096xi32, #tpu.memory_space<vmem>>, vector<16xi32>,
        %parallel_loop3A_150 = tpu.vector_load_idx %arg10[%parallel_loop3A_149] : memref<36864xf32, #tpu.memory_space<vmem>>[vector<16xi32>], vector<16xf32>,
        %parallel_loop3A_151 = arith.constant 16 : i32
        %parallel_loop3A_152 = arith.muli %parallel_loop3A_145, %parallel_loop3A_151 : i32
        %parallel_loop3A_153 = arith.index_cast %parallel_loop3A_152 : i32 to index
        %parallel_loop3A_154 = tpu.vector_load %arg17[%parallel_loop3A_153] {strides = array<i32>} : memref<4096xf32, #tpu.memory_space<vmem>>, vector<16xf32>,
        tpu.vector_store %arg17[%parallel_loop3A_153], %parallel_loop3A_150 {strides = array<i32>} : memref<4096xf32, #tpu.memory_space<vmem>>, vector<16xf32>,
      } {sc.loop_unroll_factor = 4 : i64, sc.parallel_access}
      %lt3A_95 = arith.constant 8 : i32
      %lt3A_96 = vector.broadcast %lt3A_95 : i32 to vector<16xi32>
      %lt3A_97 = arith.cmpi slt, %iota3A, %lt3A_96 : vector<16xi32>
      %eq3A = arith.constant 0 : i32
      %eq3A_98 = vector.broadcast %eq3A : i32 to vector<16xi32>
      %eq3A_99 = arith.cmpi eq, %iota3A, %eq3A_98 : vector<16xi32>
      %broadcast_in_dim3A_100 = arith.constant 1 : i32
      %broadcast_in_dim3A_101 = vector.broadcast %broadcast_in_dim3A_100 : i32 to vector<16xi32>
      %while3A = arith.constant 0 : i32
      %while3A_102 = arith.constant 0 : i32
      %while3A_103 = arith.subi %min3A_24, %while3A : i32
      %while3A_104 = arith.addi %while3A, %while3A_103 : i32
      %while3A_105 = arith.constant 1 : i32
      %while3A_106 = arith.divsi %while3A_103, %while3A_105 : i32
      %while3A_107 = arith.muli %while3A_106, %while3A_105 : i32
      %while3A_108 = arith.addi %while3A, %while3A_107 : i32
      %while3A_109 = arith.constant 1 : i32
      %while3A_110 = scf.for %while3A_145 = %while3A to %while3A_108 step %while3A_109 iter_args(%while3A_146 = %while3A_102) -> (i32)  : i32 {
        %broadcast_in_dim3A_147 = vector.broadcast %while3A_145 : i32 to vector<16xi32>
        %mul3A_148 = arith.constant 4096 : i32
        %mul3A_149 = vector.broadcast %mul3A_148 : i32 to vector<16xi32>
        %mul3A_150 = arith.muli %iota3A, %mul3A_149 : vector<16xi32>
        %add3A_151 = arith.addi %mul3A_150, %broadcast_in_dim3A_147 : vector<16xi32>
        %gather3A = tpu.vector_load_idx %arg12[%add3A_151] masked %lt3A_97 : memref<32768xf32, #tpu.memory_space<vmem>>[vector<16xi32>], vector<16xf32>, vector<16xi1>
        %broadcast_in_dim3A_152 = arith.constant 0 : i32
        %broadcast_in_dim3A_153 = vector.broadcast %broadcast_in_dim3A_152 : i32 to vector<16xi32>
        %add3A_154 = arith.addi %broadcast_in_dim3A_153, %broadcast_in_dim3A_147 : vector<16xi32>
        %gather3A_155 = tpu.vector_load_idx %arg12[%add3A_154] : memref<32768xf32, #tpu.memory_space<vmem>>[vector<16xi32>], vector<16xf32>,
        %broadcast_in_dim3A_156 = arith.constant 4096 : i32
        %broadcast_in_dim3A_157 = vector.broadcast %broadcast_in_dim3A_156 : i32 to vector<16xi32>
        %add3A_158 = arith.addi %broadcast_in_dim3A_157, %broadcast_in_dim3A_147 : vector<16xi32>
        %gather3A_159 = tpu.vector_load_idx %arg12[%add3A_158] : memref<32768xf32, #tpu.memory_space<vmem>>[vector<16xi32>], vector<16xf32>,
        %broadcast_in_dim3A_160 = arith.constant 8192 : i32
        %broadcast_in_dim3A_161 = vector.broadcast %broadcast_in_dim3A_160 : i32 to vector<16xi32>
        %add3A_162 = arith.addi %broadcast_in_dim3A_161, %broadcast_in_dim3A_147 : vector<16xi32>
        %gather3A_163 = tpu.vector_load_idx %arg12[%add3A_162] : memref<32768xf32, #tpu.memory_space<vmem>>[vector<16xi32>], vector<16xf32>,
        %broadcast_in_dim3A_164 = arith.constant 12288 : i32
        %broadcast_in_dim3A_165 = vector.broadcast %broadcast_in_dim3A_164 : i32 to vector<16xi32>
        %add3A_166 = arith.addi %broadcast_in_dim3A_165, %broadcast_in_dim3A_147 : vector<16xi32>
        %gather3A_167 = tpu.vector_load_idx %arg12[%add3A_166] : memref<32768xf32, #tpu.memory_space<vmem>>[vector<16xi32>], vector<16xf32>,
        %broadcast_in_dim3A_168 = arith.constant 16384 : i32
        %broadcast_in_dim3A_169 = vector.broadcast %broadcast_in_dim3A_168 : i32 to vector<16xi32>
        %add3A_170 = arith.addi %broadcast_in_dim3A_169, %broadcast_in_dim3A_147 : vector<16xi32>
        %gather3A_171 = tpu.vector_load_idx %arg12[%add3A_170] : memref<32768xf32, #tpu.memory_space<vmem>>[vector<16xi32>], vector<16xf32>,
        %broadcast_in_dim3A_172 = arith.constant 20480 : i32
        %broadcast_in_dim3A_173 = vector.broadcast %broadcast_in_dim3A_172 : i32 to vector<16xi32>
        %add3A_174 = arith.addi %broadcast_in_dim3A_173, %broadcast_in_dim3A_147 : vector<16xi32>
        %gather3A_175 = tpu.vector_load_idx %arg12[%add3A_174] : memref<32768xf32, #tpu.memory_space<vmem>>[vector<16xi32>], vector<16xf32>,
        %broadcast_in_dim3A_176 = arith.constant 24576 : i32
        %broadcast_in_dim3A_177 = vector.broadcast %broadcast_in_dim3A_176 : i32 to vector<16xi32>
        %add3A_178 = arith.addi %broadcast_in_dim3A_177, %broadcast_in_dim3A_147 : vector<16xi32>
        %gather3A_179 = tpu.vector_load_idx %arg12[%add3A_178] : memref<32768xf32, #tpu.memory_space<vmem>>[vector<16xi32>], vector<16xf32>,
        %broadcast_in_dim3A_180 = arith.constant 28672 : i32
        %broadcast_in_dim3A_181 = vector.broadcast %broadcast_in_dim3A_180 : i32 to vector<16xi32>
        %add3A_182 = arith.addi %broadcast_in_dim3A_181, %broadcast_in_dim3A_147 : vector<16xi32>
        %gather3A_183 = tpu.vector_load_idx %arg12[%add3A_182] : memref<32768xf32, #tpu.memory_space<vmem>>[vector<16xi32>], vector<16xf32>,
        %add3A_184 = arith.constant 15 : i32
        %add3A_185 = arith.addi %while3A_146, %add3A_184 : i32
        %jit3A_186 = arith.constant 16 : i32
        %div3A_187 = arith.divsi %add3A_185, %jit3A_186 : i32
        %sign3A_188 = arith.constant 0 : i32
        %sign3A_189 = arith.cmpi sgt, %add3A_185, %sign3A_188 : i32
        %sign3A_190 = arith.extui %sign3A_189 : i1 to i32
        %sign3A_191 = arith.constant 0 : i32
        %sign3A_192 = arith.cmpi slt, %add3A_185, %sign3A_191 : i32
        %sign3A_193 = arith.extui %sign3A_192 : i1 to i32
        %sign3A_194 = arith.subi %sign3A_190, %sign3A_193 : i32
        %sign3A_195 = arith.constant 0 : i32
        %sign3A_196 = arith.cmpi sgt, %jit3A_186, %sign3A_195 : i32
        %sign3A_197 = arith.extui %sign3A_196 : i1 to i32
        %sign3A_198 = arith.constant 0 : i32
        %sign3A_199 = arith.cmpi slt, %jit3A_186, %sign3A_198 : i32
        %sign3A_200 = arith.extui %sign3A_199 : i1 to i32
        %sign3A_201 = arith.subi %sign3A_197, %sign3A_200 : i32
        %ne3A_202 = arith.cmpi ne, %sign3A_194, %sign3A_201 : i32
        %rem3A_203 = arith.remsi %add3A_185, %jit3A_186 : i32
        %ne3A_204 = arith.constant 0 : i32
        %ne3A_205 = arith.cmpi ne, %rem3A_203, %ne3A_204 : i32
        %and3A_206 = arith.andi %ne3A_202, %ne3A_205 : i1
        %sub3A_207 = arith.constant 1 : i32
        %sub3A_208 = arith.subi %div3A_187, %sub3A_207 : i32
        %select_n3A_209 = arith.select %and3A_206, %sub3A_208, %div3A_187 : i32
        %broadcast_in_dim3A_210 = arith.constant 0x7F800000 : f32
        %broadcast_in_dim3A_211 = vector.broadcast %broadcast_in_dim3A_210 : f32 to vector<16xf32>
        %broadcast_in_dim3A_212 = arith.constant 36864 : i32
        %broadcast_in_dim3A_213 = vector.broadcast %broadcast_in_dim3A_212 : i32 to vector<16xi32>
        %while3A_214 = arith.constant 0 : i32
        %while3A_215 = arith.subi %select_n3A_209, %while3A_214 : i32
        %while3A_216 = arith.addi %while3A_214, %while3A_215 : i32
        %while3A_217 = arith.constant 1 : i32
        %while3A_218 = arith.divsi %while3A_215, %while3A_217 : i32
        %while3A_219 = arith.muli %while3A_218, %while3A_217 : i32
        %while3A_220 = arith.addi %while3A_214, %while3A_219 : i32
        %while3A_221 = arith.constant 1 : i32
        %while3A_222:2 = scf.for %while3A_261 = %while3A_214 to %while3A_220 step %while3A_221 iter_args(%while3A_262 = %broadcast_in_dim3A_211, %while3A_263 = %broadcast_in_dim3A_213) -> (vector<16xf32>, vector<16xi32>)  : i32 {
          %mul3A_264 = arith.constant 16 : i32
          %mul3A_265 = arith.muli %while3A_261, %mul3A_264 : i32
          %add3A_266 = arith.constant 0 : i32
          %add3A_267 = arith.addi %add3A_266, %mul3A_265 : i32
          %get3A = arith.index_cast %add3A_267 : i32 to index
          %get3A_268 = tpu.vector_load %arg13[%get3A] {strides = array<i32>} : memref<8192xf32, #tpu.memory_space<vmem>>, vector<16xf32>,
          %sub3A_269 = arith.subf %get3A_268, %gather3A_155 : vector<16xf32>
          %mul3A_270 = arith.mulf %sub3A_269, %sub3A_269 : vector<16xf32>
          %add3A_271 = arith.constant 1024 : i32
          %add3A_272 = arith.addi %add3A_271, %mul3A_265 : i32
          %get3A_273 = arith.index_cast %add3A_272 : i32 to index
          %get3A_274 = tpu.vector_load %arg13[%get3A_273] {strides = array<i32>} : memref<8192xf32, #tpu.memory_space<vmem>>, vector<16xf32>,
          %sub3A_275 = arith.subf %get3A_274, %gather3A_159 : vector<16xf32>
          %mul3A_276 = arith.mulf %sub3A_275, %sub3A_275 : vector<16xf32>
          %add3A_277 = arith.constant 2048 : i32
          %add3A_278 = arith.addi %add3A_277, %mul3A_265 : i32
          %get3A_279 = arith.index_cast %add3A_278 : i32 to index
          %get3A_280 = tpu.vector_load %arg13[%get3A_279] {strides = array<i32>} : memref<8192xf32, #tpu.memory_space<vmem>>, vector<16xf32>,
          %sub3A_281 = arith.subf %get3A_280, %gather3A_163 : vector<16xf32>
          %mul3A_282 = arith.mulf %sub3A_281, %sub3A_281 : vector<16xf32>
          %add3A_283 = arith.constant 3072 : i32
          %add3A_284 = arith.addi %add3A_283, %mul3A_265 : i32
          %get3A_285 = arith.index_cast %add3A_284 : i32 to index
          %get3A_286 = tpu.vector_load %arg13[%get3A_285] {strides = array<i32>} : memref<8192xf32, #tpu.memory_space<vmem>>, vector<16xf32>,
          %sub3A_287 = arith.subf %get3A_286, %gather3A_167 : vector<16xf32>
          %mul3A_288 = arith.mulf %sub3A_287, %sub3A_287 : vector<16xf32>
          %add3A_289 = arith.constant 4096 : i32
          %add3A_290 = arith.addi %add3A_289, %mul3A_265 : i32
          %get3A_291 = arith.index_cast %add3A_290 : i32 to index
          %get3A_292 = tpu.vector_load %arg13[%get3A_291] {strides = array<i32>} : memref<8192xf32, #tpu.memory_space<vmem>>, vector<16xf32>,
          %sub3A_293 = arith.subf %get3A_292, %gather3A_171 : vector<16xf32>
          %mul3A_294 = arith.mulf %sub3A_293, %sub3A_293 : vector<16xf32>
          %add3A_295 = arith.constant 5120 : i32
          %add3A_296 = arith.addi %add3A_295, %mul3A_265 : i32
          %get3A_297 = arith.index_cast %add3A_296 : i32 to index
          %get3A_298 = tpu.vector_load %arg13[%get3A_297] {strides = array<i32>} : memref<8192xf32, #tpu.memory_space<vmem>>, vector<16xf32>,
          %sub3A_299 = arith.subf %get3A_298, %gather3A_175 : vector<16xf32>
          %mul3A_300 = arith.mulf %sub3A_299, %sub3A_299 : vector<16xf32>
          %add3A_301 = arith.constant 6144 : i32
          %add3A_302 = arith.addi %add3A_301, %mul3A_265 : i32
          %get3A_303 = arith.index_cast %add3A_302 : i32 to index
          %get3A_304 = tpu.vector_load %arg13[%get3A_303] {strides = array<i32>} : memref<8192xf32, #tpu.memory_space<vmem>>, vector<16xf32>,
          %sub3A_305 = arith.subf %get3A_304, %gather3A_179 : vector<16xf32>
          %mul3A_306 = arith.mulf %sub3A_305, %sub3A_305 : vector<16xf32>
          %add3A_307 = arith.constant 7168 : i32
          %add3A_308 = arith.addi %add3A_307, %mul3A_265 : i32
          %get3A_309 = arith.index_cast %add3A_308 : i32 to index
          %get3A_310 = tpu.vector_load %arg13[%get3A_309] {strides = array<i32>} : memref<8192xf32, #tpu.memory_space<vmem>>, vector<16xf32>,
          %sub3A_311 = arith.subf %get3A_310, %gather3A_183 : vector<16xf32>
          %mul3A_312 = arith.mulf %sub3A_311, %sub3A_311 : vector<16xf32>
          %add3A_313 = arith.addf %mul3A_270, %mul3A_276 : vector<16xf32>
          %add3A_314 = arith.addf %mul3A_282, %mul3A_288 : vector<16xf32>
          %add3A_315 = arith.addf %add3A_313, %add3A_314 : vector<16xf32>
          %add3A_316 = arith.addf %mul3A_294, %mul3A_300 : vector<16xf32>
          %add3A_317 = arith.addf %mul3A_306, %mul3A_312 : vector<16xf32>
          %add3A_318 = arith.addf %add3A_316, %add3A_317 : vector<16xf32>
          %add3A_319 = arith.addf %add3A_315, %add3A_318 : vector<16xf32>
          %iota3A_320 = tpu.iota {dimensions = array<i32: 0>} : vector<16xi32>
          %add3A_321 = vector.broadcast %mul3A_265 : i32 to vector<16xi32>
          %add3A_322 = arith.addi %iota3A_320, %add3A_321 : vector<16xi32>
          %lt3A_323 = vector.broadcast %while3A_146 : i32 to vector<16xi32>
          %lt3A_324 = arith.cmpi slt, %add3A_322, %lt3A_323 : vector<16xi32>
          %jit3A_325 = arith.constant 0x7F800000 : f32
          %broadcast_in_dim3A_326 = vector.broadcast %jit3A_325 : f32 to vector<16xf32>
          %select_n3A_327 = arith.select %lt3A_324, %add3A_319, %broadcast_in_dim3A_326 : vector<16xi1>, vector<16xf32>
          %lt3A_328 = arith.cmpf olt, %select_n3A_327, %while3A_262 : vector<16xf32>
          %select_n3A_329 = arith.select %lt3A_328, %select_n3A_327, %while3A_262 : vector<16xi1>, vector<16xf32>
          %select_n3A_330 = arith.select %lt3A_328, %add3A_322, %while3A_263 : vector<16xi1>, vector<16xi32>
          scf.yield %select_n3A_329, %select_n3A_330 : vector<16xf32>, vector<16xi32>
        }
        %while3A_223 = arith.constant 1 : i32
        %while3A_224:2 = scf.for %while3A_261 = %while3A_220 to %while3A_216 step %while3A_223 iter_args(%while3A_262 = %while3A_222#0, %while3A_263 = %while3A_222#1) -> (vector<16xf32>, vector<16xi32>)  : i32 {
          %mul3A_264 = arith.constant 16 : i32
          %mul3A_265 = arith.muli %while3A_261, %mul3A_264 : i32
          %add3A_266 = arith.constant 0 : i32
          %add3A_267 = arith.addi %add3A_266, %mul3A_265 : i32
          %get3A = arith.index_cast %add3A_267 : i32 to index
          %get3A_268 = tpu.vector_load %arg13[%get3A] {strides = array<i32>} : memref<8192xf32, #tpu.memory_space<vmem>>, vector<16xf32>,
          %sub3A_269 = arith.subf %get3A_268, %gather3A_155 : vector<16xf32>
          %mul3A_270 = arith.mulf %sub3A_269, %sub3A_269 : vector<16xf32>
          %add3A_271 = arith.constant 1024 : i32
          %add3A_272 = arith.addi %add3A_271, %mul3A_265 : i32
          %get3A_273 = arith.index_cast %add3A_272 : i32 to index
          %get3A_274 = tpu.vector_load %arg13[%get3A_273] {strides = array<i32>} : memref<8192xf32, #tpu.memory_space<vmem>>, vector<16xf32>,
          %sub3A_275 = arith.subf %get3A_274, %gather3A_159 : vector<16xf32>
          %mul3A_276 = arith.mulf %sub3A_275, %sub3A_275 : vector<16xf32>
          %add3A_277 = arith.constant 2048 : i32
          %add3A_278 = arith.addi %add3A_277, %mul3A_265 : i32
          %get3A_279 = arith.index_cast %add3A_278 : i32 to index
          %get3A_280 = tpu.vector_load %arg13[%get3A_279] {strides = array<i32>} : memref<8192xf32, #tpu.memory_space<vmem>>, vector<16xf32>,
          %sub3A_281 = arith.subf %get3A_280, %gather3A_163 : vector<16xf32>
          %mul3A_282 = arith.mulf %sub3A_281, %sub3A_281 : vector<16xf32>
          %add3A_283 = arith.constant 3072 : i32
          %add3A_284 = arith.addi %add3A_283, %mul3A_265 : i32
          %get3A_285 = arith.index_cast %add3A_284 : i32 to index
          %get3A_286 = tpu.vector_load %arg13[%get3A_285] {strides = array<i32>} : memref<8192xf32, #tpu.memory_space<vmem>>, vector<16xf32>,
          %sub3A_287 = arith.subf %get3A_286, %gather3A_167 : vector<16xf32>
          %mul3A_288 = arith.mulf %sub3A_287, %sub3A_287 : vector<16xf32>
          %add3A_289 = arith.constant 4096 : i32
          %add3A_290 = arith.addi %add3A_289, %mul3A_265 : i32
          %get3A_291 = arith.index_cast %add3A_290 : i32 to index
          %get3A_292 = tpu.vector_load %arg13[%get3A_291] {strides = array<i32>} : memref<8192xf32, #tpu.memory_space<vmem>>, vector<16xf32>,
          %sub3A_293 = arith.subf %get3A_292, %gather3A_171 : vector<16xf32>
          %mul3A_294 = arith.mulf %sub3A_293, %sub3A_293 : vector<16xf32>
          %add3A_295 = arith.constant 5120 : i32
          %add3A_296 = arith.addi %add3A_295, %mul3A_265 : i32
          %get3A_297 = arith.index_cast %add3A_296 : i32 to index
          %get3A_298 = tpu.vector_load %arg13[%get3A_297] {strides = array<i32>} : memref<8192xf32, #tpu.memory_space<vmem>>, vector<16xf32>,
          %sub3A_299 = arith.subf %get3A_298, %gather3A_175 : vector<16xf32>
          %mul3A_300 = arith.mulf %sub3A_299, %sub3A_299 : vector<16xf32>
          %add3A_301 = arith.constant 6144 : i32
          %add3A_302 = arith.addi %add3A_301, %mul3A_265 : i32
          %get3A_303 = arith.index_cast %add3A_302 : i32 to index
          %get3A_304 = tpu.vector_load %arg13[%get3A_303] {strides = array<i32>} : memref<8192xf32, #tpu.memory_space<vmem>>, vector<16xf32>,
          %sub3A_305 = arith.subf %get3A_304, %gather3A_179 : vector<16xf32>
          %mul3A_306 = arith.mulf %sub3A_305, %sub3A_305 : vector<16xf32>
          %add3A_307 = arith.constant 7168 : i32
          %add3A_308 = arith.addi %add3A_307, %mul3A_265 : i32
          %get3A_309 = arith.index_cast %add3A_308 : i32 to index
          %get3A_310 = tpu.vector_load %arg13[%get3A_309] {strides = array<i32>} : memref<8192xf32, #tpu.memory_space<vmem>>, vector<16xf32>,
          %sub3A_311 = arith.subf %get3A_310, %gather3A_183 : vector<16xf32>
          %mul3A_312 = arith.mulf %sub3A_311, %sub3A_311 : vector<16xf32>
          %add3A_313 = arith.addf %mul3A_270, %mul3A_276 : vector<16xf32>
          %add3A_314 = arith.addf %mul3A_282, %mul3A_288 : vector<16xf32>
          %add3A_315 = arith.addf %add3A_313, %add3A_314 : vector<16xf32>
          %add3A_316 = arith.addf %mul3A_294, %mul3A_300 : vector<16xf32>
          %add3A_317 = arith.addf %mul3A_306, %mul3A_312 : vector<16xf32>
          %add3A_318 = arith.addf %add3A_316, %add3A_317 : vector<16xf32>
          %add3A_319 = arith.addf %add3A_315, %add3A_318 : vector<16xf32>
          %iota3A_320 = tpu.iota {dimensions = array<i32: 0>} : vector<16xi32>
          %add3A_321 = vector.broadcast %mul3A_265 : i32 to vector<16xi32>
          %add3A_322 = arith.addi %iota3A_320, %add3A_321 : vector<16xi32>
          %lt3A_323 = vector.broadcast %while3A_146 : i32 to vector<16xi32>
          %lt3A_324 = arith.cmpi slt, %add3A_322, %lt3A_323 : vector<16xi32>
          %jit3A_325 = arith.constant 0x7F800000 : f32
          %broadcast_in_dim3A_326 = vector.broadcast %jit3A_325 : f32 to vector<16xf32>
          %select_n3A_327 = arith.select %lt3A_324, %add3A_319, %broadcast_in_dim3A_326 : vector<16xi1>, vector<16xf32>
          %lt3A_328 = arith.cmpf olt, %select_n3A_327, %while3A_262 : vector<16xf32>
          %select_n3A_329 = arith.select %lt3A_328, %select_n3A_327, %while3A_262 : vector<16xi1>, vector<16xf32>
          %select_n3A_330 = arith.select %lt3A_328, %add3A_322, %while3A_263 : vector<16xi1>, vector<16xi32>
          scf.yield %select_n3A_329, %select_n3A_330 : vector<16xf32>, vector<16xi32>
        }
        %reduce_min3A = arith.constant true
        %reduce_min3A_225 = vector.broadcast %reduce_min3A : i1 to vector<16xi1>
        %reduce_min3A_226 = tpu.scan <min>, %while3A_224#0 masked %reduce_min3A_225 : vector<16xf32>, vector<16xi1> -> vector<16xf32>
        %reduce_min3A_227 = vector.extract %reduce_min3A_226[15] : f32 from vector<16xf32>
        %gt3A = arith.constant 0 : i32
        %gt3A_228 = arith.cmpi sgt, %while3A_146, %gt3A : i32
        %lt3A_229 = arith.constant 2.500000e+01 : f32
        %lt3A_230 = arith.cmpf olt, %reduce_min3A_227, %lt3A_229 : f32
        %and3A_231 = arith.andi %gt3A_228, %lt3A_230 : i1
        %eq3A_232 = vector.broadcast %reduce_min3A_227 : f32 to vector<16xf32>
        %eq3A_233 = arith.cmpf oeq, %while3A_224#0, %eq3A_232 : vector<16xf32>
        %le3A = arith.constant 1 : i32
        %le3A_234 = arith.cmpi sle, %select_n3A_209, %le3A : i32
        %convert_element_type3A_235 = arith.extui %le3A_234 : i1 to i32
        %cond3A_236 = arith.constant 0 : i32
        %cond3A_237 = arith.cmpi ne, %convert_element_type3A_235, %cond3A_236 : i32
        %cond3A_238 = scf.if %cond3A_237 -> (vector<16xi32>) {
          %all_reduce_ffs3A = tpu.all_reduce %eq3A_233 {dim = 0 : i64, kind = #tpu.reduction_kind<find_first_set>} : vector<16xi1> -> vector<16xi32>
          %min3A_261 = arith.constant 15 : i32
          %min3A_262 = vector.broadcast %min3A_261 : i32 to vector<16xi32>
          %min3A_263 = arith.minsi %all_reduce_ffs3A, %min3A_262 : vector<16xi32>
          %broadcast_in_dim3A_264 = vector.shape_cast %min3A_263 : vector<16xi32> to vector<16x1xi32>
          %gather3A_265 = vector.shape_cast %broadcast_in_dim3A_264 : vector<16x1xi32> to vector<16xi32>
          %gather3A_266 = tpu.dynamic_gather %while3A_224#1[%gather3A_265] in [0] : vector<16xi32>, vector<16xi32> -> vector<16xi32>
          scf.yield %gather3A_266 : vector<16xi32>
        } else {
          %jit3A_261 = arith.constant 36864 : i32
          %broadcast_in_dim3A_262 = vector.broadcast %jit3A_261 : i32 to vector<16xi32>
          %select_n3A_263 = arith.select %eq3A_233, %while3A_224#1, %broadcast_in_dim3A_262 : vector<16xi1>, vector<16xi32>
          %reduce_min3A_264 = arith.constant true
          %reduce_min3A_265 = vector.broadcast %reduce_min3A_264 : i1 to vector<16xi1>
          %reduce_min3A_266 = arith.constant -2147483648 : i32
          %reduce_min3A_267 = vector.broadcast %reduce_min3A_266 : i32 to vector<16xi32>
          %reduce_min3A_268 = arith.xori %select_n3A_263, %reduce_min3A_267 : vector<16xi32>
          %reduce_min3A_269 = tpu.scan <min>, %reduce_min3A_268 masked %reduce_min3A_265 : vector<16xi32>, vector<16xi1> -> vector<16xi32>
          %reduce_min3A_270 = arith.xori %reduce_min3A_269, %reduce_min3A_267 : vector<16xi32>
          %reduce_min3A_271 = vector.extract %reduce_min3A_270[15] : i32 from vector<16xi32>
          %broadcast_in_dim3A_272 = vector.broadcast %reduce_min3A_271 : i32 to vector<16xi32>
          scf.yield %broadcast_in_dim3A_272 : vector<16xi32>
        }
        %broadcast_in_dim3A_239 = vector.broadcast %while3A_146 : i32 to vector<16xi32>
        %select_n3A_240 = arith.select %and3A_231, %cond3A_238, %broadcast_in_dim3A_239 : vector<16xi32>
        %min3A_241 = arith.constant 1023 : i32
        %min3A_242 = vector.broadcast %min3A_241 : i32 to vector<16xi32>
        %min3A_243 = arith.minsi %select_n3A_240, %min3A_242 : vector<16xi32>
        %gather3A_244 = tpu.vector_load_idx %arg14[%min3A_243] : memref<1024xi32, #tpu.memory_space<vmem>>[vector<16xi32>], vector<16xi32>,
        %convert_element_type3A_245 = arith.sitofp %gather3A_244 : vector<16xi32> to vector<16xf32>
        %mul3A_246 = arith.constant 1024 : i32
        %mul3A_247 = vector.broadcast %mul3A_246 : i32 to vector<16xi32>
        %mul3A_248 = arith.muli %iota3A, %mul3A_247 : vector<16xi32>
        %add3A_249 = arith.addi %mul3A_248, %min3A_243 : vector<16xi32>
        %gather3A_250 = tpu.vector_load_idx %arg13[%add3A_249] masked %lt3A_97 : memref<8192xf32, #tpu.memory_space<vmem>>[vector<16xi32>], vector<16xf32>, vector<16xi1>
        %mul3A_251 = arith.mulf %gather3A_250, %convert_element_type3A_245 : vector<16xf32>
        %add3A_252 = arith.addf %mul3A_251, %gather3A : vector<16xf32>
        %add3A_253 = arith.constant 1.000000e+00 : f32
        %add3A_254 = vector.broadcast %add3A_253 : f32 to vector<16xf32>
        %add3A_255 = arith.addf %convert_element_type3A_245, %add3A_254 : vector<16xf32>
        %div3A_256 = arith.divf %add3A_252, %add3A_255 : vector<16xf32>
        tpu.vector_store_idx %arg13[%add3A_249], %div3A_256 masked %lt3A_97 : memref<8192xf32, #tpu.memory_space<vmem>>[vector<16xi32>], vector<16xf32>, vector<16xi1>
        tpu.vector_store_idx %arg14[%min3A_243], %broadcast_in_dim3A_101 masked %eq3A_99 {add = true} : memref<1024xi32, #tpu.memory_space<vmem>>[vector<16xi32>], vector<16xi32>, vector<16xi1>
        tpu.vector_store_idx %arg15[%broadcast_in_dim3A_147], %min3A_243 masked %eq3A_99 : memref<4096xi32, #tpu.memory_space<vmem>>[vector<16xi32>], vector<16xi32>, vector<16xi1>
        %jit3A_257 = arith.constant 0 : i32
        %jit3A_258 = arith.constant 1 : i32
        %select_n3A_259 = arith.select %and3A_231, %jit3A_257, %jit3A_258 : i32
        %add3A_260 = arith.addi %while3A_146, %select_n3A_259 : i32
        scf.yield %add3A_260 : i32
      }
      %while3A_111 = arith.constant 1 : i32
      %while3A_112 = scf.for %while3A_145 = %while3A_108 to %while3A_104 step %while3A_111 iter_args(%while3A_146 = %while3A_110) -> (i32)  : i32 {
        %broadcast_in_dim3A_147 = vector.broadcast %while3A_145 : i32 to vector<16xi32>
        %mul3A_148 = arith.constant 4096 : i32
        %mul3A_149 = vector.broadcast %mul3A_148 : i32 to vector<16xi32>
        %mul3A_150 = arith.muli %iota3A, %mul3A_149 : vector<16xi32>
        %add3A_151 = arith.addi %mul3A_150, %broadcast_in_dim3A_147 : vector<16xi32>
        %gather3A = tpu.vector_load_idx %arg12[%add3A_151] masked %lt3A_97 : memref<32768xf32, #tpu.memory_space<vmem>>[vector<16xi32>], vector<16xf32>, vector<16xi1>
        %broadcast_in_dim3A_152 = arith.constant 0 : i32
        %broadcast_in_dim3A_153 = vector.broadcast %broadcast_in_dim3A_152 : i32 to vector<16xi32>
        %add3A_154 = arith.addi %broadcast_in_dim3A_153, %broadcast_in_dim3A_147 : vector<16xi32>
        %gather3A_155 = tpu.vector_load_idx %arg12[%add3A_154] : memref<32768xf32, #tpu.memory_space<vmem>>[vector<16xi32>], vector<16xf32>,
        %broadcast_in_dim3A_156 = arith.constant 4096 : i32
        %broadcast_in_dim3A_157 = vector.broadcast %broadcast_in_dim3A_156 : i32 to vector<16xi32>
        %add3A_158 = arith.addi %broadcast_in_dim3A_157, %broadcast_in_dim3A_147 : vector<16xi32>
        %gather3A_159 = tpu.vector_load_idx %arg12[%add3A_158] : memref<32768xf32, #tpu.memory_space<vmem>>[vector<16xi32>], vector<16xf32>,
        %broadcast_in_dim3A_160 = arith.constant 8192 : i32
        %broadcast_in_dim3A_161 = vector.broadcast %broadcast_in_dim3A_160 : i32 to vector<16xi32>
        %add3A_162 = arith.addi %broadcast_in_dim3A_161, %broadcast_in_dim3A_147 : vector<16xi32>
        %gather3A_163 = tpu.vector_load_idx %arg12[%add3A_162] : memref<32768xf32, #tpu.memory_space<vmem>>[vector<16xi32>], vector<16xf32>,
        %broadcast_in_dim3A_164 = arith.constant 12288 : i32
        %broadcast_in_dim3A_165 = vector.broadcast %broadcast_in_dim3A_164 : i32 to vector<16xi32>
        %add3A_166 = arith.addi %broadcast_in_dim3A_165, %broadcast_in_dim3A_147 : vector<16xi32>
        %gather3A_167 = tpu.vector_load_idx %arg12[%add3A_166] : memref<32768xf32, #tpu.memory_space<vmem>>[vector<16xi32>], vector<16xf32>,
        %broadcast_in_dim3A_168 = arith.constant 16384 : i32
        %broadcast_in_dim3A_169 = vector.broadcast %broadcast_in_dim3A_168 : i32 to vector<16xi32>
        %add3A_170 = arith.addi %broadcast_in_dim3A_169, %broadcast_in_dim3A_147 : vector<16xi32>
        %gather3A_171 = tpu.vector_load_idx %arg12[%add3A_170] : memref<32768xf32, #tpu.memory_space<vmem>>[vector<16xi32>], vector<16xf32>,
        %broadcast_in_dim3A_172 = arith.constant 20480 : i32
        %broadcast_in_dim3A_173 = vector.broadcast %broadcast_in_dim3A_172 : i32 to vector<16xi32>
        %add3A_174 = arith.addi %broadcast_in_dim3A_173, %broadcast_in_dim3A_147 : vector<16xi32>
        %gather3A_175 = tpu.vector_load_idx %arg12[%add3A_174] : memref<32768xf32, #tpu.memory_space<vmem>>[vector<16xi32>], vector<16xf32>,
        %broadcast_in_dim3A_176 = arith.constant 24576 : i32
        %broadcast_in_dim3A_177 = vector.broadcast %broadcast_in_dim3A_176 : i32 to vector<16xi32>
        %add3A_178 = arith.addi %broadcast_in_dim3A_177, %broadcast_in_dim3A_147 : vector<16xi32>
        %gather3A_179 = tpu.vector_load_idx %arg12[%add3A_178] : memref<32768xf32, #tpu.memory_space<vmem>>[vector<16xi32>], vector<16xf32>,
        %broadcast_in_dim3A_180 = arith.constant 28672 : i32
        %broadcast_in_dim3A_181 = vector.broadcast %broadcast_in_dim3A_180 : i32 to vector<16xi32>
        %add3A_182 = arith.addi %broadcast_in_dim3A_181, %broadcast_in_dim3A_147 : vector<16xi32>
        %gather3A_183 = tpu.vector_load_idx %arg12[%add3A_182] : memref<32768xf32, #tpu.memory_space<vmem>>[vector<16xi32>], vector<16xf32>,
        %add3A_184 = arith.constant 15 : i32
        %add3A_185 = arith.addi %while3A_146, %add3A_184 : i32
        %jit3A_186 = arith.constant 16 : i32
        %div3A_187 = arith.divsi %add3A_185, %jit3A_186 : i32
        %sign3A_188 = arith.constant 0 : i32
        %sign3A_189 = arith.cmpi sgt, %add3A_185, %sign3A_188 : i32
        %sign3A_190 = arith.extui %sign3A_189 : i1 to i32
        %sign3A_191 = arith.constant 0 : i32
        %sign3A_192 = arith.cmpi slt, %add3A_185, %sign3A_191 : i32
        %sign3A_193 = arith.extui %sign3A_192 : i1 to i32
        %sign3A_194 = arith.subi %sign3A_190, %sign3A_193 : i32
        %sign3A_195 = arith.constant 0 : i32
        %sign3A_196 = arith.cmpi sgt, %jit3A_186, %sign3A_195 : i32
        %sign3A_197 = arith.extui %sign3A_196 : i1 to i32
        %sign3A_198 = arith.constant 0 : i32
        %sign3A_199 = arith.cmpi slt, %jit3A_186, %sign3A_198 : i32
        %sign3A_200 = arith.extui %sign3A_199 : i1 to i32
        %sign3A_201 = arith.subi %sign3A_197, %sign3A_200 : i32
        %ne3A_202 = arith.cmpi ne, %sign3A_194, %sign3A_201 : i32
        %rem3A_203 = arith.remsi %add3A_185, %jit3A_186 : i32
        %ne3A_204 = arith.constant 0 : i32
        %ne3A_205 = arith.cmpi ne, %rem3A_203, %ne3A_204 : i32
        %and3A_206 = arith.andi %ne3A_202, %ne3A_205 : i1
        %sub3A_207 = arith.constant 1 : i32
        %sub3A_208 = arith.subi %div3A_187, %sub3A_207 : i32
        %select_n3A_209 = arith.select %and3A_206, %sub3A_208, %div3A_187 : i32
        %broadcast_in_dim3A_210 = arith.constant 0x7F800000 : f32
        %broadcast_in_dim3A_211 = vector.broadcast %broadcast_in_dim3A_210 : f32 to vector<16xf32>
        %broadcast_in_dim3A_212 = arith.constant 36864 : i32
        %broadcast_in_dim3A_213 = vector.broadcast %broadcast_in_dim3A_212 : i32 to vector<16xi32>
        %while3A_214 = arith.constant 0 : i32
        %while3A_215 = arith.subi %select_n3A_209, %while3A_214 : i32
        %while3A_216 = arith.addi %while3A_214, %while3A_215 : i32
        %while3A_217 = arith.constant 1 : i32
        %while3A_218 = arith.divsi %while3A_215, %while3A_217 : i32
        %while3A_219 = arith.muli %while3A_218, %while3A_217 : i32
        %while3A_220 = arith.addi %while3A_214, %while3A_219 : i32
        %while3A_221 = arith.constant 1 : i32
        %while3A_222:2 = scf.for %while3A_261 = %while3A_214 to %while3A_220 step %while3A_221 iter_args(%while3A_262 = %broadcast_in_dim3A_211, %while3A_263 = %broadcast_in_dim3A_213) -> (vector<16xf32>, vector<16xi32>)  : i32 {
          %mul3A_264 = arith.constant 16 : i32
          %mul3A_265 = arith.muli %while3A_261, %mul3A_264 : i32
          %add3A_266 = arith.constant 0 : i32
          %add3A_267 = arith.addi %add3A_266, %mul3A_265 : i32
          %get3A = arith.index_cast %add3A_267 : i32 to index
          %get3A_268 = tpu.vector_load %arg13[%get3A] {strides = array<i32>} : memref<8192xf32, #tpu.memory_space<vmem>>, vector<16xf32>,
          %sub3A_269 = arith.subf %get3A_268, %gather3A_155 : vector<16xf32>
          %mul3A_270 = arith.mulf %sub3A_269, %sub3A_269 : vector<16xf32>
          %add3A_271 = arith.constant 1024 : i32
          %add3A_272 = arith.addi %add3A_271, %mul3A_265 : i32
          %get3A_273 = arith.index_cast %add3A_272 : i32 to index
          %get3A_274 = tpu.vector_load %arg13[%get3A_273] {strides = array<i32>} : memref<8192xf32, #tpu.memory_space<vmem>>, vector<16xf32>,
          %sub3A_275 = arith.subf %get3A_274, %gather3A_159 : vector<16xf32>
          %mul3A_276 = arith.mulf %sub3A_275, %sub3A_275 : vector<16xf32>
          %add3A_277 = arith.constant 2048 : i32
          %add3A_278 = arith.addi %add3A_277, %mul3A_265 : i32
          %get3A_279 = arith.index_cast %add3A_278 : i32 to index
          %get3A_280 = tpu.vector_load %arg13[%get3A_279] {strides = array<i32>} : memref<8192xf32, #tpu.memory_space<vmem>>, vector<16xf32>,
          %sub3A_281 = arith.subf %get3A_280, %gather3A_163 : vector<16xf32>
          %mul3A_282 = arith.mulf %sub3A_281, %sub3A_281 : vector<16xf32>
          %add3A_283 = arith.constant 3072 : i32
          %add3A_284 = arith.addi %add3A_283, %mul3A_265 : i32
          %get3A_285 = arith.index_cast %add3A_284 : i32 to index
          %get3A_286 = tpu.vector_load %arg13[%get3A_285] {strides = array<i32>} : memref<8192xf32, #tpu.memory_space<vmem>>, vector<16xf32>,
          %sub3A_287 = arith.subf %get3A_286, %gather3A_167 : vector<16xf32>
          %mul3A_288 = arith.mulf %sub3A_287, %sub3A_287 : vector<16xf32>
          %add3A_289 = arith.constant 4096 : i32
          %add3A_290 = arith.addi %add3A_289, %mul3A_265 : i32
          %get3A_291 = arith.index_cast %add3A_290 : i32 to index
          %get3A_292 = tpu.vector_load %arg13[%get3A_291] {strides = array<i32>} : memref<8192xf32, #tpu.memory_space<vmem>>, vector<16xf32>,
          %sub3A_293 = arith.subf %get3A_292, %gather3A_171 : vector<16xf32>
          %mul3A_294 = arith.mulf %sub3A_293, %sub3A_293 : vector<16xf32>
          %add3A_295 = arith.constant 5120 : i32
          %add3A_296 = arith.addi %add3A_295, %mul3A_265 : i32
          %get3A_297 = arith.index_cast %add3A_296 : i32 to index
          %get3A_298 = tpu.vector_load %arg13[%get3A_297] {strides = array<i32>} : memref<8192xf32, #tpu.memory_space<vmem>>, vector<16xf32>,
          %sub3A_299 = arith.subf %get3A_298, %gather3A_175 : vector<16xf32>
          %mul3A_300 = arith.mulf %sub3A_299, %sub3A_299 : vector<16xf32>
          %add3A_301 = arith.constant 6144 : i32
          %add3A_302 = arith.addi %add3A_301, %mul3A_265 : i32
          %get3A_303 = arith.index_cast %add3A_302 : i32 to index
          %get3A_304 = tpu.vector_load %arg13[%get3A_303] {strides = array<i32>} : memref<8192xf32, #tpu.memory_space<vmem>>, vector<16xf32>,
          %sub3A_305 = arith.subf %get3A_304, %gather3A_179 : vector<16xf32>
          %mul3A_306 = arith.mulf %sub3A_305, %sub3A_305 : vector<16xf32>
          %add3A_307 = arith.constant 7168 : i32
          %add3A_308 = arith.addi %add3A_307, %mul3A_265 : i32
          %get3A_309 = arith.index_cast %add3A_308 : i32 to index
          %get3A_310 = tpu.vector_load %arg13[%get3A_309] {strides = array<i32>} : memref<8192xf32, #tpu.memory_space<vmem>>, vector<16xf32>,
          %sub3A_311 = arith.subf %get3A_310, %gather3A_183 : vector<16xf32>
          %mul3A_312 = arith.mulf %sub3A_311, %sub3A_311 : vector<16xf32>
          %add3A_313 = arith.addf %mul3A_270, %mul3A_276 : vector<16xf32>
          %add3A_314 = arith.addf %mul3A_282, %mul3A_288 : vector<16xf32>
          %add3A_315 = arith.addf %add3A_313, %add3A_314 : vector<16xf32>
          %add3A_316 = arith.addf %mul3A_294, %mul3A_300 : vector<16xf32>
          %add3A_317 = arith.addf %mul3A_306, %mul3A_312 : vector<16xf32>
          %add3A_318 = arith.addf %add3A_316, %add3A_317 : vector<16xf32>
          %add3A_319 = arith.addf %add3A_315, %add3A_318 : vector<16xf32>
          %iota3A_320 = tpu.iota {dimensions = array<i32: 0>} : vector<16xi32>
          %add3A_321 = vector.broadcast %mul3A_265 : i32 to vector<16xi32>
          %add3A_322 = arith.addi %iota3A_320, %add3A_321 : vector<16xi32>
          %lt3A_323 = vector.broadcast %while3A_146 : i32 to vector<16xi32>
          %lt3A_324 = arith.cmpi slt, %add3A_322, %lt3A_323 : vector<16xi32>
          %jit3A_325 = arith.constant 0x7F800000 : f32
          %broadcast_in_dim3A_326 = vector.broadcast %jit3A_325 : f32 to vector<16xf32>
          %select_n3A_327 = arith.select %lt3A_324, %add3A_319, %broadcast_in_dim3A_326 : vector<16xi1>, vector<16xf32>
          %lt3A_328 = arith.cmpf olt, %select_n3A_327, %while3A_262 : vector<16xf32>
          %select_n3A_329 = arith.select %lt3A_328, %select_n3A_327, %while3A_262 : vector<16xi1>, vector<16xf32>
          %select_n3A_330 = arith.select %lt3A_328, %add3A_322, %while3A_263 : vector<16xi1>, vector<16xi32>
          scf.yield %select_n3A_329, %select_n3A_330 : vector<16xf32>, vector<16xi32>
        }
        %while3A_223 = arith.constant 1 : i32
        %while3A_224:2 = scf.for %while3A_261 = %while3A_220 to %while3A_216 step %while3A_223 iter_args(%while3A_262 = %while3A_222#0, %while3A_263 = %while3A_222#1) -> (vector<16xf32>, vector<16xi32>)  : i32 {
          %mul3A_264 = arith.constant 16 : i32
          %mul3A_265 = arith.muli %while3A_261, %mul3A_264 : i32
          %add3A_266 = arith.constant 0 : i32
          %add3A_267 = arith.addi %add3A_266, %mul3A_265 : i32
          %get3A = arith.index_cast %add3A_267 : i32 to index
          %get3A_268 = tpu.vector_load %arg13[%get3A] {strides = array<i32>} : memref<8192xf32, #tpu.memory_space<vmem>>, vector<16xf32>,
          %sub3A_269 = arith.subf %get3A_268, %gather3A_155 : vector<16xf32>
          %mul3A_270 = arith.mulf %sub3A_269, %sub3A_269 : vector<16xf32>
          %add3A_271 = arith.constant 1024 : i32
          %add3A_272 = arith.addi %add3A_271, %mul3A_265 : i32
          %get3A_273 = arith.index_cast %add3A_272 : i32 to index
          %get3A_274 = tpu.vector_load %arg13[%get3A_273] {strides = array<i32>} : memref<8192xf32, #tpu.memory_space<vmem>>, vector<16xf32>,
          %sub3A_275 = arith.subf %get3A_274, %gather3A_159 : vector<16xf32>
          %mul3A_276 = arith.mulf %sub3A_275, %sub3A_275 : vector<16xf32>
          %add3A_277 = arith.constant 2048 : i32
          %add3A_278 = arith.addi %add3A_277, %mul3A_265 : i32
          %get3A_279 = arith.index_cast %add3A_278 : i32 to index
          %get3A_280 = tpu.vector_load %arg13[%get3A_279] {strides = array<i32>} : memref<8192xf32, #tpu.memory_space<vmem>>, vector<16xf32>,
          %sub3A_281 = arith.subf %get3A_280, %gather3A_163 : vector<16xf32>
          %mul3A_282 = arith.mulf %sub3A_281, %sub3A_281 : vector<16xf32>
          %add3A_283 = arith.constant 3072 : i32
          %add3A_284 = arith.addi %add3A_283, %mul3A_265 : i32
          %get3A_285 = arith.index_cast %add3A_284 : i32 to index
          %get3A_286 = tpu.vector_load %arg13[%get3A_285] {strides = array<i32>} : memref<8192xf32, #tpu.memory_space<vmem>>, vector<16xf32>,
          %sub3A_287 = arith.subf %get3A_286, %gather3A_167 : vector<16xf32>
          %mul3A_288 = arith.mulf %sub3A_287, %sub3A_287 : vector<16xf32>
          %add3A_289 = arith.constant 4096 : i32
          %add3A_290 = arith.addi %add3A_289, %mul3A_265 : i32
          %get3A_291 = arith.index_cast %add3A_290 : i32 to index
          %get3A_292 = tpu.vector_load %arg13[%get3A_291] {strides = array<i32>} : memref<8192xf32, #tpu.memory_space<vmem>>, vector<16xf32>,
          %sub3A_293 = arith.subf %get3A_292, %gather3A_171 : vector<16xf32>
          %mul3A_294 = arith.mulf %sub3A_293, %sub3A_293 : vector<16xf32>
          %add3A_295 = arith.constant 5120 : i32
          %add3A_296 = arith.addi %add3A_295, %mul3A_265 : i32
          %get3A_297 = arith.index_cast %add3A_296 : i32 to index
          %get3A_298 = tpu.vector_load %arg13[%get3A_297] {strides = array<i32>} : memref<8192xf32, #tpu.memory_space<vmem>>, vector<16xf32>,
          %sub3A_299 = arith.subf %get3A_298, %gather3A_175 : vector<16xf32>
          %mul3A_300 = arith.mulf %sub3A_299, %sub3A_299 : vector<16xf32>
          %add3A_301 = arith.constant 6144 : i32
          %add3A_302 = arith.addi %add3A_301, %mul3A_265 : i32
          %get3A_303 = arith.index_cast %add3A_302 : i32 to index
          %get3A_304 = tpu.vector_load %arg13[%get3A_303] {strides = array<i32>} : memref<8192xf32, #tpu.memory_space<vmem>>, vector<16xf32>,
          %sub3A_305 = arith.subf %get3A_304, %gather3A_179 : vector<16xf32>
          %mul3A_306 = arith.mulf %sub3A_305, %sub3A_305 : vector<16xf32>
          %add3A_307 = arith.constant 7168 : i32
          %add3A_308 = arith.addi %add3A_307, %mul3A_265 : i32
          %get3A_309 = arith.index_cast %add3A_308 : i32 to index
          %get3A_310 = tpu.vector_load %arg13[%get3A_309] {strides = array<i32>} : memref<8192xf32, #tpu.memory_space<vmem>>, vector<16xf32>,
          %sub3A_311 = arith.subf %get3A_310, %gather3A_183 : vector<16xf32>
          %mul3A_312 = arith.mulf %sub3A_311, %sub3A_311 : vector<16xf32>
          %add3A_313 = arith.addf %mul3A_270, %mul3A_276 : vector<16xf32>
          %add3A_314 = arith.addf %mul3A_282, %mul3A_288 : vector<16xf32>
          %add3A_315 = arith.addf %add3A_313, %add3A_314 : vector<16xf32>
          %add3A_316 = arith.addf %mul3A_294, %mul3A_300 : vector<16xf32>
          %add3A_317 = arith.addf %mul3A_306, %mul3A_312 : vector<16xf32>
          %add3A_318 = arith.addf %add3A_316, %add3A_317 : vector<16xf32>
          %add3A_319 = arith.addf %add3A_315, %add3A_318 : vector<16xf32>
          %iota3A_320 = tpu.iota {dimensions = array<i32: 0>} : vector<16xi32>
          %add3A_321 = vector.broadcast %mul3A_265 : i32 to vector<16xi32>
          %add3A_322 = arith.addi %iota3A_320, %add3A_321 : vector<16xi32>
          %lt3A_323 = vector.broadcast %while3A_146 : i32 to vector<16xi32>
          %lt3A_324 = arith.cmpi slt, %add3A_322, %lt3A_323 : vector<16xi32>
          %jit3A_325 = arith.constant 0x7F800000 : f32
          %broadcast_in_dim3A_326 = vector.broadcast %jit3A_325 : f32 to vector<16xf32>
          %select_n3A_327 = arith.select %lt3A_324, %add3A_319, %broadcast_in_dim3A_326 : vector<16xi1>, vector<16xf32>
          %lt3A_328 = arith.cmpf olt, %select_n3A_327, %while3A_262 : vector<16xf32>
          %select_n3A_329 = arith.select %lt3A_328, %select_n3A_327, %while3A_262 : vector<16xi1>, vector<16xf32>
          %select_n3A_330 = arith.select %lt3A_328, %add3A_322, %while3A_263 : vector<16xi1>, vector<16xi32>
          scf.yield %select_n3A_329, %select_n3A_330 : vector<16xf32>, vector<16xi32>
        }
        %reduce_min3A = arith.constant true
        %reduce_min3A_225 = vector.broadcast %reduce_min3A : i1 to vector<16xi1>
        %reduce_min3A_226 = tpu.scan <min>, %while3A_224#0 masked %reduce_min3A_225 : vector<16xf32>, vector<16xi1> -> vector<16xf32>
        %reduce_min3A_227 = vector.extract %reduce_min3A_226[15] : f32 from vector<16xf32>
        %gt3A = arith.constant 0 : i32
        %gt3A_228 = arith.cmpi sgt, %while3A_146, %gt3A : i32
        %lt3A_229 = arith.constant 2.500000e+01 : f32
        %lt3A_230 = arith.cmpf olt, %reduce_min3A_227, %lt3A_229 : f32
        %and3A_231 = arith.andi %gt3A_228, %lt3A_230 : i1
        %eq3A_232 = vector.broadcast %reduce_min3A_227 : f32 to vector<16xf32>
        %eq3A_233 = arith.cmpf oeq, %while3A_224#0, %eq3A_232 : vector<16xf32>
        %le3A = arith.constant 1 : i32
        %le3A_234 = arith.cmpi sle, %select_n3A_209, %le3A : i32
        %convert_element_type3A_235 = arith.extui %le3A_234 : i1 to i32
        %cond3A_236 = arith.constant 0 : i32
        %cond3A_237 = arith.cmpi ne, %convert_element_type3A_235, %cond3A_236 : i32
        %cond3A_238 = scf.if %cond3A_237 -> (vector<16xi32>) {
          %all_reduce_ffs3A = tpu.all_reduce %eq3A_233 {dim = 0 : i64, kind = #tpu.reduction_kind<find_first_set>} : vector<16xi1> -> vector<16xi32>
          %min3A_261 = arith.constant 15 : i32
          %min3A_262 = vector.broadcast %min3A_261 : i32 to vector<16xi32>
          %min3A_263 = arith.minsi %all_reduce_ffs3A, %min3A_262 : vector<16xi32>
          %broadcast_in_dim3A_264 = vector.shape_cast %min3A_263 : vector<16xi32> to vector<16x1xi32>
          %gather3A_265 = vector.shape_cast %broadcast_in_dim3A_264 : vector<16x1xi32> to vector<16xi32>
          %gather3A_266 = tpu.dynamic_gather %while3A_224#1[%gather3A_265] in [0] : vector<16xi32>, vector<16xi32> -> vector<16xi32>
          scf.yield %gather3A_266 : vector<16xi32>
        } else {
          %jit3A_261 = arith.constant 36864 : i32
          %broadcast_in_dim3A_262 = vector.broadcast %jit3A_261 : i32 to vector<16xi32>
          %select_n3A_263 = arith.select %eq3A_233, %while3A_224#1, %broadcast_in_dim3A_262 : vector<16xi1>, vector<16xi32>
          %reduce_min3A_264 = arith.constant true
          %reduce_min3A_265 = vector.broadcast %reduce_min3A_264 : i1 to vector<16xi1>
          %reduce_min3A_266 = arith.constant -2147483648 : i32
          %reduce_min3A_267 = vector.broadcast %reduce_min3A_266 : i32 to vector<16xi32>
          %reduce_min3A_268 = arith.xori %select_n3A_263, %reduce_min3A_267 : vector<16xi32>
          %reduce_min3A_269 = tpu.scan <min>, %reduce_min3A_268 masked %reduce_min3A_265 : vector<16xi32>, vector<16xi1> -> vector<16xi32>
          %reduce_min3A_270 = arith.xori %reduce_min3A_269, %reduce_min3A_267 : vector<16xi32>
          %reduce_min3A_271 = vector.extract %reduce_min3A_270[15] : i32 from vector<16xi32>
          %broadcast_in_dim3A_272 = vector.broadcast %reduce_min3A_271 : i32 to vector<16xi32>
          scf.yield %broadcast_in_dim3A_272 : vector<16xi32>
        }
        %broadcast_in_dim3A_239 = vector.broadcast %while3A_146 : i32 to vector<16xi32>
        %select_n3A_240 = arith.select %and3A_231, %cond3A_238, %broadcast_in_dim3A_239 : vector<16xi32>
        %min3A_241 = arith.constant 1023 : i32
        %min3A_242 = vector.broadcast %min3A_241 : i32 to vector<16xi32>
        %min3A_243 = arith.minsi %select_n3A_240, %min3A_242 : vector<16xi32>
        %gather3A_244 = tpu.vector_load_idx %arg14[%min3A_243] : memref<1024xi32, #tpu.memory_space<vmem>>[vector<16xi32>], vector<16xi32>,
        %convert_element_type3A_245 = arith.sitofp %gather3A_244 : vector<16xi32> to vector<16xf32>
        %mul3A_246 = arith.constant 1024 : i32
        %mul3A_247 = vector.broadcast %mul3A_246 : i32 to vector<16xi32>
        %mul3A_248 = arith.muli %iota3A, %mul3A_247 : vector<16xi32>
        %add3A_249 = arith.addi %mul3A_248, %min3A_243 : vector<16xi32>
        %gather3A_250 = tpu.vector_load_idx %arg13[%add3A_249] masked %lt3A_97 : memref<8192xf32, #tpu.memory_space<vmem>>[vector<16xi32>], vector<16xf32>, vector<16xi1>
        %mul3A_251 = arith.mulf %gather3A_250, %convert_element_type3A_245 : vector<16xf32>
        %add3A_252 = arith.addf %mul3A_251, %gather3A : vector<16xf32>
        %add3A_253 = arith.constant 1.000000e+00 : f32
        %add3A_254 = vector.broadcast %add3A_253 : f32 to vector<16xf32>
        %add3A_255 = arith.addf %convert_element_type3A_245, %add3A_254 : vector<16xf32>
        %div3A_256 = arith.divf %add3A_252, %add3A_255 : vector<16xf32>
        tpu.vector_store_idx %arg13[%add3A_249], %div3A_256 masked %lt3A_97 : memref<8192xf32, #tpu.memory_space<vmem>>[vector<16xi32>], vector<16xf32>, vector<16xi1>
        tpu.vector_store_idx %arg14[%min3A_243], %broadcast_in_dim3A_101 masked %eq3A_99 {add = true} : memref<1024xi32, #tpu.memory_space<vmem>>[vector<16xi32>], vector<16xi32>, vector<16xi1>
        tpu.vector_store_idx %arg15[%broadcast_in_dim3A_147], %min3A_243 masked %eq3A_99 : memref<4096xi32, #tpu.memory_space<vmem>>[vector<16xi32>], vector<16xi32>, vector<16xi1>
        %jit3A_257 = arith.constant 0 : i32
        %jit3A_258 = arith.constant 1 : i32
        %select_n3A_259 = arith.select %and3A_231, %jit3A_257, %jit3A_258 : i32
        %add3A_260 = arith.addi %while3A_146, %select_n3A_259 : i32
        scf.yield %add3A_260 : i32
      }
      %scan3A = arith.constant 0 : i32
      %scan3A_113 = arith.constant 0 : i32
      %scan3A_114 = arith.constant 64 : i32
      %scan3A_115 = arith.addi %scan3A_113, %scan3A_114 : i32
      %scan3A_116 = arith.constant 1 : i32
      %scan3A_117 = scf.for %scan3A_145 = %scan3A_113 to %scan3A_115 step %scan3A_116 iter_args(%scan3A_146 = %scan3A) -> (i32)  : i32 {
        %mul3A_147 = arith.constant 16 : i32
        %mul3A_148 = arith.muli %scan3A_145, %mul3A_147 : i32
        %get3A = arith.index_cast %mul3A_148 : i32 to index
        %get3A_149 = tpu.vector_load %arg14[%get3A] {strides = array<i32>} : memref<1024xi32, #tpu.memory_space<vmem>>, vector<16xi32>,
        %ge3A = arith.constant 100 : i32
        %ge3A_150 = vector.broadcast %ge3A : i32 to vector<16xi32>
        %ge3A_151 = arith.cmpi sge, %get3A_149, %ge3A_150 : vector<16xi32>
        %convert_element_type3A_152 = arith.extui %ge3A_151 : vector<16xi1> to vector<16xi32>
        %broadcast_in_dim3A_153 = arith.constant true
        %broadcast_in_dim3A_154 = vector.broadcast %broadcast_in_dim3A_153 : i1 to vector<16xi1>
        %masked_cumsum3A = tpu.scan <sum>, %convert_element_type3A_152 masked %broadcast_in_dim3A_154 : vector<16xi32>, vector<16xi1> -> vector<16xi32>
        %sub3A_155 = arith.subi %masked_cumsum3A, %convert_element_type3A_152 : vector<16xi32>
        %add3A_156 = vector.broadcast %scan3A_146 : i32 to vector<16xi32>
        %add3A_157 = arith.addi %add3A_156, %sub3A_155 : vector<16xi32>
        %jit3A_158 = arith.constant -1 : i32
        %broadcast_in_dim3A_159 = vector.broadcast %jit3A_158 : i32 to vector<16xi32>
        %select_n3A_160 = arith.select %ge3A_151, %add3A_157, %broadcast_in_dim3A_159 : vector<16xi1>, vector<16xi32>
        %lt3A_161 = arith.constant 48 : i32
        %lt3A_162 = vector.broadcast %lt3A_161 : i32 to vector<16xi32>
        %lt3A_163 = arith.cmpi slt, %select_n3A_160, %lt3A_162 : vector<16xi32>
        %jit3A_164 = arith.constant -1 : i32
        %broadcast_in_dim3A_165 = vector.broadcast %jit3A_164 : i32 to vector<16xi32>
        %select_n3A_166 = arith.select %lt3A_163, %select_n3A_160, %broadcast_in_dim3A_165 : vector<16xi1>, vector<16xi32>
        %mul3A_167 = arith.constant 16 : i32
        %mul3A_168 = arith.muli %scan3A_145, %mul3A_167 : i32
        %swap3A_169 = arith.index_cast %mul3A_168 : i32 to index
        %swap3A_170 = tpu.vector_load %arg18[%swap3A_169] {strides = array<i32>} : memref<1024xi32, #tpu.memory_space<vmem>>, vector<16xi32>,
        tpu.vector_store %arg18[%swap3A_169], %select_n3A_166 {strides = array<i32>} : memref<1024xi32, #tpu.memory_space<vmem>>, vector<16xi32>,
        %reduce_sum3A = arith.constant true
        %reduce_sum3A_171 = vector.broadcast %reduce_sum3A : i1 to vector<16xi1>
        %reduce_sum3A_172 = tpu.scan <sum>, %convert_element_type3A_152 masked %reduce_sum3A_171 : vector<16xi32>, vector<16xi1> -> vector<16xi32>
        %reduce_sum3A_173 = vector.extract %reduce_sum3A_172[15] : i32 from vector<16xi32>
        %add3A_174 = arith.addi %scan3A_146, %reduce_sum3A_173 : i32
        scf.yield %add3A_174 : i32
      }
      %scan3A_118 = arith.constant 64 : i32
      %parallel_loop3A_119 = arith.constant 0 : i32
      %parallel_loop3A_120 = arith.constant 432 : i32
      %parallel_loop3A_121 = arith.constant 1 : i32
      scf.for %parallel_loop3A_145 = %parallel_loop3A_119 to %parallel_loop3A_120 step %parallel_loop3A_121  : i32 {
        %parallel_loop3A_146 = arith.constant 16 : i32
        %parallel_loop3A_147 = arith.muli %parallel_loop3A_145, %parallel_loop3A_146 : i32
        %parallel_loop3A_148 = arith.index_cast %parallel_loop3A_147 : i32 to index
        %parallel_loop3A_149 = tpu.vector_load %arg19[%parallel_loop3A_148] {strides = array<i32>} : memref<6912xi32, #tpu.memory_space<vmem>>, vector<16xi32>,
        tpu.vector_store %arg19[%parallel_loop3A_148], %broadcast_in_dim3A_3 {strides = array<i32>} : memref<6912xi32, #tpu.memory_space<vmem>>, vector<16xi32>,
        %parallel_loop3A_150 = arith.constant 16 : i32
        %parallel_loop3A_151 = arith.muli %parallel_loop3A_145, %parallel_loop3A_150 : i32
        %parallel_loop3A_152 = arith.index_cast %parallel_loop3A_151 : i32 to index
        %parallel_loop3A_153 = tpu.vector_load %arg20[%parallel_loop3A_152] {strides = array<i32>} : memref<6912xf32, #tpu.memory_space<vmem>>, vector<16xf32>,
        tpu.vector_store %arg20[%parallel_loop3A_152], %broadcast_in_dim3A_5 {strides = array<i32>} : memref<6912xf32, #tpu.memory_space<vmem>>, vector<16xf32>,
        %parallel_loop3A_154 = arith.constant 16 : i32
        %parallel_loop3A_155 = arith.muli %parallel_loop3A_145, %parallel_loop3A_154 : i32
        %parallel_loop3A_156 = arith.index_cast %parallel_loop3A_155 : i32 to index
        %parallel_loop3A_157 = tpu.vector_load %arg21[%parallel_loop3A_156] {strides = array<i32>} : memref<6912xf32, #tpu.memory_space<vmem>>, vector<16xf32>,
        tpu.vector_store %arg21[%parallel_loop3A_156], %broadcast_in_dim3A_5 {strides = array<i32>} : memref<6912xf32, #tpu.memory_space<vmem>>, vector<16xf32>,
      } {sc.loop_unroll_factor = 4 : i64, sc.parallel_access}
      %parallel_loop3A_122 = arith.constant 0 : i32
      %parallel_loop3A_123 = arith.constant 36 : i32
      %parallel_loop3A_124 = arith.constant 1 : i32
      scf.for %parallel_loop3A_145 = %parallel_loop3A_122 to %parallel_loop3A_123 step %parallel_loop3A_124  : i32 {
        %parallel_loop3A_146 = arith.constant 16 : i32
        %parallel_loop3A_147 = arith.muli %parallel_loop3A_145, %parallel_loop3A_146 : i32
        %parallel_loop3A_148 = arith.index_cast %parallel_loop3A_147 : i32 to index
        %parallel_loop3A_149 = tpu.vector_load %arg22[%parallel_loop3A_148] {strides = array<i32>} : memref<576xf32, #tpu.memory_space<vmem>>, vector<16xf32>,
        tpu.vector_store %arg22[%parallel_loop3A_148], %broadcast_in_dim3A_5 {strides = array<i32>} : memref<576xf32, #tpu.memory_space<vmem>>, vector<16xf32>,
        %parallel_loop3A_150 = arith.constant 16 : i32
        %parallel_loop3A_151 = arith.muli %parallel_loop3A_145, %parallel_loop3A_150 : i32
        %parallel_loop3A_152 = arith.index_cast %parallel_loop3A_151 : i32 to index
        %parallel_loop3A_153 = tpu.vector_load %arg23[%parallel_loop3A_152] {strides = array<i32>} : memref<576xf32, #tpu.memory_space<vmem>>, vector<16xf32>,
        tpu.vector_store %arg23[%parallel_loop3A_152], %broadcast_in_dim3A_5 {strides = array<i32>} : memref<576xf32, #tpu.memory_space<vmem>>, vector<16xf32>,
        %parallel_loop3A_154 = arith.constant 16 : i32
        %parallel_loop3A_155 = arith.muli %parallel_loop3A_145, %parallel_loop3A_154 : i32
        %parallel_loop3A_156 = arith.index_cast %parallel_loop3A_155 : i32 to index
        %parallel_loop3A_157 = tpu.vector_load %arg24[%parallel_loop3A_156] {strides = array<i32>} : memref<576xf32, #tpu.memory_space<vmem>>, vector<16xf32>,
        tpu.vector_store %arg24[%parallel_loop3A_156], %broadcast_in_dim3A_5 {strides = array<i32>} : memref<576xf32, #tpu.memory_space<vmem>>, vector<16xf32>,
      } {sc.loop_unroll_factor = 4 : i64, sc.parallel_access}
      %swap3A = arith.constant 0 : index
      %swap3A_125 = tpu.vector_load %arg25[%swap3A] {strides = array<i32>} : memref<16xi32, #tpu.memory_space<vmem>>, vector<16xi32>,
      tpu.vector_store %arg25[%swap3A], %broadcast_in_dim3A_3 {strides = array<i32>} : memref<16xi32, #tpu.memory_space<vmem>>, vector<16xi32>,
      %while3A_126 = arith.constant 0 : i32
      %while3A_127 = arith.constant 0 : i32
      %while3A_128 = arith.subi %select_n3A, %while3A_126 : i32
      %while3A_129 = arith.addi %while3A_126, %while3A_128 : i32
      %while3A_130 = arith.constant 1 : i32
      %while3A_131 = arith.divsi %while3A_128, %while3A_130 : i32
      %while3A_132 = arith.muli %while3A_131, %while3A_130 : i32
      %while3A_133 = arith.addi %while3A_126, %while3A_132 : i32
      %while3A_134 = arith.constant 1 : i32
      %while3A_135 = scf.for %while3A_145 = %while3A_126 to %while3A_133 step %while3A_134 iter_args(%while3A_146 = %while3A_127) -> (i32)  : i32 {
        %mul3A_147 = arith.constant 16 : i32
        %mul3A_148 = arith.muli %while3A_145, %mul3A_147 : i32
        %get3A = arith.index_cast %mul3A_148 : i32 to index
        %get3A_149 = tpu.vector_load %arg11[%get3A] {strides = array<i32>} : memref<4096xi32, #tpu.memory_space<vmem>>, vector<16xi32>,
        %get3A_150 = arith.index_cast %mul3A_148 : i32 to index
        %get3A_151 = tpu.vector_load %arg15[%get3A_150] {strides = array<i32>} : memref<4096xi32, #tpu.memory_space<vmem>>, vector<16xi32>,
        %gather3A = tpu.vector_load_idx %arg18[%get3A_151] : memref<1024xi32, #tpu.memory_space<vmem>>[vector<16xi32>], vector<16xi32>,
        %ge3A = arith.constant 0 : i32
        %ge3A_152 = vector.broadcast %ge3A : i32 to vector<16xi32>
        %ge3A_153 = arith.cmpi sge, %gather3A, %ge3A_152 : vector<16xi32>
        %add3A_154 = vector.broadcast %mul3A_148 : i32 to vector<16xi32>
        %add3A_155 = arith.addi %iota3A, %add3A_154 : vector<16xi32>
        %lt3A_156 = vector.broadcast %min3A_24 : i32 to vector<16xi32>
        %lt3A_157 = arith.cmpi slt, %add3A_155, %lt3A_156 : vector<16xi32>
        %and3A_158 = arith.andi %ge3A_153, %lt3A_157 : vector<16xi1>
        %shift_right_arithmetic3A = arith.constant 8 : i32
        %shift_right_arithmetic3A_159 = vector.broadcast %shift_right_arithmetic3A : i32 to vector<16xi32>
        %shift_right_arithmetic3A_160 = arith.shrsi %get3A_149, %shift_right_arithmetic3A_159 : vector<16xi32>
        %mul3A_161 = arith.constant 144 : i32
        %mul3A_162 = vector.broadcast %mul3A_161 : i32 to vector<16xi32>
        %mul3A_163 = arith.muli %gather3A, %mul3A_162 : vector<16xi32>
        %add3A_164 = arith.addi %mul3A_163, %shift_right_arithmetic3A_160 : vector<16xi32>
        %jit3A_165 = arith.constant 0 : i32
        %broadcast_in_dim3A_166 = vector.broadcast %jit3A_165 : i32 to vector<16xi32>
        %select_n3A_167 = arith.select %and3A_158, %add3A_164, %broadcast_in_dim3A_166 : vector<16xi1>, vector<16xi32>
        %get3A_168 = arith.index_cast %mul3A_148 : i32 to index
        %get3A_169 = tpu.vector_load %arg16[%get3A_168] {strides = array<i32>} : memref<4096xf32, #tpu.memory_space<vmem>>, vector<16xf32>,
        %get3A_170 = arith.index_cast %mul3A_148 : i32 to index
        %get3A_171 = tpu.vector_load %arg17[%get3A_170] {strides = array<i32>} : memref<4096xf32, #tpu.memory_space<vmem>>, vector<16xf32>,
        %eq3A_172 = arith.constant 0 : i32
        %eq3A_173 = vector.broadcast %eq3A_172 : i32 to vector<16xi32>
        %eq3A_174 = arith.cmpi eq, %iota3A, %eq3A_173 : vector<16xi32>
        %and3A_175 = arith.andi %eq3A_174, %and3A_158 : vector<16xi1>
        tpu.vector_store_idx %arg19[%select_n3A_167], %broadcast_in_dim3A_101 masked %and3A_175 {add = true} : memref<6912xi32, #tpu.memory_space<vmem>>[vector<16xi32>], vector<16xi32>, vector<16xi1>
        tpu.vector_store_idx %arg20[%select_n3A_167], %get3A_169 masked %and3A_175 {add = true} : memref<6912xf32, #tpu.memory_space<vmem>>[vector<16xi32>], vector<16xf32>, vector<16xi1>
        tpu.vector_store_idx %arg21[%select_n3A_167], %get3A_171 masked %and3A_175 {add = true} : memref<6912xf32, #tpu.memory_space<vmem>>[vector<16xi32>], vector<16xf32>, vector<16xi1>
        %eq3A_176 = arith.constant 1 : i32
        %eq3A_177 = vector.broadcast %eq3A_176 : i32 to vector<16xi32>
        %eq3A_178 = arith.cmpi eq, %iota3A, %eq3A_177 : vector<16xi32>
        %and3A_179 = arith.andi %eq3A_178, %and3A_158 : vector<16xi1>
        tpu.vector_store_idx %arg19[%select_n3A_167], %broadcast_in_dim3A_101 masked %and3A_179 {add = true} : memref<6912xi32, #tpu.memory_space<vmem>>[vector<16xi32>], vector<16xi32>, vector<16xi1>
        tpu.vector_store_idx %arg20[%select_n3A_167], %get3A_169 masked %and3A_179 {add = true} : memref<6912xf32, #tpu.memory_space<vmem>>[vector<16xi32>], vector<16xf32>, vector<16xi1>
        tpu.vector_store_idx %arg21[%select_n3A_167], %get3A_171 masked %and3A_179 {add = true} : memref<6912xf32, #tpu.memory_space<vmem>>[vector<16xi32>], vector<16xf32>, vector<16xi1>
        %eq3A_180 = arith.constant 2 : i32
        %eq3A_181 = vector.broadcast %eq3A_180 : i32 to vector<16xi32>
        %eq3A_182 = arith.cmpi eq, %iota3A, %eq3A_181 : vector<16xi32>
        %and3A_183 = arith.andi %eq3A_182, %and3A_158 : vector<16xi1>
        tpu.vector_store_idx %arg19[%select_n3A_167], %broadcast_in_dim3A_101 masked %and3A_183 {add = true} : memref<6912xi32, #tpu.memory_space<vmem>>[vector<16xi32>], vector<16xi32>, vector<16xi1>
        tpu.vector_store_idx %arg20[%select_n3A_167], %get3A_169 masked %and3A_183 {add = true} : memref<6912xf32, #tpu.memory_space<vmem>>[vector<16xi32>], vector<16xf32>, vector<16xi1>
        tpu.vector_store_idx %arg21[%select_n3A_167], %get3A_171 masked %and3A_183 {add = true} : memref<6912xf32, #tpu.memory_space<vmem>>[vector<16xi32>], vector<16xf32>, vector<16xi1>
        %eq3A_184 = arith.constant 3 : i32
        %eq3A_185 = vector.broadcast %eq3A_184 : i32 to vector<16xi32>
        %eq3A_186 = arith.cmpi eq, %iota3A, %eq3A_185 : vector<16xi32>
        %and3A_187 = arith.andi %eq3A_186, %and3A_158 : vector<16xi1>
        tpu.vector_store_idx %arg19[%select_n3A_167], %broadcast_in_dim3A_101 masked %and3A_187 {add = true} : memref<6912xi32, #tpu.memory_space<vmem>>[vector<16xi32>], vector<16xi32>, vector<16xi1>
        tpu.vector_store_idx %arg20[%select_n3A_167], %get3A_169 masked %and3A_187 {add = true} : memref<6912xf32, #tpu.memory_space<vmem>>[vector<16xi32>], vector<16xf32>, vector<16xi1>
        tpu.vector_store_idx %arg21[%select_n3A_167], %get3A_171 masked %and3A_187 {add = true} : memref<6912xf32, #tpu.memory_space<vmem>>[vector<16xi32>], vector<16xf32>, vector<16xi1>
        %eq3A_188 = arith.constant 4 : i32
        %eq3A_189 = vector.broadcast %eq3A_188 : i32 to vector<16xi32>
        %eq3A_190 = arith.cmpi eq, %iota3A, %eq3A_189 : vector<16xi32>
        %and3A_191 = arith.andi %eq3A_190, %and3A_158 : vector<16xi1>
        tpu.vector_store_idx %arg19[%select_n3A_167], %broadcast_in_dim3A_101 masked %and3A_191 {add = true} : memref<6912xi32, #tpu.memory_space<vmem>>[vector<16xi32>], vector<16xi32>, vector<16xi1>
        tpu.vector_store_idx %arg20[%select_n3A_167], %get3A_169 masked %and3A_191 {add = true} : memref<6912xf32, #tpu.memory_space<vmem>>[vector<16xi32>], vector<16xf32>, vector<16xi1>
        tpu.vector_store_idx %arg21[%select_n3A_167], %get3A_171 masked %and3A_191 {add = true} : memref<6912xf32, #tpu.memory_space<vmem>>[vector<16xi32>], vector<16xf32>, vector<16xi1>
        %eq3A_192 = arith.constant 5 : i32
        %eq3A_193 = vector.broadcast %eq3A_192 : i32 to vector<16xi32>
        %eq3A_194 = arith.cmpi eq, %iota3A, %eq3A_193 : vector<16xi32>
        %and3A_195 = arith.andi %eq3A_194, %and3A_158 : vector<16xi1>
        tpu.vector_store_idx %arg19[%select_n3A_167], %broadcast_in_dim3A_101 masked %and3A_195 {add = true} : memref<6912xi32, #tpu.memory_space<vmem>>[vector<16xi32>], vector<16xi32>, vector<16xi1>
        tpu.vector_store_idx %arg20[%select_n3A_167], %get3A_169 masked %and3A_195 {add = true} : memref<6912xf32, #tpu.memory_space<vmem>>[vector<16xi32>], vector<16xf32>, vector<16xi1>
        tpu.vector_store_idx %arg21[%select_n3A_167], %get3A_171 masked %and3A_195 {add = true} : memref<6912xf32, #tpu.memory_space<vmem>>[vector<16xi32>], vector<16xf32>, vector<16xi1>
        %eq3A_196 = arith.constant 6 : i32
        %eq3A_197 = vector.broadcast %eq3A_196 : i32 to vector<16xi32>
        %eq3A_198 = arith.cmpi eq, %iota3A, %eq3A_197 : vector<16xi32>
        %and3A_199 = arith.andi %eq3A_198, %and3A_158 : vector<16xi1>
        tpu.vector_store_idx %arg19[%select_n3A_167], %broadcast_in_dim3A_101 masked %and3A_199 {add = true} : memref<6912xi32, #tpu.memory_space<vmem>>[vector<16xi32>], vector<16xi32>, vector<16xi1>
        tpu.vector_store_idx %arg20[%select_n3A_167], %get3A_169 masked %and3A_199 {add = true} : memref<6912xf32, #tpu.memory_space<vmem>>[vector<16xi32>], vector<16xf32>, vector<16xi1>
        tpu.vector_store_idx %arg21[%select_n3A_167], %get3A_171 masked %and3A_199 {add = true} : memref<6912xf32, #tpu.memory_space<vmem>>[vector<16xi32>], vector<16xf32>, vector<16xi1>
        %eq3A_200 = arith.constant 7 : i32
        %eq3A_201 = vector.broadcast %eq3A_200 : i32 to vector<16xi32>
        %eq3A_202 = arith.cmpi eq, %iota3A, %eq3A_201 : vector<16xi32>
        %and3A_203 = arith.andi %eq3A_202, %and3A_158 : vector<16xi1>
        tpu.vector_store_idx %arg19[%select_n3A_167], %broadcast_in_dim3A_101 masked %and3A_203 {add = true} : memref<6912xi32, #tpu.memory_space<vmem>>[vector<16xi32>], vector<16xi32>, vector<16xi1>
        tpu.vector_store_idx %arg20[%select_n3A_167], %get3A_169 masked %and3A_203 {add = true} : memref<6912xf32, #tpu.memory_space<vmem>>[vector<16xi32>], vector<16xf32>, vector<16xi1>
        tpu.vector_store_idx %arg21[%select_n3A_167], %get3A_171 masked %and3A_203 {add = true} : memref<6912xf32, #tpu.memory_space<vmem>>[vector<16xi32>], vector<16xf32>, vector<16xi1>
        %eq3A_204 = arith.constant 8 : i32
        %eq3A_205 = vector.broadcast %eq3A_204 : i32 to vector<16xi32>
        %eq3A_206 = arith.cmpi eq, %iota3A, %eq3A_205 : vector<16xi32>
        %and3A_207 = arith.andi %eq3A_206, %and3A_158 : vector<16xi1>
        tpu.vector_store_idx %arg19[%select_n3A_167], %broadcast_in_dim3A_101 masked %and3A_207 {add = true} : memref<6912xi32, #tpu.memory_space<vmem>>[vector<16xi32>], vector<16xi32>, vector<16xi1>
        tpu.vector_store_idx %arg20[%select_n3A_167], %get3A_169 masked %and3A_207 {add = true} : memref<6912xf32, #tpu.memory_space<vmem>>[vector<16xi32>], vector<16xf32>, vector<16xi1>
        tpu.vector_store_idx %arg21[%select_n3A_167], %get3A_171 masked %and3A_207 {add = true} : memref<6912xf32, #tpu.memory_space<vmem>>[vector<16xi32>], vector<16xf32>, vector<16xi1>
        %eq3A_208 = arith.constant 9 : i32
        %eq3A_209 = vector.broadcast %eq3A_208 : i32 to vector<16xi32>
        %eq3A_210 = arith.cmpi eq, %iota3A, %eq3A_209 : vector<16xi32>
        %and3A_211 = arith.andi %eq3A_210, %and3A_158 : vector<16xi1>
        tpu.vector_store_idx %arg19[%select_n3A_167], %broadcast_in_dim3A_101 masked %and3A_211 {add = true} : memref<6912xi32, #tpu.memory_space<vmem>>[vector<16xi32>], vector<16xi32>, vector<16xi1>
        tpu.vector_store_idx %arg20[%select_n3A_167], %get3A_169 masked %and3A_211 {add = true} : memref<6912xf32, #tpu.memory_space<vmem>>[vector<16xi32>], vector<16xf32>, vector<16xi1>
        tpu.vector_store_idx %arg21[%select_n3A_167], %get3A_171 masked %and3A_211 {add = true} : memref<6912xf32, #tpu.memory_space<vmem>>[vector<16xi32>], vector<16xf32>, vector<16xi1>
        %eq3A_212 = arith.constant 10 : i32
        %eq3A_213 = vector.broadcast %eq3A_212 : i32 to vector<16xi32>
        %eq3A_214 = arith.cmpi eq, %iota3A, %eq3A_213 : vector<16xi32>
        %and3A_215 = arith.andi %eq3A_214, %and3A_158 : vector<16xi1>
        tpu.vector_store_idx %arg19[%select_n3A_167], %broadcast_in_dim3A_101 masked %and3A_215 {add = true} : memref<6912xi32, #tpu.memory_space<vmem>>[vector<16xi32>], vector<16xi32>, vector<16xi1>
        tpu.vector_store_idx %arg20[%select_n3A_167], %get3A_169 masked %and3A_215 {add = true} : memref<6912xf32, #tpu.memory_space<vmem>>[vector<16xi32>], vector<16xf32>, vector<16xi1>
        tpu.vector_store_idx %arg21[%select_n3A_167], %get3A_171 masked %and3A_215 {add = true} : memref<6912xf32, #tpu.memory_space<vmem>>[vector<16xi32>], vector<16xf32>, vector<16xi1>
        %eq3A_216 = arith.constant 11 : i32
        %eq3A_217 = vector.broadcast %eq3A_216 : i32 to vector<16xi32>
        %eq3A_218 = arith.cmpi eq, %iota3A, %eq3A_217 : vector<16xi32>
        %and3A_219 = arith.andi %eq3A_218, %and3A_158 : vector<16xi1>
        tpu.vector_store_idx %arg19[%select_n3A_167], %broadcast_in_dim3A_101 masked %and3A_219 {add = true} : memref<6912xi32, #tpu.memory_space<vmem>>[vector<16xi32>], vector<16xi32>, vector<16xi1>
        tpu.vector_store_idx %arg20[%select_n3A_167], %get3A_169 masked %and3A_219 {add = true} : memref<6912xf32, #tpu.memory_space<vmem>>[vector<16xi32>], vector<16xf32>, vector<16xi1>
        tpu.vector_store_idx %arg21[%select_n3A_167], %get3A_171 masked %and3A_219 {add = true} : memref<6912xf32, #tpu.memory_space<vmem>>[vector<16xi32>], vector<16xf32>, vector<16xi1>
        %eq3A_220 = arith.constant 12 : i32
        %eq3A_221 = vector.broadcast %eq3A_220 : i32 to vector<16xi32>
        %eq3A_222 = arith.cmpi eq, %iota3A, %eq3A_221 : vector<16xi32>
        %and3A_223 = arith.andi %eq3A_222, %and3A_158 : vector<16xi1>
        tpu.vector_store_idx %arg19[%select_n3A_167], %broadcast_in_dim3A_101 masked %and3A_223 {add = true} : memref<6912xi32, #tpu.memory_space<vmem>>[vector<16xi32>], vector<16xi32>, vector<16xi1>
        tpu.vector_store_idx %arg20[%select_n3A_167], %get3A_169 masked %and3A_223 {add = true} : memref<6912xf32, #tpu.memory_space<vmem>>[vector<16xi32>], vector<16xf32>, vector<16xi1>
        tpu.vector_store_idx %arg21[%select_n3A_167], %get3A_171 masked %and3A_223 {add = true} : memref<6912xf32, #tpu.memory_space<vmem>>[vector<16xi32>], vector<16xf32>, vector<16xi1>
        %eq3A_224 = arith.constant 13 : i32
        %eq3A_225 = vector.broadcast %eq3A_224 : i32 to vector<16xi32>
        %eq3A_226 = arith.cmpi eq, %iota3A, %eq3A_225 : vector<16xi32>
        %and3A_227 = arith.andi %eq3A_226, %and3A_158 : vector<16xi1>
        tpu.vector_store_idx %arg19[%select_n3A_167], %broadcast_in_dim3A_101 masked %and3A_227 {add = true} : memref<6912xi32, #tpu.memory_space<vmem>>[vector<16xi32>], vector<16xi32>, vector<16xi1>
        tpu.vector_store_idx %arg20[%select_n3A_167], %get3A_169 masked %and3A_227 {add = true} : memref<6912xf32, #tpu.memory_space<vmem>>[vector<16xi32>], vector<16xf32>, vector<16xi1>
        tpu.vector_store_idx %arg21[%select_n3A_167], %get3A_171 masked %and3A_227 {add = true} : memref<6912xf32, #tpu.memory_space<vmem>>[vector<16xi32>], vector<16xf32>, vector<16xi1>
        %eq3A_228 = arith.constant 14 : i32
        %eq3A_229 = vector.broadcast %eq3A_228 : i32 to vector<16xi32>
        %eq3A_230 = arith.cmpi eq, %iota3A, %eq3A_229 : vector<16xi32>
        %and3A_231 = arith.andi %eq3A_230, %and3A_158 : vector<16xi1>
        tpu.vector_store_idx %arg19[%select_n3A_167], %broadcast_in_dim3A_101 masked %and3A_231 {add = true} : memref<6912xi32, #tpu.memory_space<vmem>>[vector<16xi32>], vector<16xi32>, vector<16xi1>
        tpu.vector_store_idx %arg20[%select_n3A_167], %get3A_169 masked %and3A_231 {add = true} : memref<6912xf32, #tpu.memory_space<vmem>>[vector<16xi32>], vector<16xf32>, vector<16xi1>
        tpu.vector_store_idx %arg21[%select_n3A_167], %get3A_171 masked %and3A_231 {add = true} : memref<6912xf32, #tpu.memory_space<vmem>>[vector<16xi32>], vector<16xf32>, vector<16xi1>
        %eq3A_232 = arith.constant 15 : i32
        %eq3A_233 = vector.broadcast %eq3A_232 : i32 to vector<16xi32>
        %eq3A_234 = arith.cmpi eq, %iota3A, %eq3A_233 : vector<16xi32>
        %and3A_235 = arith.andi %eq3A_234, %and3A_158 : vector<16xi1>
        tpu.vector_store_idx %arg19[%select_n3A_167], %broadcast_in_dim3A_101 masked %and3A_235 {add = true} : memref<6912xi32, #tpu.memory_space<vmem>>[vector<16xi32>], vector<16xi32>, vector<16xi1>
        tpu.vector_store_idx %arg20[%select_n3A_167], %get3A_169 masked %and3A_235 {add = true} : memref<6912xf32, #tpu.memory_space<vmem>>[vector<16xi32>], vector<16xf32>, vector<16xi1>
        tpu.vector_store_idx %arg21[%select_n3A_167], %get3A_171 masked %and3A_235 {add = true} : memref<6912xf32, #tpu.memory_space<vmem>>[vector<16xi32>], vector<16xf32>, vector<16xi1>
        %while3A_236 = arith.constant 0 : i32
        scf.yield %while3A_236 : i32
      }
      %while3A_136 = arith.constant 1 : i32
      %while3A_137 = scf.for %while3A_145 = %while3A_133 to %while3A_129 step %while3A_136 iter_args(%while3A_146 = %while3A_135) -> (i32)  : i32 {
        %mul3A_147 = arith.constant 16 : i32
        %mul3A_148 = arith.muli %while3A_145, %mul3A_147 : i32
        %get3A = arith.index_cast %mul3A_148 : i32 to index
        %get3A_149 = tpu.vector_load %arg11[%get3A] {strides = array<i32>} : memref<4096xi32, #tpu.memory_space<vmem>>, vector<16xi32>,
        %get3A_150 = arith.index_cast %mul3A_148 : i32 to index
        %get3A_151 = tpu.vector_load %arg15[%get3A_150] {strides = array<i32>} : memref<4096xi32, #tpu.memory_space<vmem>>, vector<16xi32>,
        %gather3A = tpu.vector_load_idx %arg18[%get3A_151] : memref<1024xi32, #tpu.memory_space<vmem>>[vector<16xi32>], vector<16xi32>,
        %ge3A = arith.constant 0 : i32
        %ge3A_152 = vector.broadcast %ge3A : i32 to vector<16xi32>
        %ge3A_153 = arith.cmpi sge, %gather3A, %ge3A_152 : vector<16xi32>
        %add3A_154 = vector.broadcast %mul3A_148 : i32 to vector<16xi32>
        %add3A_155 = arith.addi %iota3A, %add3A_154 : vector<16xi32>
        %lt3A_156 = vector.broadcast %min3A_24 : i32 to vector<16xi32>
        %lt3A_157 = arith.cmpi slt, %add3A_155, %lt3A_156 : vector<16xi32>
        %and3A_158 = arith.andi %ge3A_153, %lt3A_157 : vector<16xi1>
        %shift_right_arithmetic3A = arith.constant 8 : i32
        %shift_right_arithmetic3A_159 = vector.broadcast %shift_right_arithmetic3A : i32 to vector<16xi32>
        %shift_right_arithmetic3A_160 = arith.shrsi %get3A_149, %shift_right_arithmetic3A_159 : vector<16xi32>
        %mul3A_161 = arith.constant 144 : i32
        %mul3A_162 = vector.broadcast %mul3A_161 : i32 to vector<16xi32>
        %mul3A_163 = arith.muli %gather3A, %mul3A_162 : vector<16xi32>
        %add3A_164 = arith.addi %mul3A_163, %shift_right_arithmetic3A_160 : vector<16xi32>
        %jit3A_165 = arith.constant 0 : i32
        %broadcast_in_dim3A_166 = vector.broadcast %jit3A_165 : i32 to vector<16xi32>
        %select_n3A_167 = arith.select %and3A_158, %add3A_164, %broadcast_in_dim3A_166 : vector<16xi1>, vector<16xi32>
        %get3A_168 = arith.index_cast %mul3A_148 : i32 to index
        %get3A_169 = tpu.vector_load %arg16[%get3A_168] {strides = array<i32>} : memref<4096xf32, #tpu.memory_space<vmem>>, vector<16xf32>,
        %get3A_170 = arith.index_cast %mul3A_148 : i32 to index
        %get3A_171 = tpu.vector_load %arg17[%get3A_170] {strides = array<i32>} : memref<4096xf32, #tpu.memory_space<vmem>>, vector<16xf32>,
        %eq3A_172 = arith.constant 0 : i32
        %eq3A_173 = vector.broadcast %eq3A_172 : i32 to vector<16xi32>
        %eq3A_174 = arith.cmpi eq, %iota3A, %eq3A_173 : vector<16xi32>
        %and3A_175 = arith.andi %eq3A_174, %and3A_158 : vector<16xi1>
        tpu.vector_store_idx %arg19[%select_n3A_167], %broadcast_in_dim3A_101 masked %and3A_175 {add = true} : memref<6912xi32, #tpu.memory_space<vmem>>[vector<16xi32>], vector<16xi32>, vector<16xi1>
        tpu.vector_store_idx %arg20[%select_n3A_167], %get3A_169 masked %and3A_175 {add = true} : memref<6912xf32, #tpu.memory_space<vmem>>[vector<16xi32>], vector<16xf32>, vector<16xi1>
        tpu.vector_store_idx %arg21[%select_n3A_167], %get3A_171 masked %and3A_175 {add = true} : memref<6912xf32, #tpu.memory_space<vmem>>[vector<16xi32>], vector<16xf32>, vector<16xi1>
        %eq3A_176 = arith.constant 1 : i32
        %eq3A_177 = vector.broadcast %eq3A_176 : i32 to vector<16xi32>
        %eq3A_178 = arith.cmpi eq, %iota3A, %eq3A_177 : vector<16xi32>
        %and3A_179 = arith.andi %eq3A_178, %and3A_158 : vector<16xi1>
        tpu.vector_store_idx %arg19[%select_n3A_167], %broadcast_in_dim3A_101 masked %and3A_179 {add = true} : memref<6912xi32, #tpu.memory_space<vmem>>[vector<16xi32>], vector<16xi32>, vector<16xi1>
        tpu.vector_store_idx %arg20[%select_n3A_167], %get3A_169 masked %and3A_179 {add = true} : memref<6912xf32, #tpu.memory_space<vmem>>[vector<16xi32>], vector<16xf32>, vector<16xi1>
        tpu.vector_store_idx %arg21[%select_n3A_167], %get3A_171 masked %and3A_179 {add = true} : memref<6912xf32, #tpu.memory_space<vmem>>[vector<16xi32>], vector<16xf32>, vector<16xi1>
        %eq3A_180 = arith.constant 2 : i32
        %eq3A_181 = vector.broadcast %eq3A_180 : i32 to vector<16xi32>
        %eq3A_182 = arith.cmpi eq, %iota3A, %eq3A_181 : vector<16xi32>
        %and3A_183 = arith.andi %eq3A_182, %and3A_158 : vector<16xi1>
        tpu.vector_store_idx %arg19[%select_n3A_167], %broadcast_in_dim3A_101 masked %and3A_183 {add = true} : memref<6912xi32, #tpu.memory_space<vmem>>[vector<16xi32>], vector<16xi32>, vector<16xi1>
        tpu.vector_store_idx %arg20[%select_n3A_167], %get3A_169 masked %and3A_183 {add = true} : memref<6912xf32, #tpu.memory_space<vmem>>[vector<16xi32>], vector<16xf32>, vector<16xi1>
        tpu.vector_store_idx %arg21[%select_n3A_167], %get3A_171 masked %and3A_183 {add = true} : memref<6912xf32, #tpu.memory_space<vmem>>[vector<16xi32>], vector<16xf32>, vector<16xi1>
        %eq3A_184 = arith.constant 3 : i32
        %eq3A_185 = vector.broadcast %eq3A_184 : i32 to vector<16xi32>
        %eq3A_186 = arith.cmpi eq, %iota3A, %eq3A_185 : vector<16xi32>
        %and3A_187 = arith.andi %eq3A_186, %and3A_158 : vector<16xi1>
        tpu.vector_store_idx %arg19[%select_n3A_167], %broadcast_in_dim3A_101 masked %and3A_187 {add = true} : memref<6912xi32, #tpu.memory_space<vmem>>[vector<16xi32>], vector<16xi32>, vector<16xi1>
        tpu.vector_store_idx %arg20[%select_n3A_167], %get3A_169 masked %and3A_187 {add = true} : memref<6912xf32, #tpu.memory_space<vmem>>[vector<16xi32>], vector<16xf32>, vector<16xi1>
        tpu.vector_store_idx %arg21[%select_n3A_167], %get3A_171 masked %and3A_187 {add = true} : memref<6912xf32, #tpu.memory_space<vmem>>[vector<16xi32>], vector<16xf32>, vector<16xi1>
        %eq3A_188 = arith.constant 4 : i32
        %eq3A_189 = vector.broadcast %eq3A_188 : i32 to vector<16xi32>
        %eq3A_190 = arith.cmpi eq, %iota3A, %eq3A_189 : vector<16xi32>
        %and3A_191 = arith.andi %eq3A_190, %and3A_158 : vector<16xi1>
        tpu.vector_store_idx %arg19[%select_n3A_167], %broadcast_in_dim3A_101 masked %and3A_191 {add = true} : memref<6912xi32, #tpu.memory_space<vmem>>[vector<16xi32>], vector<16xi32>, vector<16xi1>
        tpu.vector_store_idx %arg20[%select_n3A_167], %get3A_169 masked %and3A_191 {add = true} : memref<6912xf32, #tpu.memory_space<vmem>>[vector<16xi32>], vector<16xf32>, vector<16xi1>
        tpu.vector_store_idx %arg21[%select_n3A_167], %get3A_171 masked %and3A_191 {add = true} : memref<6912xf32, #tpu.memory_space<vmem>>[vector<16xi32>], vector<16xf32>, vector<16xi1>
        %eq3A_192 = arith.constant 5 : i32
        %eq3A_193 = vector.broadcast %eq3A_192 : i32 to vector<16xi32>
        %eq3A_194 = arith.cmpi eq, %iota3A, %eq3A_193 : vector<16xi32>
        %and3A_195 = arith.andi %eq3A_194, %and3A_158 : vector<16xi1>
        tpu.vector_store_idx %arg19[%select_n3A_167], %broadcast_in_dim3A_101 masked %and3A_195 {add = true} : memref<6912xi32, #tpu.memory_space<vmem>>[vector<16xi32>], vector<16xi32>, vector<16xi1>
        tpu.vector_store_idx %arg20[%select_n3A_167], %get3A_169 masked %and3A_195 {add = true} : memref<6912xf32, #tpu.memory_space<vmem>>[vector<16xi32>], vector<16xf32>, vector<16xi1>
        tpu.vector_store_idx %arg21[%select_n3A_167], %get3A_171 masked %and3A_195 {add = true} : memref<6912xf32, #tpu.memory_space<vmem>>[vector<16xi32>], vector<16xf32>, vector<16xi1>
        %eq3A_196 = arith.constant 6 : i32
        %eq3A_197 = vector.broadcast %eq3A_196 : i32 to vector<16xi32>
        %eq3A_198 = arith.cmpi eq, %iota3A, %eq3A_197 : vector<16xi32>
        %and3A_199 = arith.andi %eq3A_198, %and3A_158 : vector<16xi1>
        tpu.vector_store_idx %arg19[%select_n3A_167], %broadcast_in_dim3A_101 masked %and3A_199 {add = true} : memref<6912xi32, #tpu.memory_space<vmem>>[vector<16xi32>], vector<16xi32>, vector<16xi1>
        tpu.vector_store_idx %arg20[%select_n3A_167], %get3A_169 masked %and3A_199 {add = true} : memref<6912xf32, #tpu.memory_space<vmem>>[vector<16xi32>], vector<16xf32>, vector<16xi1>
        tpu.vector_store_idx %arg21[%select_n3A_167], %get3A_171 masked %and3A_199 {add = true} : memref<6912xf32, #tpu.memory_space<vmem>>[vector<16xi32>], vector<16xf32>, vector<16xi1>
        %eq3A_200 = arith.constant 7 : i32
        %eq3A_201 = vector.broadcast %eq3A_200 : i32 to vector<16xi32>
        %eq3A_202 = arith.cmpi eq, %iota3A, %eq3A_201 : vector<16xi32>
        %and3A_203 = arith.andi %eq3A_202, %and3A_158 : vector<16xi1>
        tpu.vector_store_idx %arg19[%select_n3A_167], %broadcast_in_dim3A_101 masked %and3A_203 {add = true} : memref<6912xi32, #tpu.memory_space<vmem>>[vector<16xi32>], vector<16xi32>, vector<16xi1>
        tpu.vector_store_idx %arg20[%select_n3A_167], %get3A_169 masked %and3A_203 {add = true} : memref<6912xf32, #tpu.memory_space<vmem>>[vector<16xi32>], vector<16xf32>, vector<16xi1>
        tpu.vector_store_idx %arg21[%select_n3A_167], %get3A_171 masked %and3A_203 {add = true} : memref<6912xf32, #tpu.memory_space<vmem>>[vector<16xi32>], vector<16xf32>, vector<16xi1>
        %eq3A_204 = arith.constant 8 : i32
        %eq3A_205 = vector.broadcast %eq3A_204 : i32 to vector<16xi32>
        %eq3A_206 = arith.cmpi eq, %iota3A, %eq3A_205 : vector<16xi32>
        %and3A_207 = arith.andi %eq3A_206, %and3A_158 : vector<16xi1>
        tpu.vector_store_idx %arg19[%select_n3A_167], %broadcast_in_dim3A_101 masked %and3A_207 {add = true} : memref<6912xi32, #tpu.memory_space<vmem>>[vector<16xi32>], vector<16xi32>, vector<16xi1>
        tpu.vector_store_idx %arg20[%select_n3A_167], %get3A_169 masked %and3A_207 {add = true} : memref<6912xf32, #tpu.memory_space<vmem>>[vector<16xi32>], vector<16xf32>, vector<16xi1>
        tpu.vector_store_idx %arg21[%select_n3A_167], %get3A_171 masked %and3A_207 {add = true} : memref<6912xf32, #tpu.memory_space<vmem>>[vector<16xi32>], vector<16xf32>, vector<16xi1>
        %eq3A_208 = arith.constant 9 : i32
        %eq3A_209 = vector.broadcast %eq3A_208 : i32 to vector<16xi32>
        %eq3A_210 = arith.cmpi eq, %iota3A, %eq3A_209 : vector<16xi32>
        %and3A_211 = arith.andi %eq3A_210, %and3A_158 : vector<16xi1>
        tpu.vector_store_idx %arg19[%select_n3A_167], %broadcast_in_dim3A_101 masked %and3A_211 {add = true} : memref<6912xi32, #tpu.memory_space<vmem>>[vector<16xi32>], vector<16xi32>, vector<16xi1>
        tpu.vector_store_idx %arg20[%select_n3A_167], %get3A_169 masked %and3A_211 {add = true} : memref<6912xf32, #tpu.memory_space<vmem>>[vector<16xi32>], vector<16xf32>, vector<16xi1>
        tpu.vector_store_idx %arg21[%select_n3A_167], %get3A_171 masked %and3A_211 {add = true} : memref<6912xf32, #tpu.memory_space<vmem>>[vector<16xi32>], vector<16xf32>, vector<16xi1>
        %eq3A_212 = arith.constant 10 : i32
        %eq3A_213 = vector.broadcast %eq3A_212 : i32 to vector<16xi32>
        %eq3A_214 = arith.cmpi eq, %iota3A, %eq3A_213 : vector<16xi32>
        %and3A_215 = arith.andi %eq3A_214, %and3A_158 : vector<16xi1>
        tpu.vector_store_idx %arg19[%select_n3A_167], %broadcast_in_dim3A_101 masked %and3A_215 {add = true} : memref<6912xi32, #tpu.memory_space<vmem>>[vector<16xi32>], vector<16xi32>, vector<16xi1>
        tpu.vector_store_idx %arg20[%select_n3A_167], %get3A_169 masked %and3A_215 {add = true} : memref<6912xf32, #tpu.memory_space<vmem>>[vector<16xi32>], vector<16xf32>, vector<16xi1>
        tpu.vector_store_idx %arg21[%select_n3A_167], %get3A_171 masked %and3A_215 {add = true} : memref<6912xf32, #tpu.memory_space<vmem>>[vector<16xi32>], vector<16xf32>, vector<16xi1>
        %eq3A_216 = arith.constant 11 : i32
        %eq3A_217 = vector.broadcast %eq3A_216 : i32 to vector<16xi32>
        %eq3A_218 = arith.cmpi eq, %iota3A, %eq3A_217 : vector<16xi32>
        %and3A_219 = arith.andi %eq3A_218, %and3A_158 : vector<16xi1>
        tpu.vector_store_idx %arg19[%select_n3A_167], %broadcast_in_dim3A_101 masked %and3A_219 {add = true} : memref<6912xi32, #tpu.memory_space<vmem>>[vector<16xi32>], vector<16xi32>, vector<16xi1>
        tpu.vector_store_idx %arg20[%select_n3A_167], %get3A_169 masked %and3A_219 {add = true} : memref<6912xf32, #tpu.memory_space<vmem>>[vector<16xi32>], vector<16xf32>, vector<16xi1>
        tpu.vector_store_idx %arg21[%select_n3A_167], %get3A_171 masked %and3A_219 {add = true} : memref<6912xf32, #tpu.memory_space<vmem>>[vector<16xi32>], vector<16xf32>, vector<16xi1>
        %eq3A_220 = arith.constant 12 : i32
        %eq3A_221 = vector.broadcast %eq3A_220 : i32 to vector<16xi32>
        %eq3A_222 = arith.cmpi eq, %iota3A, %eq3A_221 : vector<16xi32>
        %and3A_223 = arith.andi %eq3A_222, %and3A_158 : vector<16xi1>
        tpu.vector_store_idx %arg19[%select_n3A_167], %broadcast_in_dim3A_101 masked %and3A_223 {add = true} : memref<6912xi32, #tpu.memory_space<vmem>>[vector<16xi32>], vector<16xi32>, vector<16xi1>
        tpu.vector_store_idx %arg20[%select_n3A_167], %get3A_169 masked %and3A_223 {add = true} : memref<6912xf32, #tpu.memory_space<vmem>>[vector<16xi32>], vector<16xf32>, vector<16xi1>
        tpu.vector_store_idx %arg21[%select_n3A_167], %get3A_171 masked %and3A_223 {add = true} : memref<6912xf32, #tpu.memory_space<vmem>>[vector<16xi32>], vector<16xf32>, vector<16xi1>
        %eq3A_224 = arith.constant 13 : i32
        %eq3A_225 = vector.broadcast %eq3A_224 : i32 to vector<16xi32>
        %eq3A_226 = arith.cmpi eq, %iota3A, %eq3A_225 : vector<16xi32>
        %and3A_227 = arith.andi %eq3A_226, %and3A_158 : vector<16xi1>
        tpu.vector_store_idx %arg19[%select_n3A_167], %broadcast_in_dim3A_101 masked %and3A_227 {add = true} : memref<6912xi32, #tpu.memory_space<vmem>>[vector<16xi32>], vector<16xi32>, vector<16xi1>
        tpu.vector_store_idx %arg20[%select_n3A_167], %get3A_169 masked %and3A_227 {add = true} : memref<6912xf32, #tpu.memory_space<vmem>>[vector<16xi32>], vector<16xf32>, vector<16xi1>
        tpu.vector_store_idx %arg21[%select_n3A_167], %get3A_171 masked %and3A_227 {add = true} : memref<6912xf32, #tpu.memory_space<vmem>>[vector<16xi32>], vector<16xf32>, vector<16xi1>
        %eq3A_228 = arith.constant 14 : i32
        %eq3A_229 = vector.broadcast %eq3A_228 : i32 to vector<16xi32>
        %eq3A_230 = arith.cmpi eq, %iota3A, %eq3A_229 : vector<16xi32>
        %and3A_231 = arith.andi %eq3A_230, %and3A_158 : vector<16xi1>
        tpu.vector_store_idx %arg19[%select_n3A_167], %broadcast_in_dim3A_101 masked %and3A_231 {add = true} : memref<6912xi32, #tpu.memory_space<vmem>>[vector<16xi32>], vector<16xi32>, vector<16xi1>
        tpu.vector_store_idx %arg20[%select_n3A_167], %get3A_169 masked %and3A_231 {add = true} : memref<6912xf32, #tpu.memory_space<vmem>>[vector<16xi32>], vector<16xf32>, vector<16xi1>
        tpu.vector_store_idx %arg21[%select_n3A_167], %get3A_171 masked %and3A_231 {add = true} : memref<6912xf32, #tpu.memory_space<vmem>>[vector<16xi32>], vector<16xf32>, vector<16xi1>
        %eq3A_232 = arith.constant 15 : i32
        %eq3A_233 = vector.broadcast %eq3A_232 : i32 to vector<16xi32>
        %eq3A_234 = arith.cmpi eq, %iota3A, %eq3A_233 : vector<16xi32>
        %and3A_235 = arith.andi %eq3A_234, %and3A_158 : vector<16xi1>
        tpu.vector_store_idx %arg19[%select_n3A_167], %broadcast_in_dim3A_101 masked %and3A_235 {add = true} : memref<6912xi32, #tpu.memory_space<vmem>>[vector<16xi32>], vector<16xi32>, vector<16xi1>
        tpu.vector_store_idx %arg20[%select_n3A_167], %get3A_169 masked %and3A_235 {add = true} : memref<6912xf32, #tpu.memory_space<vmem>>[vector<16xi32>], vector<16xf32>, vector<16xi1>
        tpu.vector_store_idx %arg21[%select_n3A_167], %get3A_171 masked %and3A_235 {add = true} : memref<6912xf32, #tpu.memory_space<vmem>>[vector<16xi32>], vector<16xf32>, vector<16xi1>
        %while3A_236 = arith.constant 0 : i32
        scf.yield %while3A_236 : i32
      }
      %scan3A_138 = arith.constant 0 : i32
      %scan3A_139 = arith.constant 0 : i32
      %scan3A_140 = arith.constant 48 : i32
      %scan3A_141 = arith.addi %scan3A_139, %scan3A_140 : i32
      %scan3A_142 = arith.constant 1 : i32
      %scan3A_143 = scf.for %scan3A_145 = %scan3A_139 to %scan3A_141 step %scan3A_142 iter_args(%scan3A_146 = %scan3A_138) -> (i32)  : i32 {
        %scan3A_147 = arith.constant 0 : i32
        %scan3A_148 = arith.constant 0 : i32
        %scan3A_149 = arith.constant 9 : i32
        %scan3A_150 = arith.addi %scan3A_148, %scan3A_149 : i32
        %scan3A_151 = arith.constant 1 : i32
        %scan3A_152 = scf.for %scan3A_165 = %scan3A_148 to %scan3A_150 step %scan3A_151 iter_args(%scan3A_166 = %scan3A_147) -> (i32)  : i32 {
          %mul3A_167 = arith.constant 144 : i32
          %mul3A_168 = arith.muli %scan3A_145, %mul3A_167 : i32
          %mul3A_169 = arith.constant 16 : i32
          %mul3A_170 = arith.muli %scan3A_165, %mul3A_169 : i32
          %add3A_171 = arith.addi %mul3A_168, %mul3A_170 : i32
          %get3A = arith.index_cast %add3A_171 : i32 to index
          %get3A_172 = tpu.vector_load %arg19[%get3A] {strides = array<i32>} : memref<6912xi32, #tpu.memory_space<vmem>>, vector<16xi32>,
          %gt3A = arith.constant 0 : i32
          %gt3A_173 = vector.broadcast %gt3A : i32 to vector<16xi32>
          %gt3A_174 = arith.cmpi sgt, %get3A_172, %gt3A_173 : vector<16xi32>
          %convert_element_type3A_175 = arith.extui %gt3A_174 : vector<16xi1> to vector<16xi32>
          %reduce_sum3A = arith.constant true
          %reduce_sum3A_176 = vector.broadcast %reduce_sum3A : i1 to vector<16xi1>
          %reduce_sum3A_177 = tpu.scan <sum>, %convert_element_type3A_175 masked %reduce_sum3A_176 : vector<16xi32>, vector<16xi1> -> vector<16xi32>
          %reduce_sum3A_178 = vector.extract %reduce_sum3A_177[15] : i32 from vector<16xi32>
          %add3A_179 = arith.addi %scan3A_166, %reduce_sum3A_178 : i32
          scf.yield %add3A_179 : i32
        }
        %scan3A_153 = arith.constant 9 : i32
        %ge3A = arith.constant 2 : i32
        %ge3A_154 = arith.cmpi sge, %scan3A_152, %ge3A : i32
        %lt3A_155 = arith.constant 4 : i32
        %lt3A_156 = arith.cmpi slt, %scan3A_146, %lt3A_155 : i32
        %and3A_157 = arith.andi %ge3A_154, %lt3A_156 : i1
        %convert_element_type3A_158 = arith.extui %and3A_157 : i1 to i32
        %cond3A_159 = arith.constant 0 : i32
        %cond3A_160 = arith.cmpi ne, %convert_element_type3A_158, %cond3A_159 : i32
        scf.if %cond3A_160 {
          %scan3A_165 = arith.constant 0 : i32
          %scan3A_166 = arith.constant 0 : i32
          %scan3A_167 = arith.constant 9 : i32
          %scan3A_168 = arith.addi %scan3A_166, %scan3A_167 : i32
          %scan3A_169 = arith.constant 1 : i32
          %scan3A_170 = scf.for %scan3A_177 = %scan3A_166 to %scan3A_168 step %scan3A_169 iter_args(%scan3A_178 = %scan3A_165) -> (i32)  : i32 {
            %sub3A_179 = arith.constant 8 : i32
            %sub3A_180 = arith.subi %sub3A_179, %scan3A_177 : i32
            %mul3A_181 = arith.constant 144 : i32
            %mul3A_182 = arith.muli %scan3A_145, %mul3A_181 : i32
            %mul3A_183 = arith.constant 16 : i32
            %mul3A_184 = arith.muli %sub3A_180, %mul3A_183 : i32
            %add3A_185 = arith.addi %mul3A_182, %mul3A_184 : i32
            %get3A = arith.index_cast %add3A_185 : i32 to index
            %get3A_186 = tpu.vector_load %arg19[%get3A] {strides = array<i32>} : memref<6912xi32, #tpu.memory_space<vmem>>, vector<16xi32>,
            %gt3A = arith.constant 0 : i32
            %gt3A_187 = vector.broadcast %gt3A : i32 to vector<16xi32>
            %gt3A_188 = arith.cmpi sgt, %get3A_186, %gt3A_187 : vector<16xi32>
            %convert_element_type3A_189 = arith.extui %gt3A_188 : vector<16xi1> to vector<16xi32>
            %jit3A_190 = arith.constant 1 : i32
            %broadcast_in_dim3A_191 = vector.broadcast %jit3A_190 : i32 to vector<16xi32>
            %select_n3A_192 = arith.select %gt3A_188, %get3A_186, %broadcast_in_dim3A_191 : vector<16xi1>, vector<16xi32>
            %convert_element_type3A_193 = arith.sitofp %select_n3A_192 : vector<16xi32> to vector<16xf32>
            %get3A_194 = arith.index_cast %add3A_185 : i32 to index
            %get3A_195 = tpu.vector_load %arg20[%get3A_194] {strides = array<i32>} : memref<6912xf32, #tpu.memory_space<vmem>>, vector<16xf32>,
            %div3A_196 = arith.divf %get3A_195, %convert_element_type3A_193 : vector<16xf32>
            %get3A_197 = arith.index_cast %add3A_185 : i32 to index
            %get3A_198 = tpu.vector_load %arg21[%get3A_197] {strides = array<i32>} : memref<6912xf32, #tpu.memory_space<vmem>>, vector<16xf32>,
            %div3A_199 = arith.divf %get3A_198, %convert_element_type3A_193 : vector<16xf32>
            %mul3A_200 = arith.constant 16 : i32
            %mul3A_201 = arith.muli %sub3A_180, %mul3A_200 : i32
            %add3A_202 = vector.broadcast %mul3A_201 : i32 to vector<16xi32>
            %add3A_203 = arith.addi %iota3A, %add3A_202 : vector<16xi32>
            %convert_element_type3A_204 = arith.sitofp %add3A_203 : vector<16xi32> to vector<16xf32>
            %add3A_205 = arith.constant 5.000000e-01 : f32
            %add3A_206 = vector.broadcast %add3A_205 : f32 to vector<16xf32>
            %add3A_207 = arith.addf %convert_element_type3A_204, %add3A_206 : vector<16xf32>
            %sub3A_208 = arith.constant 1.000000e+02 : f32
            %sub3A_209 = vector.broadcast %sub3A_208 : f32 to vector<16xf32>
            %sub3A_210 = arith.subf %sub3A_209, %add3A_207 : vector<16xf32>
            %mul3A_211 = arith.constant 5.000000e-01 : f32
            %mul3A_212 = vector.broadcast %mul3A_211 : f32 to vector<16xf32>
            %mul3A_213 = arith.mulf %sub3A_210, %mul3A_212 : vector<16xf32>
            %mul3A_214 = arith.constant 5.000000e-01 : f32
            %mul3A_215 = vector.broadcast %mul3A_214 : f32 to vector<16xf32>
            %mul3A_216 = arith.mulf %mul3A_215, %div3A_196 : vector<16xf32>
            %sub3A_217 = arith.constant 6.400000e+01 : f32
            %sub3A_218 = vector.broadcast %sub3A_217 : f32 to vector<16xf32>
            %sub3A_219 = arith.subf %sub3A_218, %mul3A_216 : vector<16xf32>
            %rev3A = arith.constant 15 : i32
            %rev3A_220 = vector.broadcast %rev3A : i32 to vector<16xi32>
            %rev3A_221 = tpu.iota {dimensions = array<i32: 0>} : vector<16xi32>
            %rev3A_222 = arith.subi %rev3A_220, %rev3A_221 : vector<16xi32>
            %rev3A_223 = tpu.dynamic_gather %convert_element_type3A_189[%rev3A_222] in [0] : vector<16xi32>, vector<16xi32> -> vector<16xi32>
            %broadcast_in_dim3A_224 = arith.constant true
            %broadcast_in_dim3A_225 = vector.broadcast %broadcast_in_dim3A_224 : i1 to vector<16xi1>
            %masked_cumsum3A = tpu.scan <sum>, %rev3A_223 masked %broadcast_in_dim3A_225 : vector<16xi32>, vector<16xi1> -> vector<16xi32>
            %rev3A_226 = arith.constant 15 : i32
            %rev3A_227 = vector.broadcast %rev3A_226 : i32 to vector<16xi32>
            %rev3A_228 = tpu.iota {dimensions = array<i32: 0>} : vector<16xi32>
            %rev3A_229 = arith.subi %rev3A_227, %rev3A_228 : vector<16xi32>
            %rev3A_230 = tpu.dynamic_gather %masked_cumsum3A[%rev3A_229] in [0] : vector<16xi32>, vector<16xi32> -> vector<16xi32>
            %sub3A_231 = arith.subi %rev3A_230, %convert_element_type3A_189 : vector<16xi32>
            %add3A_232 = vector.broadcast %scan3A_178 : i32 to vector<16xi32>
            %add3A_233 = arith.addi %sub3A_231, %add3A_232 : vector<16xi32>
            %mul3A_234 = arith.constant 144 : i32
            %mul3A_235 = arith.muli %scan3A_146, %mul3A_234 : i32
            %add3A_236 = vector.broadcast %mul3A_235 : i32 to vector<16xi32>
            %add3A_237 = arith.addi %add3A_233, %add3A_236 : vector<16xi32>
            tpu.vector_store_idx %arg22[%add3A_237], %mul3A_213 masked %gt3A_188 : memref<576xf32, #tpu.memory_space<vmem>>[vector<16xi32>], vector<16xf32>, vector<16xi1>
            tpu.vector_store_idx %arg23[%add3A_237], %sub3A_219 masked %gt3A_188 : memref<576xf32, #tpu.memory_space<vmem>>[vector<16xi32>], vector<16xf32>, vector<16xi1>
            tpu.vector_store_idx %arg24[%add3A_237], %div3A_199 masked %gt3A_188 : memref<576xf32, #tpu.memory_space<vmem>>[vector<16xi32>], vector<16xf32>, vector<16xi1>
            %reduce_sum3A = arith.constant true
            %reduce_sum3A_238 = vector.broadcast %reduce_sum3A : i1 to vector<16xi1>
            %reduce_sum3A_239 = tpu.scan <sum>, %convert_element_type3A_189 masked %reduce_sum3A_238 : vector<16xi32>, vector<16xi1> -> vector<16xi32>
            %reduce_sum3A_240 = vector.extract %reduce_sum3A_239[15] : i32 from vector<16xi32>
            %add3A_241 = arith.addi %scan3A_178, %reduce_sum3A_240 : i32
            scf.yield %add3A_241 : i32
          }
          %scan3A_171 = arith.constant 9 : i32
          %broadcast_in_dim3A_172 = vector.broadcast %scan3A_146 : i32 to vector<16xi32>
          %broadcast_in_dim3A_173 = vector.broadcast %scan3A_170 : i32 to vector<16xi32>
          %eq3A_174 = arith.constant 0 : i32
          %eq3A_175 = vector.broadcast %eq3A_174 : i32 to vector<16xi32>
          %eq3A_176 = arith.cmpi eq, %iota3A, %eq3A_175 : vector<16xi32>
          tpu.vector_store_idx %arg25[%broadcast_in_dim3A_172], %broadcast_in_dim3A_173 masked %eq3A_176 : memref<16xi32, #tpu.memory_space<vmem>>[vector<16xi32>], vector<16xi32>, vector<16xi1>
        } else {
        }
        %jit3A_161 = arith.constant 1 : i32
        %jit3A_162 = arith.constant 0 : i32
        %select_n3A_163 = arith.select %ge3A_154, %jit3A_161, %jit3A_162 : i32
        %add3A_164 = arith.addi %scan3A_146, %select_n3A_163 : i32
        scf.yield %add3A_164 : i32
      }
      %scan3A_144 = arith.constant 48 : i32
      "tpu.region"() ({
        %run_scoped3A = tpu.sem_alloc : memref<!tpu.dma_semaphore, #tpu.memory_space<semaphore_mem>>
        %dma_start3A = arith.constant 0 : i32
        %dma_start3A_145 = tpu.memref_slice %arg6[%add3A, %dma_start3A] : memref<4x576xf32, #tpu.memory_space<hbm>> -> memref<1x576xf32, #tpu.memory_space<hbm>>
        %dma_start3A_146 = tpu.memref_squeeze %dma_start3A_145 : memref<1x576xf32, #tpu.memory_space<hbm>> -> memref<576xf32, #tpu.memory_space<hbm>>
        %dma_start3A_147 = arith.constant 0 : i32
        %dma_start3A_148 = tpu.memref_slice %arg6[%add3A, %dma_start3A_147] : memref<4x576xf32, #tpu.memory_space<hbm>> -> memref<1x576xf32, #tpu.memory_space<hbm>>
        %dma_start3A_149 = tpu.memref_squeeze %dma_start3A_148 : memref<1x576xf32, #tpu.memory_space<hbm>> -> memref<576xf32, #tpu.memory_space<hbm>>
        tpu.enqueue_dma source(%arg22 : memref<576xf32, #tpu.memory_space<vmem>>) target(%dma_start3A_149 : memref<576xf32, #tpu.memory_space<hbm>>) target_semaphore(%run_scoped3A : memref<!tpu.dma_semaphore, #tpu.memory_space<semaphore_mem>>)
        %dma_wait3A = arith.constant 0 : i32
        %dma_wait3A_150 = tpu.memref_slice %arg6[%add3A, %dma_wait3A] : memref<4x576xf32, #tpu.memory_space<hbm>> -> memref<1x576xf32, #tpu.memory_space<hbm>>
        %dma_wait3A_151 = tpu.memref_squeeze %dma_wait3A_150 : memref<1x576xf32, #tpu.memory_space<hbm>> -> memref<576xf32, #tpu.memory_space<hbm>>
        %dma_wait3A_152 = arith.constant 0 : i32
        %dma_wait3A_153 = tpu.memref_slice %arg6[%add3A, %dma_wait3A_152] : memref<4x576xf32, #tpu.memory_space<hbm>> -> memref<1x576xf32, #tpu.memory_space<hbm>>
        %dma_wait3A_154 = tpu.memref_squeeze %dma_wait3A_153 : memref<1x576xf32, #tpu.memory_space<hbm>> -> memref<576xf32, #tpu.memory_space<hbm>>
        tpu.wait_dma2 semaphore(%run_scoped3A : memref<!tpu.dma_semaphore, #tpu.memory_space<semaphore_mem>>) src(%arg22 : memref<576xf32, #tpu.memory_space<vmem>>) dst(%dma_wait3A_154 : memref<576xf32, #tpu.memory_space<hbm>>)
        tpu.yield
      }) : () -> ()
      "tpu.region"() ({
        %run_scoped3A = tpu.sem_alloc : memref<!tpu.dma_semaphore, #tpu.memory_space<semaphore_mem>>
        %dma_start3A = arith.constant 0 : i32
        %dma_start3A_145 = tpu.memref_slice %arg7[%add3A, %dma_start3A] : memref<4x576xf32, #tpu.memory_space<hbm>> -> memref<1x576xf32, #tpu.memory_space<hbm>>
        %dma_start3A_146 = tpu.memref_squeeze %dma_start3A_145 : memref<1x576xf32, #tpu.memory_space<hbm>> -> memref<576xf32, #tpu.memory_space<hbm>>
        %dma_start3A_147 = arith.constant 0 : i32
        %dma_start3A_148 = tpu.memref_slice %arg7[%add3A, %dma_start3A_147] : memref<4x576xf32, #tpu.memory_space<hbm>> -> memref<1x576xf32, #tpu.memory_space<hbm>>
        %dma_start3A_149 = tpu.memref_squeeze %dma_start3A_148 : memref<1x576xf32, #tpu.memory_space<hbm>> -> memref<576xf32, #tpu.memory_space<hbm>>
        tpu.enqueue_dma source(%arg23 : memref<576xf32, #tpu.memory_space<vmem>>) target(%dma_start3A_149 : memref<576xf32, #tpu.memory_space<hbm>>) target_semaphore(%run_scoped3A : memref<!tpu.dma_semaphore, #tpu.memory_space<semaphore_mem>>)
        %dma_wait3A = arith.constant 0 : i32
        %dma_wait3A_150 = tpu.memref_slice %arg7[%add3A, %dma_wait3A] : memref<4x576xf32, #tpu.memory_space<hbm>> -> memref<1x576xf32, #tpu.memory_space<hbm>>
        %dma_wait3A_151 = tpu.memref_squeeze %dma_wait3A_150 : memref<1x576xf32, #tpu.memory_space<hbm>> -> memref<576xf32, #tpu.memory_space<hbm>>
        %dma_wait3A_152 = arith.constant 0 : i32
        %dma_wait3A_153 = tpu.memref_slice %arg7[%add3A, %dma_wait3A_152] : memref<4x576xf32, #tpu.memory_space<hbm>> -> memref<1x576xf32, #tpu.memory_space<hbm>>
        %dma_wait3A_154 = tpu.memref_squeeze %dma_wait3A_153 : memref<1x576xf32, #tpu.memory_space<hbm>> -> memref<576xf32, #tpu.memory_space<hbm>>
        tpu.wait_dma2 semaphore(%run_scoped3A : memref<!tpu.dma_semaphore, #tpu.memory_space<semaphore_mem>>) src(%arg23 : memref<576xf32, #tpu.memory_space<vmem>>) dst(%dma_wait3A_154 : memref<576xf32, #tpu.memory_space<hbm>>)
        tpu.yield
      }) : () -> ()
      "tpu.region"() ({
        %run_scoped3A = tpu.sem_alloc : memref<!tpu.dma_semaphore, #tpu.memory_space<semaphore_mem>>
        %dma_start3A = arith.constant 0 : i32
        %dma_start3A_145 = tpu.memref_slice %arg8[%add3A, %dma_start3A] : memref<4x576xf32, #tpu.memory_space<hbm>> -> memref<1x576xf32, #tpu.memory_space<hbm>>
        %dma_start3A_146 = tpu.memref_squeeze %dma_start3A_145 : memref<1x576xf32, #tpu.memory_space<hbm>> -> memref<576xf32, #tpu.memory_space<hbm>>
        %dma_start3A_147 = arith.constant 0 : i32
        %dma_start3A_148 = tpu.memref_slice %arg8[%add3A, %dma_start3A_147] : memref<4x576xf32, #tpu.memory_space<hbm>> -> memref<1x576xf32, #tpu.memory_space<hbm>>
        %dma_start3A_149 = tpu.memref_squeeze %dma_start3A_148 : memref<1x576xf32, #tpu.memory_space<hbm>> -> memref<576xf32, #tpu.memory_space<hbm>>
        tpu.enqueue_dma source(%arg24 : memref<576xf32, #tpu.memory_space<vmem>>) target(%dma_start3A_149 : memref<576xf32, #tpu.memory_space<hbm>>) target_semaphore(%run_scoped3A : memref<!tpu.dma_semaphore, #tpu.memory_space<semaphore_mem>>)
        %dma_wait3A = arith.constant 0 : i32
        %dma_wait3A_150 = tpu.memref_slice %arg8[%add3A, %dma_wait3A] : memref<4x576xf32, #tpu.memory_space<hbm>> -> memref<1x576xf32, #tpu.memory_space<hbm>>
        %dma_wait3A_151 = tpu.memref_squeeze %dma_wait3A_150 : memref<1x576xf32, #tpu.memory_space<hbm>> -> memref<576xf32, #tpu.memory_space<hbm>>
        %dma_wait3A_152 = arith.constant 0 : i32
        %dma_wait3A_153 = tpu.memref_slice %arg8[%add3A, %dma_wait3A_152] : memref<4x576xf32, #tpu.memory_space<hbm>> -> memref<1x576xf32, #tpu.memory_space<hbm>>
        %dma_wait3A_154 = tpu.memref_squeeze %dma_wait3A_153 : memref<1x576xf32, #tpu.memory_space<hbm>> -> memref<576xf32, #tpu.memory_space<hbm>>
        tpu.wait_dma2 semaphore(%run_scoped3A : memref<!tpu.dma_semaphore, #tpu.memory_space<semaphore_mem>>) src(%arg24 : memref<576xf32, #tpu.memory_space<vmem>>) dst(%dma_wait3A_154 : memref<576xf32, #tpu.memory_space<hbm>>)
        tpu.yield
      }) : () -> ()
      "tpu.region"() ({
        %run_scoped3A = tpu.sem_alloc : memref<!tpu.dma_semaphore, #tpu.memory_space<semaphore_mem>>
        %dma_start3A = arith.constant 0 : i32
        %dma_start3A_145 = tpu.memref_slice %arg9[%add3A, %dma_start3A] : memref<4x16xi32, #tpu.memory_space<hbm>> -> memref<1x16xi32, #tpu.memory_space<hbm>>
        %dma_start3A_146 = tpu.memref_squeeze %dma_start3A_145 : memref<1x16xi32, #tpu.memory_space<hbm>> -> memref<16xi32, #tpu.memory_space<hbm>>
        %dma_start3A_147 = arith.constant 0 : i32
        %dma_start3A_148 = tpu.memref_slice %arg9[%add3A, %dma_start3A_147] : memref<4x16xi32, #tpu.memory_space<hbm>> -> memref<1x16xi32, #tpu.memory_space<hbm>>
        %dma_start3A_149 = tpu.memref_squeeze %dma_start3A_148 : memref<1x16xi32, #tpu.memory_space<hbm>> -> memref<16xi32, #tpu.memory_space<hbm>>
        tpu.enqueue_dma source(%arg25 : memref<16xi32, #tpu.memory_space<vmem>>) target(%dma_start3A_149 : memref<16xi32, #tpu.memory_space<hbm>>) target_semaphore(%run_scoped3A : memref<!tpu.dma_semaphore, #tpu.memory_space<semaphore_mem>>)
        %dma_wait3A = arith.constant 0 : i32
        %dma_wait3A_150 = tpu.memref_slice %arg9[%add3A, %dma_wait3A] : memref<4x16xi32, #tpu.memory_space<hbm>> -> memref<1x16xi32, #tpu.memory_space<hbm>>
        %dma_wait3A_151 = tpu.memref_squeeze %dma_wait3A_150 : memref<1x16xi32, #tpu.memory_space<hbm>> -> memref<16xi32, #tpu.memory_space<hbm>>
        %dma_wait3A_152 = arith.constant 0 : i32
        %dma_wait3A_153 = tpu.memref_slice %arg9[%add3A, %dma_wait3A_152] : memref<4x16xi32, #tpu.memory_space<hbm>> -> memref<1x16xi32, #tpu.memory_space<hbm>>
        %dma_wait3A_154 = tpu.memref_squeeze %dma_wait3A_153 : memref<1x16xi32, #tpu.memory_space<hbm>> -> memref<16xi32, #tpu.memory_space<hbm>>
        tpu.wait_dma2 semaphore(%run_scoped3A : memref<!tpu.dma_semaphore, #tpu.memory_space<semaphore_mem>>) src(%arg25 : memref<16xi32, #tpu.memory_space<vmem>>) dst(%dma_wait3A_154 : memref<16xi32, #tpu.memory_space<hbm>>)
        tpu.yield
      }) : () -> ()
    } else {
    }
    return
  }
}

</mosaic_0001>

<sc_bundles>
// kernel: kernel.3.cloned.1.call-start
scs
__scs_entry_jumppad:
0x0: {  	(pc) =	sbr.rel $0x88, $3  }
0x1: {  	(tag) =	ssettag $0x0;
	lr =	simm.s32 $0x1  }
0x2: {  	[smem:$0x3F9D] =	sst lr;
	_ =	strace $0xD0000000  }
0x3: {  	_ = 	snop  }
0x4: {  	_ = 	snop  }
0x5: {  	_ = 	snop  }
0x6: {  	_ = 	snop  }
0x7: {  	_ = 	snop  }
__scs_overlays_trampoline_lowered:
0x8: {  	[smem:$0x3FAC] =	sst s0  }
0x9: {  	[smem:$0x3FAD] =	sst s1  }
0xa: {  	[smem:$0x3FAE] =	sst s2  }
0xb: {  	[smem:$0x3FAF] =	sst s3  }
0xc: {  	[smem:$0x3FB0] =	sst s4  }
0xd: {  	[smem:$0x3FB1] =	sst s5  }
0xe: {  	[smem:$0x3FB2] =	sst s6  }
0xf: {  	[smem:$0x3FB3] =	sst s7  }
0x10: {  	[smem:$0x3FB4] =	sst s8  }
0x11: {  	[smem:$0x3FB5] =	sst s9;
	s0 =	simm.s32 @!p0 $0x0  }
0x12: {  	s1 =	sld [smem:$0x3F9B];
	s0 =	simm.s32 @p0 $0x1  }
0x13: {  	[smem:$0x3FB6] =	sst s0;
	s0 =	simm.s32 @!p1 $0x0  }
0x14: {  	s2 =	sld [smem:$0x3F9A];
	s0 =	simm.s32 @p1 $0x1  }
0x15: {  	[smem:$0x3FB7] =	sst s0;
	s0 =	simm.s32 @!p2 $0x0  }
0x16: {  	s3 =	sld [smem:$0x3FDB];
	s0 =	simm.s32 @p2 $0x1  }
0x17: {  	s4 =	simm.s32 $0x1BF5;
	[smem:$0x3FB9] =	sst s0  }
0x18: {  	s0 =	sld [smem:$0x3F9C];
	_ =	swait.ge [sflag:s4], $0x0  }
0x19: {  	s7 =	sld [smem:$0x3F9D]  }
0x1a: {  	s8 =	sadd.s32 $0xFFFFE003, lr  }
0x1b: {  	s9 =	sadd.s32 $0xFFFFFEF7, lr;
	s5 =	simm.s32 $0xFFFFFFFF;
	p2 =	slt.u32 s8, $0xFFFFF086  }
0x1c: {  	p1 =	slt.u32 s9, $0xF7A;
	s5 =	simm.s32 @!p2 $0x0  }
0x1d: {  	s5 =	simm.s32 @p1 $0x1;
	p0 =	seq.s32 s7, s2  }
0x1e: {  	s7 =	smul.u32 @!p0 $0xF7A, s2;
	p2 =	seq.s32 @!p0 s5, $0x0  }
0x1f: {  	s9 =	smul.u32 $0xF7A, s1;
	s8 =	simm.s32 @!p0 $0x1BF5;
	p2 =	por !p2, p0  }
0x20: {  	[sflag:s8] =	ssyncset.s32 @!p0 $0xFFFFF086;
	s6 =	sadd.s32 @!p0 s3, s7;
	s7 =	simm.s32 @!p0 $0x108  }
0x21: {  	s3 =	sadd.s32 s3, s9;
	s6 =	sadd.s32 @!p0 $0x88, s6;
	s7 =	simm.s32 @p2 $0x1082  }
0x22: {  	[simem:s7], [sflag:s8] =	dma.local @!p0 [hbm:s6], $0xF7A  }
0x23: {  	s9 =	sor.u32 $0xD0000000, s2;
	s6 =	simm.s32 $0x108;
	_ =	swait.ge @!p0 [sflag:s8], $0x0  }
0x24: {  	s3 =	sadd.s32 $0x88, s3;
	s6 =	simm.s32 @!p1 $0x1082;
	[sflag:s4] =	ssyncset.s32 $0xFFFFF086  }
0x25: {  	[simem:s6], [sflag:s4] =	dma.local [hbm:s3], $0xF7A  }
0x26: {  	[smem:$0x3F9D] =	sst s1;
	(tag) =	ssettag s2;
	_ =	strace s9  }
0x27: {  	s1 =	sld [smem:$0x3FAD]  }
0x28: {  	s2 =	sld [smem:$0x3FAE]  }
0x29: {  	s4 =	sld [smem:$0x3FB0]  }
0x2a: {  	p0 =	seq.s32 s5, $0x0;
	s5 =	sld [smem:$0x3FB1]  }
0x2b: {  	s6 =	sld [smem:$0x3FB2]  }
0x2c: {  	s7 =	sld [smem:$0x3FB3]  }
0x2d: {  	s3 =	simm.s32 $0x108;
	s8 =	sld [smem:$0x3FB4]  }
0x2e: {  	s3 =	simm.s32 @!p0 $0x1082;
	s9 =	sld [smem:$0x3FB5]  }
0x2f: {  	lr =	sadd.s32 s0, s3;
	s0 =	sld [smem:$0x3FAC]  }
0x30: {  	s3 =	sld [smem:$0x3FAF]  }
0x31: {  	[smem:$0x3FB8] =	sst s10  }
0x32: {  	s10 =	sld [smem:$0x3FB6];
	_ =	sdelay $0x3  }
0x33: {  	p0 =	seq.s32 s10, $0x1;
	s10 =	sld [smem:$0x3FB8];
	_ =	sdelay $0x3  }
0x34: {  	[smem:$0x3FB8] =	sst s10  }
0x35: {  	s10 =	sld [smem:$0x3FB7];
	_ =	sdelay $0x3  }
0x36: {  	p1 =	seq.s32 s10, $0x1;
	s10 =	sld [smem:$0x3FB8];
	_ =	sdelay $0x3  }
0x37: {  	[smem:$0x3FB8] =	sst s10  }
0x38: {  	s10 =	sld [smem:$0x3FB9]  }
0x39: {  	_ = 	snop;
	(pc) =	sbr.ind lr, $3  }
0x3a: {  	_ = 	snop  }
0x3b: {  	_ = 	snop  }
0x3c: {  	p2 =	seq.s32 s10, $0x1;
	s10 =	sld [smem:$0x3FB8]  }
0x3d: {  	_ =	shalt  }
0x3e: {  	_ =	shalt  }
0x3f: {  	_ =	shalt  }
0x40: {  	_ =	shalt  }
0x41: {  	_ =	shalt  }
0x42: {  	_ =	shalt  }
0x43: {  	_ =	shalt  }
0x44: {  	_ =	shalt  }
0x45: {  	_ =	shalt  }
0x46: {  	_ =	shalt  }
0x47: {  	_ =	shalt  }
0x48: {  	_ =	shalt  }
0x49: {  	_ =	shalt  }
0x4a: {  	_ =	shalt  }
0x4b: {  	_ =	shalt  }
0x4c: {  	_ =	shalt  }
0x4d: {  	_ =	shalt  }
0x4e: {  	_ =	shalt  }
0x4f: {  	_ =	shalt  }
0x50: {  	_ =	shalt  }
0x51: {  	_ =	shalt  }
0x52: {  	_ =	shalt  }
0x53: {  	_ =	shalt  }
0x54: {  	_ =	shalt  }
0x55: {  	_ =	shalt  }
0x56: {  	_ =	shalt  }
0x57: {  	_ =	shalt  }
0x58: {  	_ =	shalt  }
0x59: {  	_ =	shalt  }
0x5a: {  	_ =	shalt  }
0x5b: {  	_ =	shalt  }
0x5c: {  	_ =	shalt  }
0x5d: {  	_ =	shalt  }
0x5e: {  	_ =	shalt  }
0x5f: {  	_ =	shalt  }
0x60: {  	_ =	shalt  }
0x61: {  	_ =	shalt  }
0x62: {  	_ =	shalt  }
0x63: {  	_ =	shalt  }
0x64: {  	_ =	shalt  }
0x65: {  	_ =	shalt  }
0x66: {  	_ =	shalt  }
0x67: {  	_ =	shalt  }
0x68: {  	_ =	shalt  }
0x69: {  	_ =	shalt  }
0x6a: {  	_ =	shalt  }
0x6b: {  	_ =	shalt  }
0x6c: {  	_ =	shalt  }
0x6d: {  	_ =	shalt  }
0x6e: {  	_ =	shalt  }
0x6f: {  	_ =	shalt  }
0x70: {  	_ =	shalt  }
0x71: {  	_ =	shalt  }
0x72: {  	_ =	shalt  }
0x73: {  	_ =	shalt  }
0x74: {  	_ =	shalt  }
0x75: {  	_ =	shalt  }
0x76: {  	_ =	shalt  }
0x77: {  	_ =	shalt  }
0x78: {  	_ =	shalt  }
0x79: {  	_ =	shalt  }
0x7a: {  	_ =	shalt  }
0x7b: {  	_ =	shalt  }
0x7c: {  	_ =	shalt  }
0x7d: {  	_ =	shalt  }
0x7e: {  	_ =	shalt  }
0x7f: {  	_ =	shalt  }
0x80: {  	_ =	shalt  }
0x81: {  	_ =	shalt  }
0x82: {  	_ =	shalt  }
0x83: {  	_ =	shalt  }
0x84: {  	_ =	shalt  }
0x85: {  	_ =	shalt  }
0x86: {  	_ =	shalt  }
0x87: {  	_ =	shalt  }
.Lfunc_end0:
.L_simem_size_0:
called_computation_lowered:
.L_overlay_start_0:
0x88: {  	s2 =	sld [smem:$0x3FD9]  }
0x89: {  	s3 =	sld [smem:$0x3FFE];
	_ =	sdelay $0x1  }
0x8a: {  	s1 =	srdreg.scid  }
0x8b: {  	s0 =	sand.u32 $0x1, s1  }
0x8c: {  	s14 =	sshll.u32 s0, $0xA;
	s2 =	sadd.s32 s3, s2  }
0x8d: {  	s2 =	sadd.s32 s2, s14  }
0x8e: {  	[smem:$0x3FC4] =	sst s2  }
0x8f: {  	_ = 	snop  }
0x90: {  	s2 =	sld [smem:$0x3FD0];
	_ =	sdelay $0x2  }
0x91: {  	s15 =	simm.s32 $0xA;
	s4 =	simm.s32 $0x10  }
0x92: {  	[smem:s4], [sflag:s15] =	dma.local [hbm:s2], $0x1  }
0x93: {  	_ =	swait.eq [sflag:s15], $0x1  }
0x94: {  	[sflag:s15] =	ssyncset.done $0x0  }
0x95: {  	s16 =	sld [smem:$0x10];
	[sflag:s15] =	ssyncadd.s32 $0xFFFFFFFF  }
0x96: {  	s17 =	sld [smem:$0x11];
	(tm) =	ssettm $0x1  }
0x97: {  	s18 =	sld [smem:$0x3FFB];
	_ =	sdelay $0x3  }
0x98: {  	_ =	strace s18  }
0x99: {  	s4 =	sld [smem:$0x3FFC];
	_ =	sdelay $0x3  }
0x9a: {  	_ =	strace s4  }
0x9b: {  	s4 =	sld [smem:$0x3FFD];
	_ =	sdelay $0x3  }
0x9c: {  	_ =	strace s4  }
0x9d: {  	_ =	strace $0x8FFFFFFF  }
0x9e: {  	s19 =	sld [smem:$0x3FDB];
	_ =	sdelay $0x1  }
0x9f: {  	s5 =	simm.s32 $_scs_section_size  }
0xa0: {  	s6 =	simm.s32 $_size__tile_overlayer_lowered;
	s7 =	simm.s32 $_tile_overlayer_lowered  }
0xa1: {  	s22 =	simm.s32 $0x1BFF;
	s21 =	sshll.u32 s7, $0x1;
	s4 =	sadd.s32 s5, s19  }
0xa2: {  	s8 =	simm.s32 $0x0;
	s20 =	sshll.u32 s6, $0x1;
	s6 =	sadd.s32 s21, s4  }
0xa3: {  	[timem:s8], [sflag:s22] =	dma.local [hbm:s6], s20  }
0xa4: {  	_ =	swait.ge [sflag:s22], s20  }
0xa5: {  	s5 =	ssub.s32 $0x0, s20;
	[sflag:s22] =	ssyncset.done $0x0  }
0xa6: {  	[sflag:s22] =	ssyncadd.s32 s5;
	_ =	sdelay $0x1  }
0xa7: {  	s23 =	simm.s32 $0x1B8B  }
0xa8: {  	_ =	swait.ge [sflag:s23], $0x1  }
0xa9: {  	[sflag:s23] =	ssyncset.done $0x0  }
0xaa: {  	s25 =	simm.s32 $0x1B8E;
	s24 =	sld [smem:$0x3FFE];
	[sflag:s23] =	ssyncadd.s32 $0xFFFFFFFF  }
0xab: {  	s26 =	simm.s32 $execute0_lowered;
	[smem:$0x3FD2] =	sst s25  }
0xac: {  	s6 =	sshll.u32 s26, $0x1;
	_ =	strace $0x80000046;
	[dreg:$0x1] =	wrdreg $0xFFFFFFFF  }
0xad: {  	s28 =	simm.s32 $_size_execute0_lowered;
	s4 =	sadd.s32 s4, s6;
	[dreg:$0x0] =	wrdreg $0x0  }
0xae: {  	s6 =	sshll.u32 s28, $0x1;
	[dreg:$0x2] =	wrdreg s4  }
0xaf: {  	[dreg:$0x3] =	wrdreg s6  }
0xb0: {  	[dreg:$0x4] =	wrdreg $0xC0  }
0xb1: {  	_ =	task [dreg:s8], $0x5FFFF  }
0xb2: {  	[dreg:$0x1] =	wrdreg $0xFFFFFFFF  }
0xb3: {  	[dreg:$0x0] =	wrdreg $0x60  }
0xb4: {  	[dreg:$0x2] =	wrdreg s24  }
0xb5: {  	[dreg:$0x3] =	wrdreg s16  }
0xb6: {  	[dreg:$0x4] =	wrdreg s17  }
0xb7: {  	[dreg:$0x5] =	wrdreg $0x9  }
0xb8: {  	_ =	task.clear_ibuf [dreg:s8], $0x6FFFF;
	_ =	strace $0x90000046  }
0xb9: {  	s29 =	simm.s32 $0x9;
	_ =	strace $0x80000048  }
0xba: {  	_ =	swait.ge [sflag:s29], $0x1  }
0xbb: {  	[sflag:s29] =	ssyncadd.s32 $0xFFFFFFFF  }
0xbc: {  	_ =	strace $0x90000048  }
0xbd: {  	_ =	sfence  }
0xbe: {  	s30 =	sld [smem:$0x0];
	_ =	sdelay $0x2  }
0xbf: {  	s31 =	sshll.u32 s1, $0xD;
	s1 =	sshrl.u32 s1, $0x2  }
0xc0: {  	s3 =	sand.u32 $0x4000, s31;
	s1 =	sadd.s32 s1, s30  }
0xc1: {  	s0 =	sor.u32 s3, s0;
	s1 =	sshll.u32 s1, $0x11  }
0xc2: {  	s0 =	sor.u32 s1, s0  }
0xc3: {  	s0 =	sadd.s32 $0x8F2B, s0  }
0xc4: {  	[sflag:s0] =	ssyncadd.remote.s32 $0x1  }
0xc5: {  	_ =	sfence.sel $0xFFFF  }
0xc6: {  	[dreg:$0x0] =	wrdreg $0xFFFFFFFF;
	(pc) =	sbr.abs _section_cstart, $3  }
0xc7: {  	[dreg:$0x1] =	wrdreg $0xFFFFFFFF  }
0xc8: {  	_ =	task.clear_ibuf [dreg:s8], $0x2FFFF;
	_ =	strace $0x9FFFFFFF  }
0xc9: {  	(tm) =	ssettm $0x7FFFFFFF  }
tec
execute0_lowered:
.L_overlay_start_1:
0x0: {  	(tag) =	ssettag $0x1  }
0x1: {  	s4 =	stileid.u32  }
0x2: {  	p0 =	sgt.u32 s4, $0x1  }
.Ltmp0:
0x3: {  	_ = 	snop;
	(pc) =	sbr.rel @p0 .LBB2_149-.Ltmp0, $4  }
0x4: {  	s3 =	rddreg [dreg:$0x0]  }
0x5: {  	s1 =	rddreg [dreg:$0x1];
	s2 =	simm.s32 $0x0  }
0x6: {  	[smem:$0x7FF] =	sst s2  }
0x7: {  	s0 =	rddreg [dreg:$0x2];
	_ =	strace $0x80000047  }
0x8: {  	s4 =	srdreg.scid;
	s5 =	stileid.u32  }
0x9: {  	s4 =	sand.u32 $0x1, s4;
	s5 =	sshll.u32 s5, $0x1  }
0xa: {  	s7 =	sadd.s32 $0x800, s3;
	s5 =	sor.u32 s4, s5  }
0xb: {  	s28 =	simm.s32 $0x14400;
	s6 =	smul.u32 $0x9000, s5;
	s5 =	sshll.u32 s5, $0x4  }
0xc: {  	s29 =	simm.s32 $0x17400;
	s30 =	simm.s32 $0x17800;
	s1 =	sadd.s32 s1, s5  }
0xd: {  	s31 =	simm.s32 $0x19300;
	s0 =	sadd.s32 s0, s5;
	[dreg:$0xe] =	wrdreg s1  }
0xe: {  	s14 =	sadd.s32 s5, s3;
	s25 =	sadd.s32 s7, s5;
	[dreg:$0x11] =	wrdreg s0  }
0xf: {  	s4 =	ssub.s32 $0x2, s4;
	s21 =	sadd.s32 $0x5000, s14;
	[dreg:$0x12] =	wrdreg s25  }
0x10: {  	s23 =	sshrl.u32 s4, $0x1;
	s22 =	sadd.s32 $0x9800, s14;
	[dreg:$0xc] =	wrdreg s21  }
0x11: {  	s5 =	simm.s32 $0x1D080;
	s24 =	sadd.s32 $0x32000, s14;
	[dreg:$0xd] =	wrdreg s22  }
0x12: {  	s6 =	sadd.s32 s6, s3;
	s3 =	sadd.s32 $0x32200, s14;
	[dreg:$0xf] =	wrdreg s24  }
0x13: {  	s1 =	ssub.s32 s4, s23;
	s8 =	sadd.s32 $0xE000, s6;
	[dreg:$0x10] =	wrdreg s3  }
0x14: {  	s25 =	simm.s32 $0x14000;
	s15 =	sadd.s32 $0xE010, s6;
	[dreg:$0x4] =	wrdreg s8  }
0x15: {  	s0 =	simm.s32 $0x1AE00;
	s16 =	sadd.s32 $0xE020, s6;
	[dreg:$0x5] =	wrdreg s15  }
0x16: {  	s4 =	simm.s32 $0x1CE00;
	s17 =	sadd.s32 $0xE030, s6;
	[dreg:$0x6] =	wrdreg s16  }
0x17: {  	s18 =	sadd.s32 $0xE040, s6;
	s19 =	sadd.s32 $0xE050, s6;
	[dreg:$0x7] =	wrdreg s17  }
0x18: {  	s20 =	sadd.s32 $0xE060, s6;
	s6 =	sadd.s32 $0xE070, s6;
	[dreg:$0x8] =	wrdreg s18  }
.Ltmp1:
0x19: {  	s26 =	smax.u32 s1, $0x1;
	[dreg:$0x9] =	wrdreg s19;
	(pc) =	sbr.rel .LBB2_2-.Ltmp1, $4  }
0x1a: {  	v0 =	vimm.s32 $0x0;
	v1 =	vlaneseq.u32;
	v2 =	vimm.s32 $0xF;
	s21 =	simm.s32 $0x1;
	s22 =	simm.s32 $0x9000;
	[dreg:$0xa] =	wrdreg s20  }
0x1b: {  	v5 =	vimm.s32 $0x1;
	v6 =	vimm.f32 $0.0e+00;
	vm0 =	vmmov $0x1;
	s24 =	simm.s32 $0xA000;
	s1 =	simm.s32 $0x1C900;
	[dreg:$0xb] =	wrdreg s6  }
0x1c: {  	vm15 =	vcmask $0x3330;
	vm12 =	vcmask $0xF0C;
	vm13 =	vcmask $0x1714;
	s3 =	simm.s32 $0x1CB80;
	[dreg:$0x13] =	wrdreg s26;
	s19 =	simm.s32 $0x80  }
0x1d: {  	vm14 =	vcmask $0x1310;
	v3 =	vmul.u32 $0x1000, v1;
	v4 =	vmul.u32 $0x400, v1;
	s8 =	simm.s32 $0x200;
	s26 =	simm.s32 $0x12000;
	s6 =	simm.s32 $0x0  }
.LBB2_148:
0x1e: {  	s7 =	rddreg [dreg:$0xe];
	s8 =	simm.s32 $0x200  }
0x1f: {  	[hbm4b:s7+s19] =	stream.strided.scatter [tilespmem:s1], [sflag:$0x1], $0x280, s8, s19, $0x38;
	[tilespmem:$0x1D100] =	vst v63  }
0x20: {  	_ =	swait.ge [sflag:s21], $0x280  }
0x21: {  	[sflag:s21] =	ssyncset.done $0x0  }
0x22: {  	s17 =	rddreg [dreg:$0xf];
	[sflag:s21] =	ssyncadd.s32 $0xFFFFFD80  }
0x23: {  	[hbm4b:s17+s19] =	stream.strided.scatter [tilespmem:s3], [sflag:$0x1], $0x280, s8, s19, $0x38;
	[tilespmem:$0x1D100] =	vst v63  }
0x24: {  	_ =	swait.ge [sflag:s21], $0x280  }
0x25: {  	[sflag:s21] =	ssyncset.done $0x0  }
0x26: {  	s18 =	rddreg [dreg:$0x10];
	[sflag:s21] =	ssyncadd.s32 $0xFFFFFD80  }
0x27: {  	[hbm4b:s18+s19] =	stream.strided.scatter [tilespmem:s4], [sflag:$0x1], $0x280, s8, s19, $0x38;
	[tilespmem:$0x1D100] =	vst v63  }
0x28: {  	_ =	swait.ge [sflag:s21], $0x280  }
0x29: {  	[sflag:s21] =	ssyncset.done $0x0  }
0x2a: {  	s20 =	rddreg [dreg:$0x11];
	[sflag:s21] =	ssyncadd.s32 $0xFFFFFD80  }
0x2b: {  	[hbm4b:s20+s2] =	stream.linear.scatter [tilespmem:s5], [sflag:$0x1], $0x80, $0x38;
	[tilespmem:$0x1D100] =	vst v63  }
0x2c: {  	_ =	swait.ge [sflag:s21], $0x80  }
0x2d: {  	s6 =	sadd.s32 $0x1, s6;
	s23 =	rddreg [dreg:$0x13]  }
0x2e: {  	p0 =	sne.s32 s6, s23  }
.Ltmp2:
0x2f: {  	_ = 	snop;
	(pc) =	sbr.rel @!p0 .LBB2_149-.Ltmp2, $3  }
0x30: {  	_ =	sdelay $0x1  }
0x31: {  	[sflag:s21] =	ssyncset.done $0x0  }
0x32: {  	[sflag:s21] =	ssyncadd.s32 $0xFFFFFF80  }
.LBB2_2:
0x33: {  	s7 =	rddreg [dreg:$0x12]  }
0x34: {  	[tilespmem:s2], [sflag:$0x1] =	stream.strided.gather [hbm4b:s7+s19], $0x9000, s8, s19, $0x38;
	[tilespmem:$0x1D100] =	vst v63  }
0x35: {  	_ =	swait.ge [sflag:s21], $0x9000  }
0x36: {  	[sflag:s21] =	ssyncset.done $0x0  }
0x37: {  	s20 =	simm.s32 $0x9020;
	[sflag:s21] =	ssyncadd.s32 $0xFFFF7000  }
0x38: {  	[tilespmem:s20+$0xFFFFFFF0] =	vst v0  }
0x39: {  	[tilespmem:s20+$0x0] =	vst v0  }
0x3a: {  	[tilespmem:s20+$0x10] =	vst v0  }
0x3b: {  	s8 =	simm.s32 $0x14420;
	[tilespmem:s20+$0xFFFFFFE0] =	vst v0  }
0x3c: {  	[tilespmem:s8+$0xFFFFFFF0] =	vst v0  }
0x3d: {  	[tilespmem:s8+$0x0] =	vst v0  }
0x3e: {  	s23 =	simm.s32 $0x200;
	[tilespmem:s8+$0x10] =	vst v0  }
0x3f: {  	s9 =	simm.s32 $0x0;
	s10 =	simm.s32 $0x9060;
	s7 =	simm.s32 $0x14020;
	[tilespmem:s8+$0xFFFFFFE0] =	vst v0  }
.LBB2_3:
0x40: {  	[tilespmem:s10+$0xFFFFFFF0] =	vst v0;
	s8 =	sadd.s32 $0x40, s8  }
0x41: {  	s9 =	sadd.s32 $0x4, s9;
	[tilespmem:s8+$0xFFFFFFF0] =	vst v0  }
0x42: {  	p0 =	slt.u32 s9, $0xFC;
	[tilespmem:s10+$0x0] =	vst v0  }
.Ltmp3:
0x43: {  	[tilespmem:s8+$0x0] =	vst v0;
	(pc) =	sbr.rel @p0 .LBB2_3-.Ltmp3, $4  }
0x44: {  	[tilespmem:s10+$0x10] =	vst v0  }
0x45: {  	[tilespmem:s8+$0x10] =	vst v0  }
0x46: {  	[tilespmem:s10+$0xFFFFFFE0] =	vst v0  }
0x47: {  	s10 =	sadd.s32 $0x40, s10;
	[tilespmem:s8+$0xFFFFFFE0] =	vst v0  }
0x48: {  	s10 =	simm.s32 $0x0;
	v7 =	vimm.s32 $0x0;
	s9 =	simm.s32 $0x20;
	s11 =	simm.s32 $0x14020  }
.LBB2_5:
0x49: {  	s10 =	sadd.s32 $0x4, s10  }
0x4a: {  	[tilespmem:s7+$0x10] =	vst v7;
	s11 =	sadd.s32 $0x40, s11;
	p0 =	slt.u32 s10, $0x3C  }
.Ltmp4:
0x4b: {  	[tilespmem:s7+$0x0] =	vst v7;
	(pc) =	sbr.rel @p0 .LBB2_5-.Ltmp4, $3  }
0x4c: {  	[tilespmem:s7+$0xFFFFFFE0] =	vst v7  }
0x4d: {  	[tilespmem:s7+$0xFFFFFFF0] =	vst v7;
	s7 =	smov.u32 s11;
	_ =	sdelay $0x1  }
0x4e: {  	s8 =	simm.s32 $0x0  }
0x4f: {  	[tilespmem:s7+$0x10] =	vst v7  }
0x50: {  	[tilespmem:s7+$0x0] =	vst v7  }
0x51: {  	[tilespmem:s7+$0xFFFFFFE0] =	vst v7  }
0x52: {  	[tilespmem:s7+$0xFFFFFFF0] =	vst v7  }
0x53: {  	v8 =	vld [tilespmem:s9+$0xFFFFFFE0];
	_ =	sdelay $0x1  }
0x54: {  	v9 =	vld [tilespmem:s9+$0xFFFFFFF0]  }
0x55: {  	v10 =	vld [tilespmem:s9+$0x0]  }
0x56: {  	v11 =	vld [tilespmem:s9+$0x10]  }
0x57: {  	vm2 =	vge.f32 v8, $9.700000280e-01  }
0x58: {  	v8 =	vsel vm2, $0x1, v0  }
0x59: {  	vm1 =	vge.f32 v9, $9.700000280e-01;
	(xrf0) =	vadd.scan.msk.s32 $0xffff, v8  }
0x5a: {  	s16 =	simm.s32 $0x60;
	vm3 =	vge.f32 v10, $9.700000280e-01;
	v9 =	vsel vm1, $0x1, v0  }
0x5b: {  	v13 =	vld [tilespmem:s16+$0xFFFFFFE0];
	vm4 =	vge.f32 v11, $9.700000280e-01;
	v8 =	vsel vm3, $0x1, v0;
	(xrf0) =	vadd.scan.msk.s32 $0xffff, v9  }
0x5c: {  	(xrf0) =	vadd.scan.msk.s32 $0xffff, v8;
	v8 =	vsel vm4, $0x1, v0  }
0x5d: {  	(xrf0) =	vadd.scan.msk.s32 $0xffff, v8  }
0x5e: {  	v8 =	vsel vm2, $0xFFFFFFFF, v0  }
0x5f: {  	v8 =	vadd.s32 v8, v7;
	v11, _, _ =	vpop (xrf0)  }
0x60: {  	vm9 =	vge.f32 v13, $9.700000280e-01;
	v8 =	vadd.s32 v11, v8  }
0x61: {  	v10 =	vsel vm3, $0xFFFFFFFF, v0;
	vm6 =	vmmov vm2;
	v14 =	vperm.xlane v11, v2;
	v15, _, _ =	vpop (xrf0)  }
0x62: {  	v18 =	vld [tilespmem:s16+$0xFFFFFFF0];
	v9 =	vsel vm1, $0xFFFFFFFF, v0;
	v11 =	vperm.xlane v15, v2;
	v17, _, _ =	vpop (xrf0);
	vm2 =	vlt.s32 v8, $0xFFF  }
0x63: {  	v19 =	vld [tilespmem:s16+$0x0];
	v7 =	vadd.s32 v7, v14;
	v14 =	vperm.xlane v17, v2;
	v20 =	vnsel vm2, $0xFFF, v8;
	v8, _, _ =	vpop (xrf0)  }
0x64: {  	v9 =	vadd.s32 v9, v7;
	v7 =	vadd.s32 v7, v11;
	v21 =	vperm.xlane v8, v2  }
0x65: {  	v12 =	vsel vm4, $0xFFFFFFFF, v0;
	v11 =	vld [tilespmem:s16+$0x10];
	v14 =	vadd.s32 v7, v14;
	v7 =	vadd.s32 v10, v7  }
0x66: {  	v10 =	vadd.s32 v12, v14;
	v12 =	vadd.s32 v14, v21;
	v14 =	vsel vm9, $0x1, v0  }
0x67: {  	vm8 =	vmmov vm1;
	vm7 =	vmmov vm4;
	vm1 =	vmmov vm3;
	(xrf0) =	vadd.scan.msk.s32 $0xffff, v14  }
0x68: {  	vm3 =	vge.f32 v19, $9.700000280e-01;
	vm2 =	vge.f32 v18, $9.700000280e-01;
	v9 =	vadd.s32 v15, v9  }
0x69: {  	v18 =	vsel vm3, $0x1, v0;
	v15 =	vsel vm2, $0x1, v0;
	vm4 =	vlt.s32 v9, $0xFFF  }
0x6a: {  	v7 =	vadd.s32 v17, v7;
	v10 =	vadd.s32 v8, v10;
	vm5 =	vge.f32 v11, $9.700000280e-01;
	(xrf0) =	vadd.scan.msk.s32 $0xffff, v15  }
0x6b: {  	v15 =	vnsel vm4, $0xFFF, v9;
	vm4 =	vlt.s32 v7, $0xFFF;
	v11 =	vsel vm5, $0x1, v0;
	(xrf0) =	vadd.scan.msk.s32 $0xffff, v18  }
0x6c: {  	v16 =	vor.u32 s8, v1;
	v8 =	vnsel vm4, $0xFFF, v7;
	vm4 =	vlt.s32 v10, $0xFFF;
	(xrf0) =	vadd.scan.msk.s32 $0xffff, v11  }
0x6d: {  	s17 =	simm.s32 $0x10;
	v13 =	vsel vm9, $0xFFFFFFFF, v0;
	v19 =	vsel vm3, $0xFFFFFFFF, v0;
	v22 =	vnsel vm4, $0xFFF, v10;
	v10, _, _ =	vpop (xrf0)  }
0x6e: {  	s8 =	simm.s32 $0xA0;
	s20 =	simm.s32 $0x30;
	v17 =	vor.u32 s17, v1;
	v9 =	vadd.s32 v13, v12;
	v13 =	vperm.xlane v10, v2  }
0x6f: {  	s7 =	simm.s32 $0x40;
	v23 =	vld [tilespmem:s8+$0xFFFFFFE0];
	v14 =	vsel vm2, $0xFFFFFFFF, v0;
	[tilespmem:v20+s22+$0x0] =	vst.idx.msk vm6, v16;
	v20 =	vor.u32 s20, v1;
	v63 =	vsel vm5, $0xFFFFFFFF, v0  }
0x70: {  	s18 =	simm.s32 $0x20;
	v7 =	vor.u32 s7, v1;
	vm4 =	vmmov vm9;
	v9 =	vadd.s32 v10, v9;
	v24, _, _ =	vpop (xrf0)  }
0x71: {  	v10 =	vor.u32 s18, v1;
	vm6 =	vlt.s32 v9, $0xFFF;
	v16 =	vperm.xlane v24, v2;
	v11, _, _ =	vpop (xrf0)  }
0x72: {  	[tilespmem:v15+s22+$0x0] =	vst.idx.msk vm8, v17;
	v17 =	vld [tilespmem:s8+$0xFFFFFFF0];
	v9 =	vnsel vm6, $0xFFF, v9;
	v12 =	vadd.s32 v12, v13;
	v25 =	vperm.xlane v11, v2;
	v13, _, _ =	vpop (xrf0)  }
0x73: {  	v18 =	vld [tilespmem:s8+$0x0];
	v14 =	vadd.s32 v14, v12;
	v12 =	vadd.s32 v12, v16;
	v26 =	vperm.xlane v13, v2  }
0x74: {  	[tilespmem:v22+s22+$0x0] =	vst.idx.msk vm7, v20;
	vm6 =	vge.f32 v23, $9.700000280e-01;
	v15 =	vadd.s32 v19, v12;
	v12 =	vadd.s32 v12, v25;
	v19 =	vld [tilespmem:s8+$0x10]  }
0x75: {  	s10 =	simm.s32 $0x40;
	s9 =	simm.s32 $0x8;
	v14 =	vadd.s32 v24, v14;
	v16 =	vadd.s32 v63, v12;
	v12 =	vadd.s32 v12, v26  }
.LBB2_7:
0x76: {  	v20 =	vsel vm6, $0xFFFFFFFF, v0;
	v21 =	vsel vm6, $0x1, v0;
	vm8 =	vmmov vm2  }
0x77: {  	s9 =	sadd.s32 $0x4, s9;
	[tilespmem:v8+s22+$0x0] =	vst.idx.msk vm1, v10;
	vm2 =	vge.f32 v17, $9.700000280e-01;
	vm1 =	vmmov vm3;
	vm7 =	vmmov vm5  }
0x78: {  	p0 =	slt.u32 s9, $0x8FC;
	v22 =	vsel vm2, $0xFFFFFFFF, v0;
	v8 =	vsel vm2, $0x1, v0;
	vm3 =	vge.f32 v18, $9.700000280e-01;
	(xrf0) =	vadd.scan.msk.s32 $0xffff, v21  }
0x79: {  	v21 =	vsel vm3, $0xFFFFFFFF, v0;
	v10 =	vsel vm3, $0x1, v0;
	vm5 =	vge.f32 v19, $9.700000280e-01;
	(xrf0) =	vadd.scan.msk.s32 $0xffff, v8  }
0x7a: {  	v17 =	vadd.s32 v20, v12;
	v20 =	vsel vm5, $0xFFFFFFFF, v0;
	v8 =	vsel vm5, $0x1, v0;
	(xrf0) =	vadd.scan.msk.s32 $0xffff, v10  }
0x7b: {  	vm9 =	vlt.s32 v14, $0xFFF;
	v10 =	vadd.s32 v13, v16;
	(xrf0) =	vadd.scan.msk.s32 $0xffff, v8;
	v8 =	vadd.s32 v11, v15  }
0x7c: {  	v14 =	vnsel vm9, $0xFFF, v14;
	vm9 =	vlt.s32 v10, $0xFFF;
	[tilespmem:v9+s22+$0x0] =	vst.idx.msk vm4, v7;
	vm4 =	vlt.s32 v8, $0xFFF  }
0x7d: {  	s11 =	sadd.s32 $0x10, s7;
	s10 =	sadd.s32 $0x40, s10;
	v23 =	vnsel vm9, $0xFFF, v10;
	v8 =	vnsel vm4, $0xFFF, v8;
	vm4 =	vmmov vm6  }
0x7e: {  	s8 =	sadd.s32 $0x40, s8;
	v15 =	vor.u32 s11, v1;
	s11 =	sadd.s32 $0x20, s7;
	v7 =	vor.u32 s10, v1;
	v9, _, _ =	vpop (xrf0)  }
0x7f: {  	v10 =	vor.u32 s11, v1;
	s11 =	sadd.s32 $0x30, s7;
	s7 =	smov.u32 s10;
	v16 =	vld [tilespmem:s8+$0xFFFFFFE0];
	v28 =	vadd.s32 v9, v17;
	v19 =	vperm.xlane v9, v2;
	v24, _, _ =	vpop (xrf0)  }
.Ltmp5:
0x80: {  	v26 =	vor.u32 s11, v1;
	v17 =	vld [tilespmem:s8+$0xFFFFFFF0];
	vm6 =	vlt.s32 v28, $0xFFF;
	v25 =	vperm.xlane v24, v2;
	v11, _, _ =	vpop (xrf0);
	(pc) =	sbr.rel @p0 .LBB2_7-.Ltmp5, $4  }
0x81: {  	v18 =	vld [tilespmem:s8+$0x0];
	v9 =	vnsel vm6, $0xFFF, v28;
	v12 =	vadd.s32 v12, v19;
	v27 =	vperm.xlane v11, v2;
	v13, _, _ =	vpop (xrf0);
	[tilespmem:v14+s22+$0x0] =	vst.idx.msk vm8, v15  }
0x82: {  	v19 =	vld [tilespmem:s8+$0x10];
	v14 =	vadd.s32 v22, v12;
	v12 =	vadd.s32 v12, v25;
	v22 =	vperm.xlane v13, v2  }
0x83: {  	v14 =	vadd.s32 v24, v14;
	v15 =	vadd.s32 v21, v12;
	v12 =	vadd.s32 v12, v27  }
0x84: {  	vm6 =	vge.f32 v16, $9.700000280e-01;
	v16 =	vadd.s32 v20, v12;
	v12 =	vadd.s32 v12, v22;
	[tilespmem:v23+s22+$0x0] =	vst.idx.msk vm7, v26  }
0x85: {  	v20 =	vsel vm6, $0x1, v0;
	vm8 =	vge.f32 v17, $9.700000280e-01  }
0x86: {  	v17 =	vsel vm8, $0x1, v0;
	vm7 =	vge.f32 v18, $9.700000280e-01;
	(xrf0) =	vadd.scan.msk.s32 $0xffff, v20  }
0x87: {  	v18 =	vsel vm7, $0x1, v0;
	vm9 =	vge.f32 v19, $9.700000280e-01;
	(xrf0) =	vadd.scan.msk.s32 $0xffff, v17  }
0x88: {  	v46 =	vsel vm9, $0x1, v0;
	(xrf0) =	vadd.scan.msk.s32 $0xffff, v18  }
0x89: {  	(xrf0) =	vadd.scan.msk.s32 $0xffff, v46;
	_ =	sdelay $0x2  }
0x8a: {  	v47, _, _ =	vpop (xrf0)  }
0x8b: {  	v48 =	vperm.xlane v47, v2;
	v49, _, _ =	vpop (xrf0)  }
0x8c: {  	v50 =	vperm.xlane v49, v2;
	v21, _, _ =	vpop (xrf0)  }
0x8d: {  	v18 =	vadd.s32 v12, v48;
	v22 =	vperm.xlane v21, v2;
	v23, _, _ =	vpop (xrf0)  }
0x8e: {  	v20 =	vadd.s32 v18, v50;
	v24 =	vperm.xlane v23, v2  }
0x8f: {  	v22 =	vadd.s32 v20, v22  }
0x90: {  	v24 =	vadd.s32 v22, v24  }
0x91: {  	v24 =	vxor.u32 $0x80000000, v24  }
0x92: {  	(xrf0) =	vmax.scan.msk.u32 $0xffff, v24;
	_ =	sdelay $0x5  }
0x93: {  	v24, _, _ =	vpop (xrf0)  }
0x94: {  	(v2sf) =	vpush v24, $0xF;
	_ =	sdelay $0xb  }
0x95: {  	v51 =	vsel vm6, $0xFFFFFFFF, v0;
	vm10 =	vlt.s32 v14, $0xFFF;
	v11 =	vadd.s32 v11, v15  }
0x96: {  	v13 =	vadd.s32 v13, v16;
	v52 =	vadd.s32 v51, v12;
	v14 =	vnsel vm10, $0xFFF, v14  }
0x97: {  	s8 =	sadd.s32 $0x10, s7;
	s16 =	sadd.s32 $0x30, s7;
	s17 =	sadd.s32 $0x20, s7;
	vm10 =	vlt.s32 v11, $0xFFF;
	vm11 =	vlt.s32 v13, $0xFFF;
	v53 =	vsel vm8, $0xFFFFFFFF, v0  }
0x98: {  	v56 =	vor.u32 s8, v1;
	v57 =	vor.u32 s16, v1;
	v59 =	vor.u32 s17, v1;
	s9 =	spop (v2sf)  }
0x99: {  	v11 =	vnsel vm10, $0xFFF, v11;
	v13 =	vnsel vm11, $0xFFF, v13;
	vm11 =	vmmov vm2;
	s9 =	sxor.u32 $0x80000000, s9  }
0x9a: {  	vm2 =	vmmov vm3;
	v54 =	vsel vm7, $0xFFFFFFFF, v0;
	v12 =	vadd.s32 v47, v52;
	p0 =	slt.s32 s9, $0x1000;
	s8 =	smov.u32 s9  }
0x9b: {  	vm3 =	vmmov vm6;
	v55 =	vsel vm9, $0xFFFFFFFF, v0;
	vm10 =	vlt.s32 v12, $0xFFF;
	s8 =	simm.s32 @!p0 $0x1000  }
0x9c: {  	[tilespmem:v8+s22+$0x0] =	vst.idx.msk vm1, v10;
	s10 =	sadd.s32 $0x40, s10;
	v15 =	vadd.s32 v53, v18;
	v12 =	vnsel vm10, $0xFFF, v12;
	vm10 =	vmmov vm5;
	s11 =	sadd.s32 $0xF, s8  }
0x9d: {  	s18 =	sadd.s32 $0x10, s10;
	s12 =	sadd.s32 $0x20, s10;
	v15 =	vadd.s32 v49, v15;
	v16 =	vadd.s32 v54, v20;
	v17 =	vadd.s32 v55, v22;
	s13 =	sand.u32 $0xF, s11  }
0x9e: {  	[tilespmem:v9+s22+$0x0] =	vst.idx.msk vm4, v7;
	vm6 =	vlt.s32 v15, $0xFFF;
	v7 =	vadd.s32 v21, v16;
	v8 =	vadd.s32 v23, v17;
	p1 =	slt.s32 s9, $0xFFFFFFF2;
	s20 =	sshra.s32 s11, $0x1F;
	p6 =	sne.s32 s13, $0x0  }
0x9f: {  	s14 =	sadd.s32 $0x30, s10;
	[tilespmem:v14+s22+$0x0] =	vst.idx.msk vm11, v56;
	v58 =	vnsel vm6, $0xFFF, v15;
	vm6 =	vmmov vm7;
	vm11 =	vlt.s32 v7, $0xFFF;
	s15 =	sshrl.u32 s20, $0x1C;
	p0 =	por !p1, !p6  }
0xa0: {  	v60 =	vor.u32 s10, v1;
	s10 =	simm.s32 $0x1;
	vm4 =	vlt.s32 v8, $0xFFF;
	v7 =	vnsel vm11, $0xFFF, v7;
	s16 =	sadd.s32 s15, s11;
	p0 =	por !p0, !p0  }
0xa1: {  	[tilespmem:v11+s22+$0x0] =	vst.idx.msk vm2, v59;
	v8 =	vnsel vm4, $0xFFF, v8;
	s7 =	sshra.s32 s16, $0x4;
	s10 =	simm.s32 @!p0 $0x0  }
0xa2: {  	[tilespmem:v12+s22+$0x0] =	vst.idx.msk vm3, v60;
	s7 =	ssub.s32 s7, s10  }
0xa3: {  	v61 =	vor.u32 s18, v1;
	[tilespmem:v13+s22+$0x0] =	vst.idx.msk vm10, v57;
	s20 =	sshrl.u32 s7, $0x1E  }
0xa4: {  	v63 =	vor.u32 s12, v1;
	[tilespmem:v58+s22+$0x0] =	vst.idx.msk vm8, v61;
	s10 =	sadd.s32 s20, s7  }
0xa5: {  	v62 =	vor.u32 s14, v1;
	[tilespmem:v7+s22+$0x0] =	vst.idx.msk vm6, v63;
	s10 =	sand.u32 $0xFFFFFFFC, s10  }
0xa6: {  	[tilespmem:v8+s22+$0x0] =	vst.idx.msk vm9, v62;
	p0 =	slt.s32 s10, $0x1  }
.Ltmp6:
0xa7: {  	s18 =	simm.s32 $0x400;
	s17 =	rddreg [dreg:$0x4];
	(pc) =	sbr.rel @p0 .LBB2_11-.Ltmp6, $4  }
0xa8: {  	[tilespmem:s2], [sflag:$0x1] =	stream.strided.gather [hbm4b:s17+s19], $0x9000, s18, s19, $0x38;
	[tilespmem:$0x1D100] =	vst v63  }
0xa9: {  	_ =	swait.ge [sflag:s21], $0x9000  }
0xaa: {  	[sflag:s21] =	ssyncset.done $0x0  }
0xab: {  	vm1 =	vmmov vm9;
	vm5 =	vmmov vm8;
	[sflag:s21] =	ssyncadd.s32 $0xFFFF7000  }
0xac: {  	s12 =	simm.s32 $0x9020  }
0xad: {  	v7 =	vld [tilespmem:s12+$0x10];
	_ =	sdelay $0x2  }
0xae: {  	p2 =	sgt.s32 s10, $0x4  }
.Ltmp7:
0xaf: {  	_ = 	snop;
	(pc) =	sbr.rel @!p2 .LBB2_10-.Ltmp7, $4  }
0xb0: {  	v15 =	vld [tilespmem:s12+$0xFFFFFFF0]  }
0xb1: {  	v14 =	vld [tilespmem:s12+$0x0]  }
0xb2: {  	v16 =	vld [tilespmem:s12+$0xFFFFFFE0]  }
0xb3: {  	s11 =	simm.s32 $0xA020;
	p1 =	por $0x0, $0x0;
	s12 =	simm.s32 $0x9060;
	v7 =	vld.idx.msk [tilespmem:v7+s2+$0x0], $0xffff  }
0xb4: {  	_ =	sdelay $0x1  }
0xb5: {  	v17 =	vld [tilespmem:s12+$0x10];
	_ =	sdelay $0x1  }
0xb6: {  	v12 =	vld [tilespmem:s12+$0xFFFFFFF0]  }
0xb7: {  	v10 =	vld [tilespmem:s12+$0x0];
	p2 =	sgt.s32 s10, $0x8  }
.Ltmp8:
0xb8: {  	v13 =	vld [tilespmem:s12+$0xFFFFFFE0];
	(pc) =	sbr.rel @!p2 .LBB2_18-.Ltmp8, $4  }
0xb9: {  	v8 =	vld.idx.msk [tilespmem:v16+s2+$0x0], $0xffff  }
0xba: {  	v9 =	vld.idx.msk [tilespmem:v15+s2+$0x0], $0xffff  }
0xbb: {  	s13 =	simm.s32 $0x8;
	v11 =	vld.idx.msk [tilespmem:v14+s2+$0x0], $0xffff  }
0xbc: {  	s14 =	simm.s32 $0x90A0;
	p1 =	por $0x1, $0x1;
	s12 =	simm.s32 $0xA020;
	[tilespmem:s11+$0x10] =	vst v7;
	v7 =	vld.idx.msk [tilespmem:v17+s2+$0x0], $0xffff  }
.LBB2_19:
0xbd: {  	v14 =	vld [tilespmem:s14+$0x10];
	s13 =	sadd.s32 $0x4, s13  }
0xbe: {  	v15 =	vld [tilespmem:s14+$0xFFFFFFF0];
	p2 =	slt.s32 s13, s10;
	[tilespmem:s12+$0xFFFFFFE0] =	vst v8  }
0xbf: {  	v16 =	vld [tilespmem:s14+$0x0];
	[tilespmem:s12+$0xFFFFFFF0] =	vst v9  }
0xc0: {  	v17 =	vld [tilespmem:s14+$0xFFFFFFE0];
	[tilespmem:s12+$0x0] =	vst v11  }
.Ltmp9:
0xc1: {  	s12 =	sadd.s32 $0x40, s12;
	v8 =	vld.idx.msk [tilespmem:v13+s2+$0x0], $0xffff;
	(pc) =	sbr.rel @p2 .LBB2_19-.Ltmp9, $4  }
0xc2: {  	v9 =	vld.idx.msk [tilespmem:v12+s2+$0x0], $0xffff;
	[tilespmem:s12+$0x10] =	vst v7  }
0xc3: {  	v11 =	vld.idx.msk [tilespmem:v10+s2+$0x0], $0xffff;
	v12 =	vmov v15  }
0xc4: {  	v10 =	vmov v16  }
0xc5: {  	s14 =	sadd.s32 $0x40, s14;
	v7 =	vld.idx.msk [tilespmem:v14+s2+$0x0], $0xffff;
	v13 =	vmov v17  }
0xc6: {  	v16 =	vmov v13;
	v15 =	vmov v12;
	v14 =	vmov v10  }
.LBB2_21:
0xc7: {  	_ =	sdelay $0x3  }
0xc8: {  	v10 =	vld.idx.msk [tilespmem:v16+s2+$0x0], $0xffff  }
0xc9: {  	[tilespmem:s12+$0xFFFFFFE0] =	vst @p1 v8;
	v8 =	vld.idx.msk [tilespmem:v15+s2+$0x0], $0xffff  }
0xca: {  	[tilespmem:s12+$0xFFFFFFF0] =	vst @p1 v9;
	s13 =	sadd.s32 @p1 $0x40, s12;
	v63 =	vld.idx.msk [tilespmem:v14+s2+$0x0], $0xffff  }
0xcb: {  	[tilespmem:s12+$0x0] =	vst @p1 v11;
	s11 =	smov.u32 @p1 s13  }
0xcc: {  	[tilespmem:s11+$0x10] =	vst v7  }
0xcd: {  	[tilespmem:s11+$0xFFFFFFE0] =	vst v10  }
0xce: {  	[tilespmem:s11+$0xFFFFFFF0] =	vst v8  }
0xcf: {  	[tilespmem:s11+$0x0] =	vst v63  }
.LBB2_11:
0xd0: {  	s11 =	ssub.s32 s7, s10  }
0xd1: {  	p1 =	slt.s32 s11, $0x1  }
.Ltmp10:
0xd2: {  	_ = 	snop;
	(pc) =	sbr.rel @p1 .LBB2_14-.Ltmp10, $3  }
0xd3: {  	_ =	sdelay $0x1  }
0xd4: {  	s20 =	sshll.u32 s10, $0x6  }
0xd5: {  	s11 =	sshra.s32 s20, $0x2  }
0xd6: {  	s12 =	sadd.s32 $0x9000, s11;
	s13 =	sadd.s32 $0xA000, s11;
	s14 =	smov.u32 s10  }
.LBB2_13:
0xd7: {  	v7 =	vld [tilespmem:s12+$0x0];
	_ =	sdelay $0x6  }
0xd8: {  	s14 =	sadd.s32 $0x1, s14  }
0xd9: {  	p2 =	slt.s32 s14, s7;
	v7 =	vld.idx.msk [tilespmem:v7+s2+$0x0], $0xffff  }
.Ltmp11:
0xda: {  	_ = 	snop;
	(pc) =	sbr.rel @p2 .LBB2_13-.Ltmp11, $2  }
0xdb: {  	_ =	sdelay $0x2  }
0xdc: {  	s12 =	sadd.s32 $0x10, s12;
	[tilespmem:s13+$0x0] =	vst v7;
	s13 =	sadd.s32 $0x10, s13  }
.LBB2_14:
.Ltmp12:
0xdd: {  	s12 =	rddreg [dreg:$0x5];
	s13 =	simm.s32 $0x400;
	(pc) =	sbr.rel @p0 .LBB2_22-.Ltmp12, $4  }
0xde: {  	[tilespmem:s2], [sflag:$0x1] =	stream.strided.gather [hbm4b:s12+s19], $0x9000, s13, s19, $0x38;
	[tilespmem:$0x1D100] =	vst v63  }
0xdf: {  	_ =	swait.ge [sflag:s21], $0x9000  }
0xe0: {  	[sflag:s21] =	ssyncset.done $0x0  }
0xe1: {  	[sflag:s21] =	ssyncadd.s32 $0xFFFF7000  }
0xe2: {  	s14 =	simm.s32 $0x9020  }
0xe3: {  	v7 =	vld [tilespmem:s14+$0x10];
	_ =	sdelay $0x2  }
0xe4: {  	p3 =	sgt.s32 s10, $0x4  }
.Ltmp13:
0xe5: {  	_ = 	snop;
	(pc) =	sbr.rel @!p3 .LBB2_16-.Ltmp13, $4  }
0xe6: {  	v15 =	vld [tilespmem:s14+$0xFFFFFFF0]  }
0xe7: {  	v14 =	vld [tilespmem:s14+$0x0]  }
0xe8: {  	s13 =	simm.s32 $0x0;
	v16 =	vld [tilespmem:s14+$0xFFFFFFE0]  }
0xe9: {  	s12 =	simm.s32 $0xB030;
	p2 =	por $0x0, $0x0;
	s14 =	simm.s32 $0x9060;
	v7 =	vld.idx.msk [tilespmem:v7+s2+$0x0], $0xffff  }
0xea: {  	_ =	sdelay $0x1  }
0xeb: {  	v17 =	vld [tilespmem:s14+$0x10];
	_ =	sdelay $0x1  }
0xec: {  	v12 =	vld [tilespmem:s14+$0xFFFFFFF0]  }
0xed: {  	v11 =	vld [tilespmem:s14+$0x0];
	p3 =	sgt.s32 s10, $0x8  }
.Ltmp14:
0xee: {  	v13 =	vld [tilespmem:s14+$0xFFFFFFE0];
	(pc) =	sbr.rel @!p3 .LBB2_29-.Ltmp14, $4  }
0xef: {  	v8 =	vld.idx.msk [tilespmem:v16+s2+$0x0], $0xffff  }
0xf0: {  	v9 =	vld.idx.msk [tilespmem:v15+s2+$0x0], $0xffff  }
0xf1: {  	s16 =	simm.s32 $0x8;
	s17 =	simm.s32 $0x90A0;
	v10 =	vld.idx.msk [tilespmem:v14+s2+$0x0], $0xffff  }
0xf2: {  	p2 =	por $0x1, $0x1;
	s14 =	simm.s32 $0x0;
	s15 =	simm.s32 $0xB030;
	[tilespmem:s12+$0x0] =	vst v7;
	v7 =	vld.idx.msk [tilespmem:v17+s2+$0x0], $0xffff  }
.LBB2_30:
0xf3: {  	v14 =	vld [tilespmem:s17+$0x10];
	s16 =	sadd.s32 $0x4, s16;
	s18 =	sand.u32 $0xFFFFFFC0, s14  }
0xf4: {  	v15 =	vld [tilespmem:s17+$0xFFFFFFF0];
	p3 =	slt.s32 s16, s10;
	[tilespmem:s18+$0xB000] =	vst v8  }
0xf5: {  	v16 =	vld [tilespmem:s17+$0x0];
	[tilespmem:s15+$0xFFFFFFE0] =	vst v9  }
0xf6: {  	v17 =	vld [tilespmem:s17+$0xFFFFFFE0];
	[tilespmem:s15+$0xFFFFFFF0] =	vst v10  }
.Ltmp15:
0xf7: {  	s15 =	sadd.s32 $0x40, s15;
	v8 =	vld.idx.msk [tilespmem:v13+s2+$0x0], $0xffff;
	(pc) =	sbr.rel @p3 .LBB2_30-.Ltmp15, $4  }
0xf8: {  	v9 =	vld.idx.msk [tilespmem:v12+s2+$0x0], $0xffff;
	[tilespmem:s15+$0x0] =	vst v7  }
0xf9: {  	v10 =	vld.idx.msk [tilespmem:v11+s2+$0x0], $0xffff;
	v12 =	vmov v15  }
0xfa: {  	v11 =	vmov v16  }
0xfb: {  	s14 =	sadd.s32 $0x40, s14;
	s17 =	sadd.s32 $0x40, s17;
	v7 =	vld.idx.msk [tilespmem:v14+s2+$0x0], $0xffff;
	v13 =	vmov v17  }
0xfc: {  	v16 =	vmov v13;
	v15 =	vmov v12;
	v14 =	vmov v11  }
.LBB2_32:
0xfd: {  	_ =	sdelay $0x3  }
0xfe: {  	v11 =	vld.idx.msk [tilespmem:v16+s2+$0x0], $0xffff  }
0xff: {  	s16 =	sand.u32 @p2 $0xFFFFFFC0, s14;
	[tilespmem:s15+$0xFFFFFFE0] =	vst @p2 v9;
	v63 =	vld.idx.msk [tilespmem:v14+s2+$0x0], $0xffff  }
0x100: {  	s14 =	sadd.s32 @p2 $0x40, s14;
	[tilespmem:s16+$0xB000] =	vst @p2 v8;
	v8 =	vld.idx.msk [tilespmem:v15+s2+$0x0], $0xffff;
	s16 =	sadd.s32 @p2 $0x40, s15  }
0x101: {  	[tilespmem:s15+$0xFFFFFFF0] =	vst @p2 v10;
	s13 =	smov.u32 @p2 s14;
	s12 =	smov.u32 @p2 s16  }
0x102: {  	s13 =	sand.u32 $0xFFFFFFC0, s13;
	[tilespmem:s12+$0x0] =	vst v7  }
0x103: {  	[tilespmem:s13+$0xB000] =	vst v11  }
0x104: {  	[tilespmem:s12+$0xFFFFFFF0] =	vst v63  }
0x105: {  	[tilespmem:s12+$0xFFFFFFE0] =	vst v8  }
.LBB2_22:
.Ltmp16:
0x106: {  	(pc) =	sbr.rel @p1 .LBB2_25-.Ltmp16, $2  }
0x107: {  	_ =	sdelay $0x2  }
0x108: {  	s12 =	sshll.u32 s10, $0x4  }
0x109: {  	s13 =	sshll.u32 s10, $0x4;
	s14 =	sadd.s32 $0x9000, s11;
	s15 =	smov.u32 s10  }
.LBB2_24:
0x10a: {  	v7 =	vld [tilespmem:s14+$0x0];
	_ =	sdelay $0x6  }
0x10b: {  	s15 =	sadd.s32 $0x1, s15  }
0x10c: {  	p2 =	slt.s32 s15, s7;
	v7 =	vld.idx.msk [tilespmem:v7+s2+$0x0], $0xffff  }
.Ltmp17:
0x10d: {  	_ = 	snop;
	(pc) =	sbr.rel @p2 .LBB2_24-.Ltmp17, $3  }
0x10e: {  	_ =	sdelay $0x1  }
0x10f: {  	s16 =	sand.u32 $0xFFFFFFF0, s13  }
0x110: {  	s13 =	sadd.s32 $0x10, s13;
	s14 =	sadd.s32 $0x10, s14;
	[tilespmem:s16+$0xB000] =	vst v7  }
.LBB2_25:
.Ltmp18:
0x111: {  	s13 =	rddreg [dreg:$0x6];
	s14 =	simm.s32 $0x400;
	(pc) =	sbr.rel @p0 .LBB2_33-.Ltmp18, $4  }
0x112: {  	[tilespmem:s2], [sflag:$0x1] =	stream.strided.gather [hbm4b:s13+s19], $0x9000, s14, s19, $0x38;
	[tilespmem:$0x1D100] =	vst v63  }
0x113: {  	_ =	swait.ge [sflag:s21], $0x9000  }
0x114: {  	[sflag:s21] =	ssyncset.done $0x0  }
0x115: {  	[sflag:s21] =	ssyncadd.s32 $0xFFFF7000  }
0x116: {  	s15 =	simm.s32 $0x9020  }
0x117: {  	v7 =	vld [tilespmem:s15+$0x10];
	_ =	sdelay $0x2  }
0x118: {  	p3 =	sgt.s32 s10, $0x4  }
.Ltmp19:
0x119: {  	_ = 	snop;
	(pc) =	sbr.rel @!p3 .LBB2_27-.Ltmp19, $4  }
0x11a: {  	v15 =	vld [tilespmem:s15+$0xFFFFFFF0]  }
0x11b: {  	v14 =	vld [tilespmem:s15+$0x0]  }
0x11c: {  	s14 =	simm.s32 $0x0;
	v16 =	vld [tilespmem:s15+$0xFFFFFFE0]  }
0x11d: {  	s13 =	simm.s32 $0xC030;
	p2 =	por $0x0, $0x0;
	s15 =	simm.s32 $0x9060;
	v7 =	vld.idx.msk [tilespmem:v7+s2+$0x0], $0xffff  }
0x11e: {  	_ =	sdelay $0x1  }
0x11f: {  	v17 =	vld [tilespmem:s15+$0x10];
	_ =	sdelay $0x1  }
0x120: {  	v12 =	vld [tilespmem:s15+$0xFFFFFFF0]  }
0x121: {  	v11 =	vld [tilespmem:s15+$0x0];
	p3 =	sgt.s32 s10, $0x8  }
.Ltmp20:
0x122: {  	v13 =	vld [tilespmem:s15+$0xFFFFFFE0];
	(pc) =	sbr.rel @!p3 .LBB2_40-.Ltmp20, $4  }
0x123: {  	v8 =	vld.idx.msk [tilespmem:v16+s2+$0x0], $0xffff  }
0x124: {  	v9 =	vld.idx.msk [tilespmem:v15+s2+$0x0], $0xffff  }
0x125: {  	s17 =	simm.s32 $0x8;
	s18 =	simm.s32 $0x90A0;
	v10 =	vld.idx.msk [tilespmem:v14+s2+$0x0], $0xffff  }
0x126: {  	p2 =	por $0x1, $0x1;
	s15 =	simm.s32 $0x0;
	s16 =	simm.s32 $0xC030;
	[tilespmem:s13+$0x0] =	vst v7;
	v7 =	vld.idx.msk [tilespmem:v17+s2+$0x0], $0xffff  }
.LBB2_41:
0x127: {  	v14 =	vld [tilespmem:s18+$0x10];
	s17 =	sadd.s32 $0x4, s17;
	s20 =	sand.u32 $0xFFFFFFC0, s15  }
0x128: {  	v15 =	vld [tilespmem:s18+$0xFFFFFFF0];
	p3 =	slt.s32 s17, s10;
	[tilespmem:s20+$0xC000] =	vst v8  }
0x129: {  	v16 =	vld [tilespmem:s18+$0x0];
	[tilespmem:s16+$0xFFFFFFE0] =	vst v9  }
0x12a: {  	v17 =	vld [tilespmem:s18+$0xFFFFFFE0];
	[tilespmem:s16+$0xFFFFFFF0] =	vst v10  }
.Ltmp21:
0x12b: {  	s16 =	sadd.s32 $0x40, s16;
	v8 =	vld.idx.msk [tilespmem:v13+s2+$0x0], $0xffff;
	(pc) =	sbr.rel @p3 .LBB2_41-.Ltmp21, $4  }
0x12c: {  	v9 =	vld.idx.msk [tilespmem:v12+s2+$0x0], $0xffff;
	[tilespmem:s16+$0x0] =	vst v7  }
0x12d: {  	v10 =	vld.idx.msk [tilespmem:v11+s2+$0x0], $0xffff;
	v12 =	vmov v15  }
0x12e: {  	v11 =	vmov v16  }
0x12f: {  	s15 =	sadd.s32 $0x40, s15;
	s18 =	sadd.s32 $0x40, s18;
	v7 =	vld.idx.msk [tilespmem:v14+s2+$0x0], $0xffff;
	v13 =	vmov v17  }
0x130: {  	v16 =	vmov v13;
	v15 =	vmov v12;
	v14 =	vmov v11  }
.LBB2_43:
0x131: {  	_ =	sdelay $0x3  }
0x132: {  	v11 =	vld.idx.msk [tilespmem:v16+s2+$0x0], $0xffff  }
0x133: {  	s17 =	sand.u32 @p2 $0xFFFFFFC0, s15;
	[tilespmem:s16+$0xFFFFFFE0] =	vst @p2 v9;
	v63 =	vld.idx.msk [tilespmem:v14+s2+$0x0], $0xffff  }
0x134: {  	s15 =	sadd.s32 @p2 $0x40, s15;
	[tilespmem:s17+$0xC000] =	vst @p2 v8;
	v8 =	vld.idx.msk [tilespmem:v15+s2+$0x0], $0xffff;
	s17 =	sadd.s32 @p2 $0x40, s16  }
0x135: {  	[tilespmem:s16+$0xFFFFFFF0] =	vst @p2 v10;
	s14 =	smov.u32 @p2 s15;
	s13 =	smov.u32 @p2 s17  }
0x136: {  	s14 =	sand.u32 $0xFFFFFFC0, s14;
	[tilespmem:s13+$0x0] =	vst v7  }
0x137: {  	[tilespmem:s14+$0xC000] =	vst v11  }
0x138: {  	[tilespmem:s13+$0xFFFFFFF0] =	vst v63  }
0x139: {  	[tilespmem:s13+$0xFFFFFFE0] =	vst v8  }
.LBB2_33:
.Ltmp22:
0x13a: {  	(pc) =	sbr.rel @p1 .LBB2_36-.Ltmp22, $1  }
0x13b: {  	_ =	sdelay $0x3  }
0x13c: {  	s13 =	sshll.u32 s10, $0x4;
	s14 =	sadd.s32 $0x9000, s11;
	s15 =	smov.u32 s10  }
.LBB2_35:
0x13d: {  	v7 =	vld [tilespmem:s14+$0x0];
	_ =	sdelay $0x6  }
0x13e: {  	s15 =	sadd.s32 $0x1, s15  }
0x13f: {  	p2 =	slt.s32 s15, s7;
	v7 =	vld.idx.msk [tilespmem:v7+s2+$0x0], $0xffff  }
.Ltmp23:
0x140: {  	_ = 	snop;
	(pc) =	sbr.rel @p2 .LBB2_35-.Ltmp23, $3  }
0x141: {  	_ =	sdelay $0x1  }
0x142: {  	s16 =	sand.u32 $0xFFFFFFF0, s13  }
0x143: {  	s13 =	sadd.s32 $0x10, s13;
	s14 =	sadd.s32 $0x10, s14;
	[tilespmem:s16+$0xC000] =	vst v7  }
.LBB2_36:
.Ltmp24:
0x144: {  	s13 =	rddreg [dreg:$0x7];
	s14 =	simm.s32 $0x400;
	(pc) =	sbr.rel @p0 .LBB2_44-.Ltmp24, $4  }
0x145: {  	[tilespmem:s2], [sflag:$0x1] =	stream.strided.gather [hbm4b:s13+s19], $0x9000, s14, s19, $0x38;
	[tilespmem:$0x1D100] =	vst v63  }
0x146: {  	_ =	swait.ge [sflag:s21], $0x9000  }
0x147: {  	[sflag:s21] =	ssyncset.done $0x0  }
0x148: {  	[sflag:s21] =	ssyncadd.s32 $0xFFFF7000  }
0x149: {  	s15 =	simm.s32 $0x9020  }
0x14a: {  	v7 =	vld [tilespmem:s15+$0x10];
	_ =	sdelay $0x2  }
0x14b: {  	p3 =	sgt.s32 s10, $0x4  }
.Ltmp25:
0x14c: {  	_ = 	snop;
	(pc) =	sbr.rel @!p3 .LBB2_38-.Ltmp25, $4  }
0x14d: {  	v15 =	vld [tilespmem:s15+$0xFFFFFFF0]  }
0x14e: {  	v14 =	vld [tilespmem:s15+$0x0]  }
0x14f: {  	s14 =	simm.s32 $0x0;
	v16 =	vld [tilespmem:s15+$0xFFFFFFE0]  }
0x150: {  	s13 =	simm.s32 $0xD030;
	p2 =	por $0x0, $0x0;
	s15 =	simm.s32 $0x9060;
	v7 =	vld.idx.msk [tilespmem:v7+s2+$0x0], $0xffff  }
0x151: {  	_ =	sdelay $0x1  }
0x152: {  	v17 =	vld [tilespmem:s15+$0x10];
	_ =	sdelay $0x1  }
0x153: {  	v12 =	vld [tilespmem:s15+$0xFFFFFFF0]  }
0x154: {  	v11 =	vld [tilespmem:s15+$0x0];
	p3 =	sgt.s32 s10, $0x8  }
.Ltmp26:
0x155: {  	v13 =	vld [tilespmem:s15+$0xFFFFFFE0];
	(pc) =	sbr.rel @!p3 .LBB2_51-.Ltmp26, $4  }
0x156: {  	v8 =	vld.idx.msk [tilespmem:v16+s2+$0x0], $0xffff  }
0x157: {  	v9 =	vld.idx.msk [tilespmem:v15+s2+$0x0], $0xffff  }
0x158: {  	s17 =	simm.s32 $0x8;
	s18 =	simm.s32 $0x90A0;
	v10 =	vld.idx.msk [tilespmem:v14+s2+$0x0], $0xffff  }
0x159: {  	p2 =	por $0x1, $0x1;
	s15 =	simm.s32 $0x0;
	s16 =	simm.s32 $0xD030;
	[tilespmem:s13+$0x0] =	vst v7;
	v7 =	vld.idx.msk [tilespmem:v17+s2+$0x0], $0xffff  }
.LBB2_52:
0x15a: {  	v14 =	vld [tilespmem:s18+$0x10];
	s17 =	sadd.s32 $0x4, s17;
	s20 =	sand.u32 $0xFFFFFFC0, s15  }
0x15b: {  	v15 =	vld [tilespmem:s18+$0xFFFFFFF0];
	p3 =	slt.s32 s17, s10;
	[tilespmem:s20+$0xD000] =	vst v8  }
0x15c: {  	v16 =	vld [tilespmem:s18+$0x0];
	[tilespmem:s16+$0xFFFFFFE0] =	vst v9  }
0x15d: {  	v17 =	vld [tilespmem:s18+$0xFFFFFFE0];
	[tilespmem:s16+$0xFFFFFFF0] =	vst v10  }
.Ltmp27:
0x15e: {  	s16 =	sadd.s32 $0x40, s16;
	v8 =	vld.idx.msk [tilespmem:v13+s2+$0x0], $0xffff;
	(pc) =	sbr.rel @p3 .LBB2_52-.Ltmp27, $4  }
0x15f: {  	v9 =	vld.idx.msk [tilespmem:v12+s2+$0x0], $0xffff;
	[tilespmem:s16+$0x0] =	vst v7  }
0x160: {  	v10 =	vld.idx.msk [tilespmem:v11+s2+$0x0], $0xffff;
	v12 =	vmov v15  }
0x161: {  	v11 =	vmov v16  }
0x162: {  	s15 =	sadd.s32 $0x40, s15;
	s18 =	sadd.s32 $0x40, s18;
	v7 =	vld.idx.msk [tilespmem:v14+s2+$0x0], $0xffff;
	v13 =	vmov v17  }
0x163: {  	v16 =	vmov v13;
	v15 =	vmov v12;
	v14 =	vmov v11  }
.LBB2_54:
0x164: {  	_ =	sdelay $0x3  }
0x165: {  	v11 =	vld.idx.msk [tilespmem:v16+s2+$0x0], $0xffff  }
0x166: {  	s17 =	sand.u32 @p2 $0xFFFFFFC0, s15;
	[tilespmem:s16+$0xFFFFFFE0] =	vst @p2 v9;
	v63 =	vld.idx.msk [tilespmem:v14+s2+$0x0], $0xffff  }
0x167: {  	s15 =	sadd.s32 @p2 $0x40, s15;
	[tilespmem:s17+$0xD000] =	vst @p2 v8;
	v8 =	vld.idx.msk [tilespmem:v15+s2+$0x0], $0xffff;
	s17 =	sadd.s32 @p2 $0x40, s16  }
0x168: {  	[tilespmem:s16+$0xFFFFFFF0] =	vst @p2 v10;
	s14 =	smov.u32 @p2 s15;
	s13 =	smov.u32 @p2 s17  }
0x169: {  	s14 =	sand.u32 $0xFFFFFFC0, s14;
	[tilespmem:s13+$0x0] =	vst v7  }
0x16a: {  	[tilespmem:s14+$0xD000] =	vst v11  }
0x16b: {  	[tilespmem:s13+$0xFFFFFFF0] =	vst v63  }
0x16c: {  	[tilespmem:s13+$0xFFFFFFE0] =	vst v8  }
.LBB2_44:
.Ltmp28:
0x16d: {  	(pc) =	sbr.rel @p1 .LBB2_47-.Ltmp28, $1  }
0x16e: {  	_ =	sdelay $0x3  }
0x16f: {  	s13 =	sshll.u32 s10, $0x4;
	s14 =	sadd.s32 $0x9000, s11;
	s15 =	smov.u32 s10  }
.LBB2_46:
0x170: {  	v7 =	vld [tilespmem:s14+$0x0];
	_ =	sdelay $0x6  }
0x171: {  	s15 =	sadd.s32 $0x1, s15  }
0x172: {  	p2 =	slt.s32 s15, s7;
	v7 =	vld.idx.msk [tilespmem:v7+s2+$0x0], $0xffff  }
.Ltmp29:
0x173: {  	_ = 	snop;
	(pc) =	sbr.rel @p2 .LBB2_46-.Ltmp29, $3  }
0x174: {  	_ =	sdelay $0x1  }
0x175: {  	s16 =	sand.u32 $0xFFFFFFF0, s13  }
0x176: {  	s13 =	sadd.s32 $0x10, s13;
	s14 =	sadd.s32 $0x10, s14;
	[tilespmem:s16+$0xD000] =	vst v7  }
.LBB2_47:
.Ltmp30:
0x177: {  	s13 =	rddreg [dreg:$0x8];
	s14 =	simm.s32 $0x400;
	(pc) =	sbr.rel @p0 .LBB2_55-.Ltmp30, $4  }
0x178: {  	[tilespmem:s2], [sflag:$0x1] =	stream.strided.gather [hbm4b:s13+s19], $0x9000, s14, s19, $0x38;
	[tilespmem:$0x1D100] =	vst v63  }
0x179: {  	_ =	swait.ge [sflag:s21], $0x9000  }
0x17a: {  	[sflag:s21] =	ssyncset.done $0x0  }
0x17b: {  	[sflag:s21] =	ssyncadd.s32 $0xFFFF7000  }
0x17c: {  	s15 =	simm.s32 $0x9020  }
0x17d: {  	v7 =	vld [tilespmem:s15+$0x10];
	_ =	sdelay $0x2  }
0x17e: {  	p3 =	sgt.s32 s10, $0x4  }
.Ltmp31:
0x17f: {  	_ = 	snop;
	(pc) =	sbr.rel @!p3 .LBB2_49-.Ltmp31, $4  }
0x180: {  	v15 =	vld [tilespmem:s15+$0xFFFFFFF0]  }
0x181: {  	v14 =	vld [tilespmem:s15+$0x0]  }
0x182: {  	s13 =	simm.s32 $0xE030;
	v16 =	vld [tilespmem:s15+$0xFFFFFFE0]  }
0x183: {  	s14 =	simm.s32 $0x0;
	p2 =	por $0x0, $0x0;
	s15 =	simm.s32 $0x9060;
	v7 =	vld.idx.msk [tilespmem:v7+s2+$0x0], $0xffff  }
0x184: {  	_ =	sdelay $0x1  }
0x185: {  	v17 =	vld [tilespmem:s15+$0x10];
	_ =	sdelay $0x1  }
0x186: {  	v12 =	vld [tilespmem:s15+$0xFFFFFFF0]  }
0x187: {  	v11 =	vld [tilespmem:s15+$0x0];
	p3 =	sgt.s32 s10, $0x8  }
.Ltmp32:
0x188: {  	v13 =	vld [tilespmem:s15+$0xFFFFFFE0];
	(pc) =	sbr.rel @!p3 .LBB2_62-.Ltmp32, $4  }
0x189: {  	v8 =	vld.idx.msk [tilespmem:v16+s2+$0x0], $0xffff  }
0x18a: {  	v9 =	vld.idx.msk [tilespmem:v15+s2+$0x0], $0xffff  }
0x18b: {  	s17 =	simm.s32 $0x8;
	s18 =	simm.s32 $0x90A0;
	v10 =	vld.idx.msk [tilespmem:v14+s2+$0x0], $0xffff  }
0x18c: {  	p2 =	por $0x1, $0x1;
	s15 =	simm.s32 $0x0;
	s16 =	simm.s32 $0xE030;
	[tilespmem:s13+$0x0] =	vst v7;
	v7 =	vld.idx.msk [tilespmem:v17+s2+$0x0], $0xffff  }
.LBB2_63:
0x18d: {  	v14 =	vld [tilespmem:s18+$0x10];
	s17 =	sadd.s32 $0x4, s17;
	s20 =	sand.u32 $0xFFFFFFC0, s15  }
0x18e: {  	v15 =	vld [tilespmem:s18+$0xFFFFFFF0];
	p3 =	slt.s32 s17, s10;
	[tilespmem:s20+$0xE000] =	vst v8  }
0x18f: {  	v16 =	vld [tilespmem:s18+$0x0];
	[tilespmem:s16+$0xFFFFFFE0] =	vst v9  }
0x190: {  	v17 =	vld [tilespmem:s18+$0xFFFFFFE0];
	[tilespmem:s16+$0xFFFFFFF0] =	vst v10  }
.Ltmp33:
0x191: {  	s16 =	sadd.s32 $0x40, s16;
	v8 =	vld.idx.msk [tilespmem:v13+s2+$0x0], $0xffff;
	(pc) =	sbr.rel @p3 .LBB2_63-.Ltmp33, $4  }
0x192: {  	v9 =	vld.idx.msk [tilespmem:v12+s2+$0x0], $0xffff;
	[tilespmem:s16+$0x0] =	vst v7  }
0x193: {  	v10 =	vld.idx.msk [tilespmem:v11+s2+$0x0], $0xffff;
	v12 =	vmov v15  }
0x194: {  	v11 =	vmov v16  }
0x195: {  	s15 =	sadd.s32 $0x40, s15;
	s18 =	sadd.s32 $0x40, s18;
	v7 =	vld.idx.msk [tilespmem:v14+s2+$0x0], $0xffff;
	v13 =	vmov v17  }
0x196: {  	v16 =	vmov v13;
	v15 =	vmov v12;
	v14 =	vmov v11  }
.LBB2_65:
0x197: {  	_ =	sdelay $0x3  }
0x198: {  	v11 =	vld.idx.msk [tilespmem:v16+s2+$0x0], $0xffff  }
0x199: {  	s17 =	sand.u32 @p2 $0xFFFFFFC0, s15;
	[tilespmem:s16+$0xFFFFFFE0] =	vst @p2 v9;
	v63 =	vld.idx.msk [tilespmem:v14+s2+$0x0], $0xffff  }
0x19a: {  	s15 =	sadd.s32 @p2 $0x40, s15;
	[tilespmem:s17+$0xE000] =	vst @p2 v8;
	v8 =	vld.idx.msk [tilespmem:v15+s2+$0x0], $0xffff;
	s17 =	sadd.s32 @p2 $0x40, s16  }
0x19b: {  	[tilespmem:s16+$0xFFFFFFF0] =	vst @p2 v10;
	s14 =	smov.u32 @p2 s15;
	s13 =	smov.u32 @p2 s17  }
0x19c: {  	s14 =	sand.u32 $0xFFFFFFC0, s14;
	[tilespmem:s13+$0x0] =	vst v7  }
0x19d: {  	[tilespmem:s14+$0xE000] =	vst v11  }
0x19e: {  	[tilespmem:s13+$0xFFFFFFF0] =	vst v63  }
0x19f: {  	[tilespmem:s13+$0xFFFFFFE0] =	vst v8  }
.LBB2_55:
.Ltmp34:
0x1a0: {  	(pc) =	sbr.rel @p1 .LBB2_58-.Ltmp34, $1  }
0x1a1: {  	_ =	sdelay $0x3  }
0x1a2: {  	s13 =	sshll.u32 s10, $0x4;
	s14 =	sadd.s32 $0x9000, s11;
	s15 =	smov.u32 s10  }
.LBB2_57:
0x1a3: {  	v7 =	vld [tilespmem:s14+$0x0];
	_ =	sdelay $0x6  }
0x1a4: {  	s15 =	sadd.s32 $0x1, s15  }
0x1a5: {  	p2 =	slt.s32 s15, s7;
	v7 =	vld.idx.msk [tilespmem:v7+s2+$0x0], $0xffff  }
.Ltmp35:
0x1a6: {  	_ = 	snop;
	(pc) =	sbr.rel @p2 .LBB2_57-.Ltmp35, $3  }
0x1a7: {  	_ =	sdelay $0x1  }
0x1a8: {  	s16 =	sand.u32 $0xFFFFFFF0, s13  }
0x1a9: {  	s13 =	sadd.s32 $0x10, s13;
	s14 =	sadd.s32 $0x10, s14;
	[tilespmem:s16+$0xE000] =	vst v7  }
.LBB2_58:
.Ltmp36:
0x1aa: {  	s13 =	rddreg [dreg:$0x9];
	s14 =	simm.s32 $0x400;
	(pc) =	sbr.rel @p0 .LBB2_66-.Ltmp36, $4  }
0x1ab: {  	[tilespmem:s2], [sflag:$0x1] =	stream.strided.gather [hbm4b:s13+s19], $0x9000, s14, s19, $0x38;
	[tilespmem:$0x1D100] =	vst v63  }
0x1ac: {  	_ =	swait.ge [sflag:s21], $0x9000  }
0x1ad: {  	[sflag:s21] =	ssyncset.done $0x0  }
0x1ae: {  	[sflag:s21] =	ssyncadd.s32 $0xFFFF7000  }
0x1af: {  	s15 =	simm.s32 $0x9020  }
0x1b0: {  	v7 =	vld [tilespmem:s15+$0x10];
	_ =	sdelay $0x2  }
0x1b1: {  	p3 =	sgt.s32 s10, $0x4  }
.Ltmp37:
0x1b2: {  	_ = 	snop;
	(pc) =	sbr.rel @!p3 .LBB2_60-.Ltmp37, $4  }
0x1b3: {  	v15 =	vld [tilespmem:s15+$0xFFFFFFF0]  }
0x1b4: {  	v14 =	vld [tilespmem:s15+$0x0]  }
0x1b5: {  	s13 =	simm.s32 $0xF030;
	v16 =	vld [tilespmem:s15+$0xFFFFFFE0]  }
0x1b6: {  	s14 =	simm.s32 $0x0;
	p2 =	por $0x0, $0x0;
	s15 =	simm.s32 $0x9060;
	v7 =	vld.idx.msk [tilespmem:v7+s2+$0x0], $0xffff  }
0x1b7: {  	_ =	sdelay $0x1  }
0x1b8: {  	v17 =	vld [tilespmem:s15+$0x10];
	_ =	sdelay $0x1  }
0x1b9: {  	v12 =	vld [tilespmem:s15+$0xFFFFFFF0]  }
0x1ba: {  	v11 =	vld [tilespmem:s15+$0x0];
	p3 =	sgt.s32 s10, $0x8  }
.Ltmp38:
0x1bb: {  	v13 =	vld [tilespmem:s15+$0xFFFFFFE0];
	(pc) =	sbr.rel @!p3 .LBB2_73-.Ltmp38, $4  }
0x1bc: {  	v8 =	vld.idx.msk [tilespmem:v16+s2+$0x0], $0xffff  }
0x1bd: {  	v9 =	vld.idx.msk [tilespmem:v15+s2+$0x0], $0xffff  }
0x1be: {  	s17 =	simm.s32 $0x8;
	s18 =	simm.s32 $0x90A0;
	v10 =	vld.idx.msk [tilespmem:v14+s2+$0x0], $0xffff  }
0x1bf: {  	p2 =	por $0x1, $0x1;
	s15 =	simm.s32 $0x0;
	s16 =	simm.s32 $0xF030;
	[tilespmem:s13+$0x0] =	vst v7;
	v7 =	vld.idx.msk [tilespmem:v17+s2+$0x0], $0xffff  }
.LBB2_74:
0x1c0: {  	v14 =	vld [tilespmem:s18+$0x10];
	s17 =	sadd.s32 $0x4, s17;
	s20 =	sand.u32 $0xFFFFFFC0, s15  }
0x1c1: {  	v15 =	vld [tilespmem:s18+$0xFFFFFFF0];
	p3 =	slt.s32 s17, s10;
	[tilespmem:s20+$0xF000] =	vst v8  }
0x1c2: {  	v16 =	vld [tilespmem:s18+$0x0];
	[tilespmem:s16+$0xFFFFFFE0] =	vst v9  }
0x1c3: {  	v17 =	vld [tilespmem:s18+$0xFFFFFFE0];
	[tilespmem:s16+$0xFFFFFFF0] =	vst v10  }
.Ltmp39:
0x1c4: {  	s16 =	sadd.s32 $0x40, s16;
	v8 =	vld.idx.msk [tilespmem:v13+s2+$0x0], $0xffff;
	(pc) =	sbr.rel @p3 .LBB2_74-.Ltmp39, $4  }
0x1c5: {  	v9 =	vld.idx.msk [tilespmem:v12+s2+$0x0], $0xffff;
	[tilespmem:s16+$0x0] =	vst v7  }
0x1c6: {  	v10 =	vld.idx.msk [tilespmem:v11+s2+$0x0], $0xffff;
	v12 =	vmov v15  }
0x1c7: {  	v11 =	vmov v16  }
0x1c8: {  	s15 =	sadd.s32 $0x40, s15;
	s18 =	sadd.s32 $0x40, s18;
	v7 =	vld.idx.msk [tilespmem:v14+s2+$0x0], $0xffff;
	v13 =	vmov v17  }
0x1c9: {  	v16 =	vmov v13;
	v15 =	vmov v12;
	v14 =	vmov v11  }
.LBB2_76:
0x1ca: {  	_ =	sdelay $0x3  }
0x1cb: {  	v11 =	vld.idx.msk [tilespmem:v16+s2+$0x0], $0xffff  }
0x1cc: {  	s17 =	sand.u32 @p2 $0xFFFFFFC0, s15;
	[tilespmem:s16+$0xFFFFFFE0] =	vst @p2 v9;
	v63 =	vld.idx.msk [tilespmem:v14+s2+$0x0], $0xffff  }
0x1cd: {  	s15 =	sadd.s32 @p2 $0x40, s15;
	[tilespmem:s17+$0xF000] =	vst @p2 v8;
	v8 =	vld.idx.msk [tilespmem:v15+s2+$0x0], $0xffff;
	s17 =	sadd.s32 @p2 $0x40, s16  }
0x1ce: {  	[tilespmem:s16+$0xFFFFFFF0] =	vst @p2 v10;
	s14 =	smov.u32 @p2 s15;
	s13 =	smov.u32 @p2 s17  }
0x1cf: {  	s14 =	sand.u32 $0xFFFFFFC0, s14;
	[tilespmem:s13+$0x0] =	vst v7  }
0x1d0: {  	[tilespmem:s14+$0xF000] =	vst v11  }
0x1d1: {  	[tilespmem:s13+$0xFFFFFFF0] =	vst v63  }
0x1d2: {  	[tilespmem:s13+$0xFFFFFFE0] =	vst v8  }
.LBB2_66:
.Ltmp40:
0x1d3: {  	(pc) =	sbr.rel @p1 .LBB2_69-.Ltmp40, $1  }
0x1d4: {  	_ =	sdelay $0x3  }
0x1d5: {  	s13 =	sshll.u32 s10, $0x4;
	s14 =	sadd.s32 $0x9000, s11;
	s15 =	smov.u32 s10  }
.LBB2_68:
0x1d6: {  	v7 =	vld [tilespmem:s14+$0x0];
	_ =	sdelay $0x6  }
0x1d7: {  	s15 =	sadd.s32 $0x1, s15  }
0x1d8: {  	p2 =	slt.s32 s15, s7;
	v7 =	vld.idx.msk [tilespmem:v7+s2+$0x0], $0xffff  }
.Ltmp41:
0x1d9: {  	_ = 	snop;
	(pc) =	sbr.rel @p2 .LBB2_68-.Ltmp41, $3  }
0x1da: {  	_ =	sdelay $0x1  }
0x1db: {  	s16 =	sand.u32 $0xFFFFFFF0, s13  }
0x1dc: {  	s13 =	sadd.s32 $0x10, s13;
	s14 =	sadd.s32 $0x10, s14;
	[tilespmem:s16+$0xF000] =	vst v7  }
.LBB2_69:
.Ltmp42:
0x1dd: {  	s13 =	rddreg [dreg:$0xa];
	s14 =	simm.s32 $0x400;
	(pc) =	sbr.rel @p0 .LBB2_77-.Ltmp42, $4  }
0x1de: {  	[tilespmem:s2], [sflag:$0x1] =	stream.strided.gather [hbm4b:s13+s19], $0x9000, s14, s19, $0x38;
	[tilespmem:$0x1D100] =	vst v63  }
0x1df: {  	_ =	swait.ge [sflag:s21], $0x9000  }
0x1e0: {  	[sflag:s21] =	ssyncset.done $0x0  }
0x1e1: {  	[sflag:s21] =	ssyncadd.s32 $0xFFFF7000  }
0x1e2: {  	s15 =	simm.s32 $0x9020  }
0x1e3: {  	v7 =	vld [tilespmem:s15+$0x10];
	_ =	sdelay $0x2  }
0x1e4: {  	p3 =	sgt.s32 s10, $0x4  }
.Ltmp43:
0x1e5: {  	_ = 	snop;
	(pc) =	sbr.rel @!p3 .LBB2_71-.Ltmp43, $4  }
0x1e6: {  	v15 =	vld [tilespmem:s15+$0xFFFFFFF0]  }
0x1e7: {  	v14 =	vld [tilespmem:s15+$0x0]  }
0x1e8: {  	s13 =	simm.s32 $0x10030;
	v16 =	vld [tilespmem:s15+$0xFFFFFFE0]  }
0x1e9: {  	s14 =	simm.s32 $0x0;
	p2 =	por $0x0, $0x0;
	s15 =	simm.s32 $0x9060;
	v7 =	vld.idx.msk [tilespmem:v7+s2+$0x0], $0xffff  }
0x1ea: {  	_ =	sdelay $0x1  }
0x1eb: {  	v17 =	vld [tilespmem:s15+$0x10];
	_ =	sdelay $0x1  }
0x1ec: {  	v12 =	vld [tilespmem:s15+$0xFFFFFFF0]  }
0x1ed: {  	v11 =	vld [tilespmem:s15+$0x0];
	p3 =	sgt.s32 s10, $0x8  }
.Ltmp44:
0x1ee: {  	v13 =	vld [tilespmem:s15+$0xFFFFFFE0];
	(pc) =	sbr.rel @!p3 .LBB2_84-.Ltmp44, $4  }
0x1ef: {  	v8 =	vld.idx.msk [tilespmem:v16+s2+$0x0], $0xffff  }
0x1f0: {  	v9 =	vld.idx.msk [tilespmem:v15+s2+$0x0], $0xffff  }
0x1f1: {  	s17 =	simm.s32 $0x8;
	s18 =	simm.s32 $0x90A0;
	v10 =	vld.idx.msk [tilespmem:v14+s2+$0x0], $0xffff  }
0x1f2: {  	p2 =	por $0x1, $0x1;
	s15 =	simm.s32 $0x0;
	s16 =	simm.s32 $0x10030;
	[tilespmem:s13+$0x0] =	vst v7;
	v7 =	vld.idx.msk [tilespmem:v17+s2+$0x0], $0xffff  }
.LBB2_85:
0x1f3: {  	v14 =	vld [tilespmem:s18+$0x10];
	s17 =	sadd.s32 $0x4, s17;
	s20 =	sand.u32 $0xFFFFFFC0, s15  }
0x1f4: {  	v15 =	vld [tilespmem:s18+$0xFFFFFFF0];
	p3 =	slt.s32 s17, s10;
	[tilespmem:s20+$0x10000] =	vst v8  }
0x1f5: {  	v16 =	vld [tilespmem:s18+$0x0];
	[tilespmem:s16+$0xFFFFFFE0] =	vst v9  }
0x1f6: {  	v17 =	vld [tilespmem:s18+$0xFFFFFFE0];
	[tilespmem:s16+$0xFFFFFFF0] =	vst v10  }
.Ltmp45:
0x1f7: {  	s16 =	sadd.s32 $0x40, s16;
	v8 =	vld.idx.msk [tilespmem:v13+s2+$0x0], $0xffff;
	(pc) =	sbr.rel @p3 .LBB2_85-.Ltmp45, $4  }
0x1f8: {  	v9 =	vld.idx.msk [tilespmem:v12+s2+$0x0], $0xffff;
	[tilespmem:s16+$0x0] =	vst v7  }
0x1f9: {  	v10 =	vld.idx.msk [tilespmem:v11+s2+$0x0], $0xffff;
	v12 =	vmov v15  }
0x1fa: {  	v11 =	vmov v16  }
0x1fb: {  	s15 =	sadd.s32 $0x40, s15;
	s18 =	sadd.s32 $0x40, s18;
	v7 =	vld.idx.msk [tilespmem:v14+s2+$0x0], $0xffff;
	v13 =	vmov v17  }
0x1fc: {  	v16 =	vmov v13;
	v15 =	vmov v12;
	v14 =	vmov v11  }
.LBB2_87:
0x1fd: {  	_ =	sdelay $0x3  }
0x1fe: {  	v11 =	vld.idx.msk [tilespmem:v16+s2+$0x0], $0xffff  }
0x1ff: {  	s17 =	sand.u32 @p2 $0xFFFFFFC0, s15;
	[tilespmem:s16+$0xFFFFFFE0] =	vst @p2 v9;
	v63 =	vld.idx.msk [tilespmem:v14+s2+$0x0], $0xffff  }
0x200: {  	s15 =	sadd.s32 @p2 $0x40, s15;
	[tilespmem:s17+$0x10000] =	vst @p2 v8;
	v8 =	vld.idx.msk [tilespmem:v15+s2+$0x0], $0xffff;
	s17 =	sadd.s32 @p2 $0x40, s16  }
0x201: {  	[tilespmem:s16+$0xFFFFFFF0] =	vst @p2 v10;
	s14 =	smov.u32 @p2 s15;
	s13 =	smov.u32 @p2 s17  }
0x202: {  	s14 =	sand.u32 $0xFFFFFFC0, s14;
	[tilespmem:s13+$0x0] =	vst v7  }
0x203: {  	[tilespmem:s14+$0x10000] =	vst v11  }
0x204: {  	[tilespmem:s13+$0xFFFFFFF0] =	vst v63  }
0x205: {  	[tilespmem:s13+$0xFFFFFFE0] =	vst v8  }
.LBB2_77:
.Ltmp46:
0x206: {  	(pc) =	sbr.rel @p1 .LBB2_80-.Ltmp46, $1  }
0x207: {  	_ =	sdelay $0x3  }
0x208: {  	s13 =	sshll.u32 s10, $0x4;
	s14 =	sadd.s32 $0x9000, s11;
	s15 =	smov.u32 s10  }
.LBB2_79:
0x209: {  	v7 =	vld [tilespmem:s14+$0x0];
	_ =	sdelay $0x6  }
0x20a: {  	s15 =	sadd.s32 $0x1, s15  }
0x20b: {  	p2 =	slt.s32 s15, s7;
	v7 =	vld.idx.msk [tilespmem:v7+s2+$0x0], $0xffff  }
.Ltmp47:
0x20c: {  	_ = 	snop;
	(pc) =	sbr.rel @p2 .LBB2_79-.Ltmp47, $3  }
0x20d: {  	_ =	sdelay $0x1  }
0x20e: {  	s16 =	sand.u32 $0xFFFFFFF0, s13  }
0x20f: {  	s13 =	sadd.s32 $0x10, s13;
	s14 =	sadd.s32 $0x10, s14;
	[tilespmem:s16+$0x10000] =	vst v7  }
.LBB2_80:
.Ltmp48:
0x210: {  	s13 =	rddreg [dreg:$0xb];
	s14 =	simm.s32 $0x400;
	(pc) =	sbr.rel @p0 .LBB2_88-.Ltmp48, $4  }
0x211: {  	[tilespmem:s2], [sflag:$0x1] =	stream.strided.gather [hbm4b:s13+s19], $0x9000, s14, s19, $0x38;
	[tilespmem:$0x1D100] =	vst v63  }
0x212: {  	_ =	swait.ge [sflag:s21], $0x9000  }
0x213: {  	[sflag:s21] =	ssyncset.done $0x0  }
0x214: {  	[sflag:s21] =	ssyncadd.s32 $0xFFFF7000  }
0x215: {  	s15 =	simm.s32 $0x9020  }
0x216: {  	v7 =	vld [tilespmem:s15+$0x10];
	_ =	sdelay $0x2  }
0x217: {  	p3 =	sgt.s32 s10, $0x4  }
.Ltmp49:
0x218: {  	_ = 	snop;
	(pc) =	sbr.rel @!p3 .LBB2_82-.Ltmp49, $4  }
0x219: {  	v15 =	vld [tilespmem:s15+$0xFFFFFFF0]  }
0x21a: {  	v14 =	vld [tilespmem:s15+$0x0]  }
0x21b: {  	s13 =	simm.s32 $0x11030;
	v16 =	vld [tilespmem:s15+$0xFFFFFFE0]  }
0x21c: {  	s14 =	simm.s32 $0x0;
	p2 =	por $0x0, $0x0;
	s15 =	simm.s32 $0x9060;
	v7 =	vld.idx.msk [tilespmem:v7+s2+$0x0], $0xffff  }
0x21d: {  	_ =	sdelay $0x1  }
0x21e: {  	v17 =	vld [tilespmem:s15+$0x10];
	_ =	sdelay $0x1  }
0x21f: {  	v12 =	vld [tilespmem:s15+$0xFFFFFFF0]  }
0x220: {  	v11 =	vld [tilespmem:s15+$0x0];
	p3 =	sgt.s32 s10, $0x8  }
.Ltmp50:
0x221: {  	v13 =	vld [tilespmem:s15+$0xFFFFFFE0];
	(pc) =	sbr.rel @!p3 .LBB2_95-.Ltmp50, $4  }
0x222: {  	v8 =	vld.idx.msk [tilespmem:v16+s2+$0x0], $0xffff  }
0x223: {  	v9 =	vld.idx.msk [tilespmem:v15+s2+$0x0], $0xffff  }
0x224: {  	s17 =	simm.s32 $0x8;
	s18 =	simm.s32 $0x90A0;
	v10 =	vld.idx.msk [tilespmem:v14+s2+$0x0], $0xffff  }
0x225: {  	p2 =	por $0x1, $0x1;
	s15 =	simm.s32 $0x0;
	s16 =	simm.s32 $0x11030;
	[tilespmem:s13+$0x0] =	vst v7;
	v7 =	vld.idx.msk [tilespmem:v17+s2+$0x0], $0xffff  }
.LBB2_96:
0x226: {  	v14 =	vld [tilespmem:s18+$0x10];
	s17 =	sadd.s32 $0x4, s17;
	s20 =	sand.u32 $0xFFFFFFC0, s15  }
0x227: {  	v15 =	vld [tilespmem:s18+$0xFFFFFFF0];
	p3 =	slt.s32 s17, s10;
	[tilespmem:s20+$0x11000] =	vst v8  }
0x228: {  	v16 =	vld [tilespmem:s18+$0x0];
	[tilespmem:s16+$0xFFFFFFE0] =	vst v9  }
0x229: {  	v17 =	vld [tilespmem:s18+$0xFFFFFFE0];
	[tilespmem:s16+$0xFFFFFFF0] =	vst v10  }
.Ltmp51:
0x22a: {  	s16 =	sadd.s32 $0x40, s16;
	v8 =	vld.idx.msk [tilespmem:v13+s2+$0x0], $0xffff;
	(pc) =	sbr.rel @p3 .LBB2_96-.Ltmp51, $4  }
0x22b: {  	v9 =	vld.idx.msk [tilespmem:v12+s2+$0x0], $0xffff;
	[tilespmem:s16+$0x0] =	vst v7  }
0x22c: {  	v10 =	vld.idx.msk [tilespmem:v11+s2+$0x0], $0xffff;
	v12 =	vmov v15  }
0x22d: {  	v11 =	vmov v16  }
0x22e: {  	s15 =	sadd.s32 $0x40, s15;
	s18 =	sadd.s32 $0x40, s18;
	v7 =	vld.idx.msk [tilespmem:v14+s2+$0x0], $0xffff;
	v13 =	vmov v17  }
0x22f: {  	v16 =	vmov v13;
	v15 =	vmov v12;
	v14 =	vmov v11  }
.LBB2_98:
0x230: {  	_ =	sdelay $0x3  }
0x231: {  	v11 =	vld.idx.msk [tilespmem:v16+s2+$0x0], $0xffff  }
0x232: {  	s17 =	sand.u32 @p2 $0xFFFFFFC0, s15;
	[tilespmem:s16+$0xFFFFFFE0] =	vst @p2 v9;
	v63 =	vld.idx.msk [tilespmem:v14+s2+$0x0], $0xffff  }
0x233: {  	s15 =	sadd.s32 @p2 $0x40, s15;
	[tilespmem:s17+$0x11000] =	vst @p2 v8;
	v8 =	vld.idx.msk [tilespmem:v15+s2+$0x0], $0xffff;
	s17 =	sadd.s32 @p2 $0x40, s16  }
0x234: {  	[tilespmem:s16+$0xFFFFFFF0] =	vst @p2 v10;
	s14 =	smov.u32 @p2 s15;
	s13 =	smov.u32 @p2 s17  }
0x235: {  	s14 =	sand.u32 $0xFFFFFFC0, s14;
	[tilespmem:s13+$0x0] =	vst v7  }
0x236: {  	[tilespmem:s14+$0x11000] =	vst v11  }
0x237: {  	[tilespmem:s13+$0xFFFFFFF0] =	vst v63  }
0x238: {  	[tilespmem:s13+$0xFFFFFFE0] =	vst v8  }
.LBB2_88:
.Ltmp52:
0x239: {  	(pc) =	sbr.rel @p1 .LBB2_91-.Ltmp52, $1  }
0x23a: {  	_ =	sdelay $0x3  }
0x23b: {  	s13 =	sadd.s32 $0x9000, s11;
	s14 =	smov.u32 s10  }
.LBB2_90:
0x23c: {  	v7 =	vld [tilespmem:s13+$0x0];
	_ =	sdelay $0x6  }
0x23d: {  	s14 =	sadd.s32 $0x1, s14  }
0x23e: {  	p2 =	slt.s32 s14, s7;
	v7 =	vld.idx.msk [tilespmem:v7+s2+$0x0], $0xffff  }
.Ltmp53:
0x23f: {  	_ = 	snop;
	(pc) =	sbr.rel @p2 .LBB2_90-.Ltmp53, $3  }
0x240: {  	_ =	sdelay $0x1  }
0x241: {  	s15 =	sand.u32 $0xFFFFFFF0, s12  }
0x242: {  	s12 =	sadd.s32 $0x10, s12;
	s13 =	sadd.s32 $0x10, s13;
	[tilespmem:s15+$0x11000] =	vst v7  }
.LBB2_91:
.Ltmp54:
0x243: {  	s12 =	rddreg [dreg:$0xc];
	(pc) =	sbr.rel @p0 .LBB2_99-.Ltmp54, $4  }
0x244: {  	[tilespmem:s2], [sflag:$0x1] =	stream.strided.gather [hbm4b:s12+s19], $0x9000, s23, s19, $0x38;
	[tilespmem:$0x1D100] =	vst v63  }
0x245: {  	_ =	swait.ge [sflag:s21], $0x9000  }
0x246: {  	[sflag:s21] =	ssyncset.done $0x0  }
0x247: {  	[sflag:s21] =	ssyncadd.s32 $0xFFFF7000  }
0x248: {  	s13 =	simm.s32 $0x9020  }
0x249: {  	v9 =	vld [tilespmem:s13+$0x10]  }
0x24a: {  	v7 =	vld [tilespmem:s13+$0xFFFFFFF0]  }
0x24b: {  	v8 =	vld [tilespmem:s13+$0x0]  }
0x24c: {  	v10 =	vld [tilespmem:s13+$0xFFFFFFE0];
	_ =	sdelay $0x2  }
0x24d: {  	p5 =	sgt.s32 s10, $0x4  }
.Ltmp55:
0x24e: {  	_ = 	snop;
	(pc) =	sbr.rel @!p5 .LBB2_93-.Ltmp55, $4  }
0x24f: {  	v19 =	vld.idx.msk [tilespmem:v9+s2+$0x0], $0xffff  }
0x250: {  	v20 =	vld.idx.msk [tilespmem:v7+s2+$0x0], $0xffff  }
0x251: {  	s12 =	simm.s32 $0x15420;
	p2 =	por $0x0, $0x0;
	v11 =	vand.u32 $0xFF, v10;
	v7 =	vand.u32 $0xFF, v7;
	v22 =	vld.idx.msk [tilespmem:v8+s2+$0x0], $0xffff  }
0x252: {  	p3 =	por $0x0, $0x0;
	p4 =	por $0x0, $0x0;
	s13 =	simm.s32 $0x9060;
	v15 =	vand.u32 $0xFF, v8;
	v12 =	vcvt.s32.f32 v11;
	v21 =	vld.idx.msk [tilespmem:v10+s2+$0x0], $0xffff;
	v11 =	vcvt.s32.f32 v7  }
0x253: {  	v7 =	vld [tilespmem:s13+$0x10]  }
0x254: {  	v8 =	vld [tilespmem:s13+$0xFFFFFFF0]  }
0x255: {  	v10 =	vld [tilespmem:s13+$0x0]  }
0x256: {  	v14 =	vld [tilespmem:s13+$0xFFFFFFE0]  }
0x257: {  	v13 =	vsub.f32 $0.0e+00, v19  }
0x258: {  	v16 =	vsub.f32 $0.0e+00, v20  }
0x259: {  	p5 =	sgt.s32 s10, $0x8;
	v17 =	vsub.f32 $0.0e+00, v22;
	v18 =	vmul.f32 $1.442695020e+00, v13  }
.Ltmp56:
0x25a: {  	v13 =	vcvt.s32.f32 v15;
	v15 =	vmul.f32 $1.442695020e+00, v16;
	v16 =	vsub.f32 $0.0e+00, v21;
	(pc) =	sbr.rel @!p5 .LBB2_106-.Ltmp56, $4  }
0x25b: {  	v17 =	vmul.f32 $1.442695020e+00, v17;
	(erf) = vpow2.f32 v18;
	v19 =	vld.idx.msk [tilespmem:v7+s2+$0x0], $0xffff  }
0x25c: {  	v18 =	vmul.f32 $1.442695020e+00, v16;
	(erf) = vpow2.f32 v15;
	v15 =	vand.u32 $0xFF, v14;
	v20 =	vld.idx.msk [tilespmem:v8+s2+$0x0], $0xffff  }
0x25d: {  	(erf) = vpow2.f32 v17;
	v16 =	vcvt.s32.f32 v15;
	v8 =	vand.u32 $0xFF, v8;
	v22 =	vld.idx.msk [tilespmem:v10+s2+$0x0], $0xffff  }
0x25e: {  	s13 =	simm.s32 $0x90A0;
	p2 =	por $0x1, $0x1;
	v15 =	vand.u32 $0xFF, v10;
	(erf) = vpow2.f32 v18;
	v21 =	vld.idx.msk [tilespmem:v14+s2+$0x0], $0xffff;
	v8 =	vcvt.s32.f32 v8  }
0x25f: {  	_ = 	snop  }
0x260: {  	v23 =	vld [tilespmem:s13+$0x10]  }
0x261: {  	v10 =	vld [tilespmem:s13+$0xFFFFFFF0];
	v14 =	vsub.f32 $0.0e+00, v19  }
0x262: {  	v24 =	vld [tilespmem:s13+$0x0];
	v17 =	vsub.f32 $0.0e+00, v20  }
0x263: {  	v25 =	vld [tilespmem:s13+$0xFFFFFFE0];
	v19 =	vmul.f32 $1.442695020e+00, v14  }
0x264: {  	v18 =	vpop (erf)  }
0x265: {  	v14 =	vcvt.s32.f32 v15;
	v15 =	vsub.f32 $0.0e+00, v22;
	v18 =	vadd.f32 $1.000000000e+00, v18  }
0x266: {  	p5 =	sgt.s32 s10, $0xC;
	v20 =	vmul.f32 $1.442695020e+00, v17;
	v21 =	vsub.f32 $0.0e+00, v21;
	(erf) = vpow2.f32 v19;
	v17 =	vpop (erf)  }
.Ltmp57:
0x267: {  	v15 =	vmul.f32 $1.442695020e+00, v15;
	v27 =	vand.u32 $0xFF, v10;
	v19 =	vpop (erf);
	(erf) = vrcp.f32 v18;
	(pc) =	sbr.rel @!p5 .LBB2_108-.Ltmp57, $4  }
0x268: {  	v21 =	vmul.f32 $1.442695020e+00, v21;
	v18 =	vadd.f32 $1.000000000e+00, v19;
	v22 =	vpop (erf);
	v19 =	vld.idx.msk [tilespmem:v23+s2+$0x0], $0xffff;
	(erf) = vpow2.f32 v20  }
0x269: {  	v26 =	vadd.f32 $1.000000000e+00, v22;
	v22 =	vand.u32 $0xFF, v25;
	v20 =	vld.idx.msk [tilespmem:v10+s2+$0x0], $0xffff;
	(erf) = vpow2.f32 v15  }
0x26a: {  	v17 =	vadd.f32 $1.000000000e+00, v17;
	v10 =	vcvt.s32.f32 v22;
	v22 =	vld.idx.msk [tilespmem:v24+s2+$0x0], $0xffff;
	(erf) = vpow2.f32 v21  }
0x26b: {  	s13 =	simm.s32 $0x90E0;
	p3 =	por $0x1, $0x1;
	v15 =	vand.u32 $0xFF, v24;
	v21 =	vld.idx.msk [tilespmem:v25+s2+$0x0], $0xffff;
	v25 =	vcvt.s32.f32 v27;
	(erf) = vrcp.f32 v26  }
0x26c: {  	_ = 	snop  }
0x26d: {  	v24 =	vld [tilespmem:s13+$0xFFFFFFF0];
	v19 =	vsub.f32 $0.0e+00, v19  }
0x26e: {  	v34 =	vld [tilespmem:s13+$0x10];
	(erf) = vrcp.f32 v17;
	v27 =	vand.u32 $0xFF, v9  }
0x26f: {  	v29 =	vld [tilespmem:s13+$0xFFFFFFE0];
	(erf) = vrcp.f32 v18;
	v20 =	vsub.f32 $0.0e+00, v20;
	v19 =	vmul.f32 $1.442695020e+00, v19  }
0x270: {  	v26 =	vld [tilespmem:s13+$0x0];
	v33 =	vcvt.s32.f32 v15;
	v27 =	vcvt.s32.f32 v27;
	v28 =	vpop (erf)  }
0x271: {  	v15 =	vsub.f32 $0.0e+00, v22;
	v22 =	vpop (erf);
	v20 =	vmul.f32 $1.442695020e+00, v20;
	v30 =	vadd.f32 $1.000000000e+00, v28  }
0x272: {  	v21 =	vsub.f32 $0.0e+00, v21;
	v28 =	vpop (erf);
	v31 =	vadd.f32 v27, v22;
	(erf) = vpow2.f32 v19  }
0x273: {  	p5 =	sgt.s32 s10, $0x10;
	v15 =	vmul.f32 $1.442695020e+00, v15;
	v27 =	vadd.f32 $1.000000000e+00, v28;
	(erf) = vrcp.f32 v30;
	v19 =	vpop (erf)  }
.Ltmp58:
0x274: {  	v21 =	vmul.f32 $1.442695020e+00, v21;
	(erf) = vpow2.f32 v20;
	v28 =	vadd.f32 $1.000000000e+00, v19;
	(pc) =	sbr.rel @!p5 .LBB2_110-.Ltmp58, $4  }
0x275: {  	v22 =	vpop (erf);
	v20 =	vld.idx.msk [tilespmem:v24+s2+$0x0], $0xffff;
	v24 =	vand.u32 $0xFF, v24;
	(erf) = vpow2.f32 v15;
	v15 =	vand.u32 $0xFF, v26  }
0x276: {  	v19 =	vld.idx.msk [tilespmem:v34+s2+$0x0], $0xffff;
	v35 =	vadd.f32 $1.000000000e+00, v22;
	v36 =	vpop (erf);
	v22 =	vand.u32 $0xFF, v29;
	(erf) = vpow2.f32 v21  }
0x277: {  	s14 =	simm.s32 $0x10;
	v21 =	vld.idx.msk [tilespmem:v29+s2+$0x0], $0xffff;
	v38 =	vcvt.s32.f32 v24;
	v30 =	vpop (erf);
	v39 =	vcvt.s32.f32 v22;
	v29 =	vadd.f32 v12, v36  }
0x278: {  	s15 =	simm.s32 $0x9120;
	p4 =	por $0x1, $0x1;
	s13 =	simm.s32 $0x15420;
	[tilespmem:s12+$0x10] =	vst v31;
	v22 =	vld.idx.msk [tilespmem:v26+s2+$0x0], $0xffff;
	v26 =	vmov v13;
	v32 =	vpop (erf);
	(erf) = vrcp.f32 v35;
	v24 =	vmov v11  }
.LBB2_111:
0x279: {  	v31 =	vld [tilespmem:s15+$0x10];
	v15 =	vcvt.s32.f32 v15;
	(erf) = vrcp.f32 v27;
	v27 =	vadd.f32 v24, v30;
	v35 =	vmovc v10;
	v10 =	vmovc v39  }
0x27a: {  	s14 =	sadd.s32 $0x4, s14;
	v36 =	vadd.f32 v26, v32;
	v26 =	vmovc v14;
	v14 =	vmovc v33;
	v24 =	vmov v8;
	v30 =	vld [tilespmem:s15+$0xFFFFFFF0];
	(erf) = vrcp.f32 v28;
	[tilespmem:s13+$0xFFFFFFE0] =	vst v29  }
0x27b: {  	v32 =	vand.u32 $0xFF, v7;
	v7 =	vmovc v23;
	v23 =	vmovc v34;
	p5 =	slt.s32 s14, s10;
	v19 =	vsub.f32 $0.0e+00, v19;
	v29 =	vld [tilespmem:s15+$0x0];
	[tilespmem:s13+$0xFFFFFFF0] =	vst v27;
	v33 =	vmov v15  }
0x27c: {  	v8 =	vmov v25;
	v15 =	vsub.f32 $0.0e+00, v20;
	v27 =	vcvt.s32.f32 v32;
	v34 =	vld [tilespmem:s15+$0xFFFFFFE0];
	v20 =	vpop (erf);
	[tilespmem:s13+$0x0] =	vst v36  }
0x27d: {  	v25 =	vmov v38;
	v22 =	vsub.f32 $0.0e+00, v22;
	v37 =	vmul.f32 $1.442695020e+00, v19;
	v28 =	vpop (erf)  }
0x27e: {  	v15 =	vmul.f32 $1.442695020e+00, v15;
	v20 =	vadd.f32 $1.000000000e+00, v20;
	v32 =	vpop (erf);
	v36 =	vadd.f32 v27, v28  }
0x27f: {  	s13 =	sadd.s32 $0x40, s13;
	v21 =	vsub.f32 $0.0e+00, v21;
	v22 =	vmul.f32 $1.442695020e+00, v22;
	(erf) = vpow2.f32 v37;
	v19 =	vpop (erf)  }
.Ltmp59:
0x280: {  	v27 =	vadd.f32 $1.000000000e+00, v32;
	v28 =	vadd.f32 $1.000000000e+00, v19;
	v32 =	vpop (erf);
	(erf) = vrcp.f32 v20;
	[tilespmem:s13+$0x10] =	vst v36;
	(pc) =	sbr.rel @p5 .LBB2_111-.Ltmp59, $4  }
0x281: {  	v21 =	vmul.f32 $1.442695020e+00, v21;
	v19 =	vld.idx.msk [tilespmem:v31+s2+$0x0], $0xffff;
	(erf) = vpow2.f32 v15;
	v36 =	vadd.f32 $1.000000000e+00, v32;
	v37 =	vpop (erf)  }
0x282: {  	v38 =	vand.u32 $0xFF, v30;
	v15 =	vand.u32 $0xFF, v34;
	v20 =	vld.idx.msk [tilespmem:v30+s2+$0x0], $0xffff;
	(erf) = vpow2.f32 v22;
	v30 =	vpop (erf)  }
0x283: {  	v39 =	vcvt.s32.f32 v15;
	v15 =	vand.u32 $0xFF, v29;
	v22 =	vld.idx.msk [tilespmem:v29+s2+$0x0], $0xffff;
	(erf) = vpow2.f32 v21;
	v32 =	vpop (erf)  }
0x284: {  	s15 =	sadd.s32 $0x40, s15;
	v38 =	vcvt.s32.f32 v38;
	v29 =	vadd.f32 v16, v37;
	v16 =	vmovc v35;
	v21 =	vld.idx.msk [tilespmem:v34+s2+$0x0], $0xffff;
	(erf) = vrcp.f32 v36;
	v34 =	vmovc v31  }
0x285: {  	v31 =	vmovc v10;
	v35 =	vmovc v14;
	v36 =	vmov v8;
	v37 =	vmov v7;
	v10 =	vmov v39  }
0x286: {  	v14 =	vmovc v33;
	v33 =	vmovc v23;
	v7 =	vmov v34;
	v34 =	vmov v25;
	v8 =	vmov v38  }
.LBB2_113:
0x287: {  	v19 =	vsub.f32 $0.0e+00, v19  }
0x288: {  	(erf) = vrcp.f32 @p3 v27;
	v20 =	vsub.f32 $0.0e+00, v20  }
0x289: {  	v23 =	vpop @p2 (erf);
	(erf) = vrcp.f32 @p3 v28;
	v22 =	vsub.f32 $0.0e+00, v22;
	v19 =	vmul.f32 $1.442695020e+00, v19  }
0x28a: {  	v23 =	vadd.f32 @p2 $1.000000000e+00, v23;
	v20 =	vmul.f32 $1.442695020e+00, v20;
	v21 =	vsub.f32 $0.0e+00, v21  }
0x28b: {  	v54 =	vmul.f32 $1.442695020e+00, v22;
	(erf) = vpow2.f32 v19  }
0x28c: {  	v21 =	vmul.f32 $1.442695020e+00, v21;
	(erf) = vrcp.f32 @p2 v23  }
0x28d: {  	v22 =	vpop @p3 (erf);
	(erf) = vpow2.f32 v20  }
0x28e: {  	v20 =	vpop @p2 (erf);
	(erf) = vpow2.f32 v54  }
0x28f: {  	v19 =	vpop @p2 (erf);
	(erf) = vpow2.f32 v21  }
0x290: {  	v21 =	vpop @p2 (erf)  }
0x291: {  	v20 =	vadd.f32 @p2 $1.000000000e+00, v20;
	v23 =	vpop @p3 (erf)  }
0x292: {  	v25 =	vpop @p3 (erf)  }
0x293: {  	v24 =	vadd.f32 @p4 v24, v30;
	v21 =	vadd.f32 @p2 $1.000000000e+00, v21;
	v27 =	vpop @p3 (erf)  }
0x294: {  	v26 =	vadd.f32 @p4 v26, v32;
	v30 =	vand.u32 @p3 $0xFF, v37;
	v19 =	vadd.f32 @p2 $1.000000000e+00, v19;
	v55 =	vpop (erf)  }
0x295: {  	v13 =	vpsel p2, v14, v13;
	v17 =	vpsel p2, v20, v17;
	(erf) = vrcp.f32 @p2 v21;
	v20 =	vpop @p2 (erf)  }
0x296: {  	v18 =	vpsel p2, v19, v18;
	(erf) = vrcp.f32 @p2 v17;
	v58 =	vadd.f32 $1.000000000e+00, v55;
	v56 =	vpop (erf)  }
0x297: {  	v7 =	vand.u32 $0xFF, v7;
	v21 =	vcvt.s32.f32 @p3 v30;
	(erf) = vrcp.f32 @p2 v18;
	v57 =	vpop (erf)  }
0x298: {  	v28 =	vmov @p2 v31;
	v16 =	vadd.f32 @p3 v16, v23;
	(erf) = vrcp.f32 v58;
	v59 =	vpop (erf)  }
0x299: {  	v14 =	vmovc @p2 v28;
	v23 =	vmovc @p2 v33;
	v21 =	vadd.f32 @p3 v21, v22;
	v22 =	vpsel p3, v25, v0;
	v25 =	vadd.f32 $1.000000000e+00, v59  }
0x29a: {  	v12 =	vpsel p2, v14, v12;
	v9 =	vpsel p2, v23, v9;
	v19 =	vmovc @p3 v36;
	v17 =	vadd.f32 $1.000000000e+00, v56  }
0x29b: {  	[tilespmem:s13+$0xFFFFFFE0] =	vst @p4 v29;
	v19 =	vpsel p3, v19, v0;
	v18 =	vadd.f32 $1.000000000e+00, v57;
	(erf) = vrcp.f32 v25  }
0x29c: {  	s14 =	sadd.s32 @p4 $0x40, s13;
	s15 =	simm.s32 $0x15420;
	[tilespmem:s13+$0xFFFFFFF0] =	vst @p4 v24;
	v9 =	vand.u32 @p2 $0xFF, v9;
	v14 =	vadd.f32 @p3 v19, v22;
	(erf) = vrcp.f32 v17  }
0x29d: {  	s15 =	smov.u32 @p4 s14;
	[tilespmem:s13+$0x0] =	vst @p4 v26;
	v24 =	vmovc @p2 v34;
	v16 =	vpsel p3, v16, v0;
	v9 =	vcvt.s32.f32 @p2 v9;
	(erf) = vrcp.f32 v18  }
0x29e: {  	v11 =	vpsel p2, v24, v11;
	v30 =	vmov @p3 v35;
	v27 =	vpsel p3, v27, v0;
	[tilespmem:s15+$0xFFFFFFE0] =	vst @p3 v16;
	v17 =	vpop @p2 (erf)  }
0x29f: {  	s14 =	simm.s32 $0x15420;
	s13 =	sadd.s32 @p3 $0x40, s15;
	v29 =	vpsel p3, v30, v0;
	[tilespmem:s15+$0x10] =	vst @p3 v21;
	v9 =	vadd.f32 @p2 v9, v20;
	v18 =	vpop @p2 (erf);
	v12 =	vadd.f32 @p2 v12, v17  }
0x2a0: {  	v7 =	vcvt.s32.f32 v7;
	s14 =	smov.u32 @p3 s13;
	v11 =	vpsel p2, v11, v0;
	v16 =	vadd.f32 @p3 v29, v27;
	[tilespmem:s15+$0xFFFFFFF0] =	vst @p3 v14;
	v14 =	vpop @p2 (erf)  }
0x2a1: {  	[tilespmem:s14+$0x10] =	vst @p2 v9;
	v9 =	vpsel p2, v13, v0;
	v17 =	vpsel p2, v18, v0;
	v12 =	vpsel p2, v12, v0;
	v60 =	vpop (erf)  }
0x2a2: {  	[tilespmem:s15+$0x0] =	vst @p3 v16;
	v11 =	vadd.f32 @p2 v11, v17;
	v14 =	vpsel p2, v14, v0;
	v7 =	vadd.f32 v7, v60  }
0x2a3: {  	[tilespmem:s14+$0xFFFFFFE0] =	vst @p2 v12;
	v9 =	vadd.f32 @p2 v9, v14  }
0x2a4: {  	s13 =	sadd.s32 @p2 $0x40, s14;
	[tilespmem:s14+$0xFFFFFFF0] =	vst @p2 v11;
	v61 =	vpop (erf)  }
0x2a5: {  	v62 =	vcvt.s32.f32 v15;
	s12 =	smov.u32 @p2 s13;
	[tilespmem:s14+$0x0] =	vst @p2 v9;
	v63 =	vpop (erf);
	v10 =	vadd.f32 v10, v61  }
0x2a6: {  	[tilespmem:s12+$0x10] =	vst v7;
	v7 =	vpop (erf);
	v8 =	vadd.f32 v8, v63  }
0x2a7: {  	[tilespmem:s12+$0xFFFFFFE0] =	vst v10;
	v7 =	vadd.f32 v62, v7  }
0x2a8: {  	[tilespmem:s12+$0xFFFFFFF0] =	vst v8  }
0x2a9: {  	[tilespmem:s12+$0x0] =	vst v7  }
.LBB2_99:
.Ltmp60:
0x2aa: {  	(pc) =	sbr.rel @p1 .LBB2_102-.Ltmp60, $1  }
0x2ab: {  	_ =	sdelay $0x3  }
0x2ac: {  	s12 =	sadd.s32 $0x9000, s11;
	s13 =	sadd.s32 $0x15400, s11;
	s14 =	smov.u32 s10  }
.LBB2_101:
0x2ad: {  	v7 =	vld [tilespmem:s12+$0x0];
	_ =	sdelay $0x7  }
0x2ae: {  	v8 =	vld.idx.msk [tilespmem:v7+s2+$0x0], $0xffff;
	_ =	sdelay $0x4  }
0x2af: {  	v8 =	vsub.f32 $0.0e+00, v8;
	_ =	sdelay $0x1  }
0x2b0: {  	v8 =	vmul.f32 $1.442695020e+00, v8;
	_ =	sdelay $0x1  }
0x2b1: {  	(erf) = vpow2.f32 v8;
	_ =	sdelay $0x8  }
0x2b2: {  	v8 =	vpop (erf)  }
0x2b3: {  	v8 =	vadd.f32 $1.000000000e+00, v8;
	_ =	sdelay $0x1  }
0x2b4: {  	(erf) = vrcp.f32 v8;
	_ =	sdelay $0x5  }
0x2b5: {  	s14 =	sadd.s32 $0x1, s14  }
0x2b6: {  	p2 =	slt.s32 s14, s7;
	v7 =	vand.u32 $0xFF, v7  }
.Ltmp61:
0x2b7: {  	v7 =	vcvt.s32.f32 v7;
	(pc) =	sbr.rel @p2 .LBB2_101-.Ltmp61, $3  }
0x2b8: {  	v8 =	vpop (erf)  }
0x2b9: {  	v7 =	vadd.f32 v7, v8;
	_ =	sdelay $0x1  }
0x2ba: {  	s12 =	sadd.s32 $0x10, s12;
	[tilespmem:s13+$0x0] =	vst v7;
	s13 =	sadd.s32 $0x10, s13  }
.LBB2_102:
.Ltmp62:
0x2bb: {  	s12 =	rddreg [dreg:$0xd];
	(pc) =	sbr.rel @p0 .LBB2_114-.Ltmp62, $4  }
0x2bc: {  	[tilespmem:s2], [sflag:$0x1] =	stream.strided.gather [hbm4b:s12+s19], $0x9000, s23, s19, $0x38;
	[tilespmem:$0x1D100] =	vst v63  }
0x2bd: {  	_ =	swait.ge [sflag:s21], $0x9000  }
0x2be: {  	[sflag:s21] =	ssyncset.done $0x0  }
0x2bf: {  	[sflag:s21] =	ssyncadd.s32 $0xFFFF7000  }
0x2c0: {  	s13 =	simm.s32 $0x9020  }
0x2c1: {  	v7 =	vld [tilespmem:s13+$0x10];
	_ =	sdelay $0x2  }
0x2c2: {  	p2 =	sgt.s32 s10, $0x4  }
.Ltmp63:
0x2c3: {  	_ = 	snop;
	(pc) =	sbr.rel @!p2 .LBB2_104-.Ltmp63, $4  }
0x2c4: {  	v15 =	vld [tilespmem:s13+$0xFFFFFFF0]  }
0x2c5: {  	v14 =	vld [tilespmem:s13+$0x0]  }
0x2c6: {  	v16 =	vld [tilespmem:s13+$0xFFFFFFE0]  }
0x2c7: {  	s12 =	simm.s32 $0x16420;
	p0 =	por $0x0, $0x0;
	s13 =	simm.s32 $0x9060;
	v7 =	vld.idx.msk [tilespmem:v7+s2+$0x0], $0xffff  }
0x2c8: {  	_ =	sdelay $0x1  }
0x2c9: {  	v17 =	vld [tilespmem:s13+$0x10];
	_ =	sdelay $0x1  }
0x2ca: {  	v12 =	vld [tilespmem:s13+$0xFFFFFFF0]  }
0x2cb: {  	v10 =	vld [tilespmem:s13+$0x0];
	p2 =	sgt.s32 s10, $0x8  }
.Ltmp64:
0x2cc: {  	v13 =	vld [tilespmem:s13+$0xFFFFFFE0];
	(pc) =	sbr.rel @!p2 .LBB2_121-.Ltmp64, $4  }
0x2cd: {  	v8 =	vld.idx.msk [tilespmem:v16+s2+$0x0], $0xffff  }
0x2ce: {  	v9 =	vld.idx.msk [tilespmem:v15+s2+$0x0], $0xffff  }
0x2cf: {  	s14 =	simm.s32 $0x8;
	v11 =	vld.idx.msk [tilespmem:v14+s2+$0x0], $0xffff  }
0x2d0: {  	s15 =	simm.s32 $0x90A0;
	p0 =	por $0x1, $0x1;
	s13 =	simm.s32 $0x16420;
	[tilespmem:s12+$0x10] =	vst v7;
	v7 =	vld.idx.msk [tilespmem:v17+s2+$0x0], $0xffff  }
.LBB2_122:
0x2d1: {  	v14 =	vld [tilespmem:s15+$0x10];
	s14 =	sadd.s32 $0x4, s14  }
0x2d2: {  	v15 =	vld [tilespmem:s15+$0xFFFFFFF0];
	p2 =	slt.s32 s14, s10;
	[tilespmem:s13+$0xFFFFFFE0] =	vst v8  }
0x2d3: {  	v16 =	vld [tilespmem:s15+$0x0];
	[tilespmem:s13+$0xFFFFFFF0] =	vst v9  }
0x2d4: {  	v17 =	vld [tilespmem:s15+$0xFFFFFFE0];
	[tilespmem:s13+$0x0] =	vst v11  }
.Ltmp65:
0x2d5: {  	s13 =	sadd.s32 $0x40, s13;
	v8 =	vld.idx.msk [tilespmem:v13+s2+$0x0], $0xffff;
	(pc) =	sbr.rel @p2 .LBB2_122-.Ltmp65, $4  }
0x2d6: {  	v9 =	vld.idx.msk [tilespmem:v12+s2+$0x0], $0xffff;
	[tilespmem:s13+$0x10] =	vst v7  }
0x2d7: {  	v11 =	vld.idx.msk [tilespmem:v10+s2+$0x0], $0xffff;
	v12 =	vmov v15  }
0x2d8: {  	v10 =	vmov v16  }
0x2d9: {  	s15 =	sadd.s32 $0x40, s15;
	v7 =	vld.idx.msk [tilespmem:v14+s2+$0x0], $0xffff;
	v13 =	vmov v17  }
0x2da: {  	v16 =	vmov v13;
	v15 =	vmov v12;
	v14 =	vmov v10  }
.LBB2_124:
0x2db: {  	_ =	sdelay $0x3  }
0x2dc: {  	v10 =	vld.idx.msk [tilespmem:v16+s2+$0x0], $0xffff  }
0x2dd: {  	[tilespmem:s13+$0xFFFFFFE0] =	vst @p0 v8;
	v8 =	vld.idx.msk [tilespmem:v15+s2+$0x0], $0xffff  }
0x2de: {  	[tilespmem:s13+$0xFFFFFFF0] =	vst @p0 v9;
	s14 =	sadd.s32 @p0 $0x40, s13;
	v63 =	vld.idx.msk [tilespmem:v14+s2+$0x0], $0xffff  }
0x2df: {  	[tilespmem:s13+$0x0] =	vst @p0 v11;
	s12 =	smov.u32 @p0 s14  }
0x2e0: {  	[tilespmem:s12+$0x10] =	vst v7  }
0x2e1: {  	[tilespmem:s12+$0xFFFFFFE0] =	vst v10  }
0x2e2: {  	[tilespmem:s12+$0xFFFFFFF0] =	vst v8  }
0x2e3: {  	[tilespmem:s12+$0x0] =	vst v63  }
.LBB2_114:
.Ltmp66:
0x2e4: {  	(pc) =	sbr.rel @p1 .LBB2_117-.Ltmp66, $1  }
0x2e5: {  	_ =	sdelay $0x3  }
0x2e6: {  	s12 =	sadd.s32 $0x9000, s11;
	s11 =	sadd.s32 $0x16400, s11  }
.LBB2_116:
0x2e7: {  	v7 =	vld [tilespmem:s12+$0x0];
	_ =	sdelay $0x6  }
0x2e8: {  	s10 =	sadd.s32 $0x1, s10  }
0x2e9: {  	p0 =	slt.s32 s10, s7;
	v7 =	vld.idx.msk [tilespmem:v7+s2+$0x0], $0xffff  }
.Ltmp67:
0x2ea: {  	_ = 	snop;
	(pc) =	sbr.rel @p0 .LBB2_116-.Ltmp67, $2  }
0x2eb: {  	_ =	sdelay $0x2  }
0x2ec: {  	s12 =	sadd.s32 $0x10, s12;
	[tilespmem:s11+$0x0] =	vst v7;
	s11 =	sadd.s32 $0x10, s11  }
.LBB2_117:
0x2ed: {  	p0 =	sgt.s32 s9, $0x0  }
.Ltmp68:
0x2ee: {  	_ = 	snop;
	(pc) =	sbr.rel @p0 .LBB2_118-.Ltmp68, $2  }
0x2ef: {  	_ =	sdelay $0x2  }
0x2f0: {  	s9 =	simm.s32 $0x0;
	s10 =	simm.s32 $0x0  }
.LBB2_133:
0x2f1: {  	s10 =	simm.s32 $0x0  }
0x2f2: {  	v7 =	vld [tilespmem:s10+$0x14000];
	_ =	sdelay $0x1  }
0x2f3: {  	s9 =	simm.s32 $0x10  }
0x2f4: {  	s11 =	simm.s32 $0x20;
	v8 =	vld [tilespmem:s9+$0x14000]  }
0x2f5: {  	v9 =	vld [tilespmem:s11+$0x14000]  }
0x2f6: {  	vm1 =	vgt.s32 v7, $0x63  }
0x2f7: {  	v7 =	vsel vm1, $0x1, v0  }
0x2f8: {  	(xrf0) =	vadd.scan.msk.s32 $0xffff, v7  }
0x2f9: {  	vm2 =	vgt.s32 v8, $0x63  }
0x2fa: {  	vm3 =	vgt.s32 v9, $0x63;
	v7 =	vsel vm2, $0x1, v0  }
0x2fb: {  	(xrf0) =	vadd.scan.msk.s32 $0xffff, v7;
	v7 =	vsel vm3, $0x1, v0  }
0x2fc: {  	(xrf0) =	vadd.scan.msk.s32 $0xffff, v7;
	_ =	sdelay $0x1  }
0x2fd: {  	v12, _, _ =	vpop (xrf0)  }
0x2fe: {  	(v2sf) =	vpush v12, $0xF;
	_ =	sdelay $0x1  }
0x2ff: {  	v11, _, _ =	vpop (xrf0)  }
0x300: {  	s12 =	simm.s32 $0x30;
	(v2sf) =	vpush v11, $0xF;
	v9, _, _ =	vpop (xrf0)  }
0x301: {  	v8 =	vld [tilespmem:s12+$0x14000];
	(v2sf) =	vpush v9, $0xF;
	_ =	sdelay $0x2  }
0x302: {  	v13 =	vsel vm1, $0xFFFFFFFF, v0;
	vm1 =	vmmov vm1  }
0x303: {  	s14 =	simm.s32 $0x0;
	v10 =	vsel vm2, $0xFFFFFFFF, v0;
	vm1 =	vmmov vm1  }
0x304: {  	s13 =	simm.s32 $0x40;
	v13 =	vadd.s32 s14, v13;
	vm4 =	vmmov vm1;
	vm1 =	vgt.s32 v8, $0x63  }
0x305: {  	vm2 =	vmmov vm2;
	v14 =	vsel vm1, $0x1, v0;
	v13 =	vadd.s32 v12, v13;
	v12 =	vld [tilespmem:s13+$0x14000]  }
0x306: {  	vm2 =	vmmov vm2;
	(xrf0) =	vadd.scan.msk.s32 $0xffff, v14  }
0x307: {  	vm5 =	vmmov vm3;
	v7 =	vsel vm3, $0xFFFFFFFF, v0;
	vm3 =	vmmov vm2  }
0x308: {  	s15 =	simm.s32 $0x140;
	vm2 =	vmmov vm5;
	v8 =	vsel vm1, $0xFFFFFFFF, v0;
	v13 =	vnsel vm4, $0xFFFFFFFF, v13  }
.LBB2_134:
0x309: {  	s16 =	sshra.s32 s15, $0x2;
	vm5 =	vlt.s32 v13, $0x30;
	vm4 =	vmmov vm1;
	p0 =	sne.s32 s15, $0xFC0  }
.Ltmp69:
0x30a: {  	s15 =	sadd.s32 $0x40, s15;
	vm1 =	vgt.s32 v12, $0x63;
	v16 =	vnsel vm5, $0xFFFFFFFF, v13;
	s17 =	spop (v2sf);
	(pc) =	sbr.rel @p0 .LBB2_134-.Ltmp69, $4  }
0x30b: {  	v12 =	vld [tilespmem:s16+$0x14000];
	v14 =	vsel vm1, $0xFFFFFFFF, v0;
	v15 =	vsel vm1, $0x1, v0;
	[tilespmem:s10+$0x17400] =	vst v16;
	s14 =	sadd.s32 s14, s17;
	s10 =	smov.u32 s9;
	s9 =	smov.u32 s11  }
0x30c: {  	s11 =	smov.u32 s12;
	s12 =	smov.u32 s13;
	s13 =	smov.u32 s16;
	(xrf0) =	vadd.scan.msk.s32 $0xffff, v15;
	v13, _, _ =	vpop (xrf0);
	v15 =	vadd.s32 s14, v10;
	v10 =	vmov v7;
	v7 =	vmov v8  }
0x30d: {  	v8 =	vmovc v14;
	(v2sf) =	vpush v13, $0xF;
	v15 =	vadd.s32 v11, v15;
	v11 =	vmovc v9;
	v9 =	vmov v13  }
0x30e: {  	v13 =	vnsel vm3, $0xFFFFFFFF, v15;
	vm3 =	vmmov vm2;
	vm2 =	vmmov vm4  }
0x30f: {  	_ =	sdelay $0x2  }
0x310: {  	v14, _, _ =	vpop (xrf0)  }
0x311: {  	(v2sf) =	vpush v14, $0xF;
	_ =	sdelay $0x8  }
0x312: {  	vm4 =	vgt.s32 v12, $0x63  }
0x313: {  	s15 =	spop (v2sf);
	vm5 =	vlt.s32 v13, $0x30;
	v12 =	vsel vm4, $0x1, v0  }
0x314: {  	vm1 =	vmmov vm1;
	vm2 =	vmmov vm2;
	s14 =	sadd.s32 s14, s15;
	s16 =	spop (v2sf);
	v58 =	vnsel vm5, $0xFFFFFFFF, v13;
	(xrf0) =	vadd.scan.msk.s32 $0xffff, v12  }
0x315: {  	vm1 =	vmmov vm1;
	v10 =	vadd.s32 s14, v10;
	v59 =	vsel vm4, $0xFFFFFFFF, v0;
	s14 =	sadd.s32 s14, s16  }
0x316: {  	vm4 =	vmmov vm4;
	v10 =	vadd.s32 v11, v10;
	v7 =	vadd.s32 s14, v7  }
0x317: {  	vm1 =	vmmov vm1;
	v10 =	vnsel vm3, $0xFFFFFFFF, v10;
	v7 =	vadd.s32 v9, v7;
	s17 =	spop (v2sf)  }
0x318: {  	vm3 =	vlt.s32 v10, $0x30;
	v7 =	vnsel vm2, $0xFFFFFFFF, v7;
	vm2 =	vmmov vm4;
	s14 =	sadd.s32 s14, s17;
	s18 =	spop (v2sf)  }
0x319: {  	v61 =	vnsel vm3, $0xFFFFFFFF, v10;
	vm3 =	vlt.s32 v7, $0x30;
	v8 =	vadd.s32 s14, v8;
	s14 =	sadd.s32 s14, s18  }
0x31a: {  	v7 =	vnsel vm3, $0xFFFFFFFF, v7;
	v60, _, _ =	vpop (xrf0);
	v8 =	vadd.s32 v14, v8;
	v62 =	vadd.s32 s14, v59  }
0x31b: {  	[tilespmem:s10+$0x17400] =	vst v58;
	v8 =	vnsel vm1, $0xFFFFFFFF, v8;
	vm1 =	vmmov vm2;
	v10 =	vadd.s32 v60, v62  }
0x31c: {  	[tilespmem:s9+$0x17400] =	vst v61;
	(v2sf) =	vpush v60, $0xF;
	vm2 =	vlt.s32 v8, $0x30;
	v63 =	vnsel vm1, $0xFFFFFFFF, v10  }
0x31d: {  	[tilespmem:s11+$0x17400] =	vst v7;
	v7 =	vnsel vm2, $0xFFFFFFFF, v8;
	vm1 =	vlt.s32 v63, $0x30  }
0x31e: {  	[tilespmem:s12+$0x17400] =	vst v7;
	v7 =	vnsel vm1, $0xFFFFFFFF, v63  }
0x31f: {  	s20 =	simm.s32 $0x17820;
	[tilespmem:s13+$0x17400] =	vst v7  }
0x320: {  	[tilespmem:s20+$0xFFFFFFF0] =	vst v0  }
0x321: {  	[tilespmem:s20+$0x0] =	vst v0  }
0x322: {  	[tilespmem:s20+$0x10] =	vst v0  }
0x323: {  	s11 =	simm.s32 $0x19320;
	[tilespmem:s20+$0xFFFFFFE0] =	vst v0  }
0x324: {  	[tilespmem:s11+$0xFFFFFFF0] =	vst v6  }
0x325: {  	[tilespmem:s11+$0x0] =	vst v6  }
0x326: {  	[tilespmem:s11+$0x10] =	vst v6  }
0x327: {  	s12 =	simm.s32 $0x1AE20;
	[tilespmem:s11+$0xFFFFFFE0] =	vst v6  }
0x328: {  	[tilespmem:s12+$0xFFFFFFF0] =	vst v6  }
0x329: {  	[tilespmem:s12+$0x0] =	vst v6  }
0x32a: {  	s15 =	simm.s32 $0x17860;
	s10 =	simm.s32 $0x1CE20;
	s9 =	simm.s32 $0x1CBA0;
	[tilespmem:s12+$0x10] =	vst v6  }
0x32b: {  	s14 =	simm.s32 $0x0;
	s23 =	spop (v2sf);
	s13 =	simm.s32 $0x1C920;
	[tilespmem:s12+$0xFFFFFFE0] =	vst v6  }
.LBB2_136:
0x32c: {  	[tilespmem:s15+$0xFFFFFFF0] =	vst v0;
	s11 =	sadd.s32 $0x40, s11  }
0x32d: {  	s12 =	sadd.s32 $0x40, s12;
	[tilespmem:s11+$0xFFFFFFF0] =	vst v6  }
0x32e: {  	[tilespmem:s12+$0xFFFFFFF0] =	vst v6  }
0x32f: {  	[tilespmem:s15+$0x0] =	vst v0  }
0x330: {  	[tilespmem:s11+$0x0] =	vst v6  }
0x331: {  	s14 =	sadd.s32 $0x4, s14;
	[tilespmem:s12+$0x0] =	vst v6  }
0x332: {  	p0 =	slt.u32 s14, $0x1AC;
	[tilespmem:s15+$0x10] =	vst v0  }
.Ltmp70:
0x333: {  	[tilespmem:s11+$0x10] =	vst v6;
	(pc) =	sbr.rel @p0 .LBB2_136-.Ltmp70, $4  }
0x334: {  	[tilespmem:s12+$0x10] =	vst v6  }
0x335: {  	[tilespmem:s15+$0xFFFFFFE0] =	vst v0  }
0x336: {  	[tilespmem:s11+$0xFFFFFFE0] =	vst v6  }
0x337: {  	s15 =	sadd.s32 $0x40, s15;
	[tilespmem:s12+$0xFFFFFFE0] =	vst v6  }
0x338: {  	[tilespmem:s13+$0xFFFFFFF0] =	vst v6  }
0x339: {  	[tilespmem:s13+$0x0] =	vst v6  }
0x33a: {  	[tilespmem:s13+$0x10] =	vst v6  }
0x33b: {  	[tilespmem:s13+$0xFFFFFFE0] =	vst v6  }
0x33c: {  	[tilespmem:s9+$0xFFFFFFF0] =	vst v6  }
0x33d: {  	[tilespmem:s9+$0x0] =	vst v6  }
0x33e: {  	[tilespmem:s9+$0x10] =	vst v6  }
0x33f: {  	[tilespmem:s9+$0xFFFFFFE0] =	vst v6  }
0x340: {  	[tilespmem:s10+$0xFFFFFFF0] =	vst v6  }
0x341: {  	[tilespmem:s10+$0x0] =	vst v6  }
0x342: {  	[tilespmem:s10+$0x10] =	vst v6  }
0x343: {  	s11 =	simm.s32 $0x0;
	s12 =	simm.s32 $0x1C960;
	vm5 =	vcmask $0x704;
	[tilespmem:s10+$0xFFFFFFE0] =	vst v6  }
.LBB2_138:
0x344: {  	[tilespmem:s12+$0xFFFFFFF0] =	vst v6;
	s9 =	sadd.s32 $0x40, s9  }
0x345: {  	s10 =	sadd.s32 $0x40, s10;
	[tilespmem:s9+$0xFFFFFFF0] =	vst v6  }
0x346: {  	[tilespmem:s10+$0xFFFFFFF0] =	vst v6  }
0x347: {  	[tilespmem:s12+$0x0] =	vst v6  }
0x348: {  	[tilespmem:s9+$0x0] =	vst v6  }
0x349: {  	s11 =	sadd.s32 $0x4, s11;
	[tilespmem:s10+$0x0] =	vst v6  }
0x34a: {  	p0 =	slt.u32 s11, $0x20;
	[tilespmem:s12+$0x10] =	vst v6  }
.Ltmp71:
0x34b: {  	[tilespmem:s9+$0x10] =	vst v6;
	(pc) =	sbr.rel @p0 .LBB2_138-.Ltmp71, $4  }
0x34c: {  	[tilespmem:s10+$0x10] =	vst v6  }
0x34d: {  	[tilespmem:s12+$0xFFFFFFE0] =	vst v6  }
0x34e: {  	[tilespmem:s9+$0xFFFFFFE0] =	vst v6  }
0x34f: {  	s12 =	sadd.s32 $0x40, s12;
	[tilespmem:s10+$0xFFFFFFE0] =	vst v6  }
0x350: {  	p0 =	slt.s32 s7, $0x1  }
.Ltmp72:
0x351: {  	_ = 	snop;
	(pc) =	sbr.rel @p0 .LBB2_142-.Ltmp72, $3  }
0x352: {  	_ =	sdelay $0x1  }
0x353: {  	vm7 =	vcmask $0x3734;
	vm8 =	vcmask $0x3B38;
	vm9 =	vcmask $0x3F3C  }
0x354: {  	[tilespmem:$0x1D080] =	vst v0;
	vm6 =	vcmask $0xB08;
	vm10 =	vcmask $0x1B18;
	vm11 =	vcmask $0x1F1C  }
0x355: {  	s9 =	simm.s32 $0x9000;
	s10 =	simm.s32 $0x14400  }
0x356: {  	v7 =	vmov s8;
	s8 =	simm.s32 $0x15400;
	s11 =	simm.s32 $0x16400;
	s12 =	simm.s32 $0x0  }
.LBB2_141:
0x357: {  	v8 =	vld [tilespmem:s10+$0x0];
	_ =	sdelay $0x7  }
0x358: {  	v8 =	vld.idx.msk [tilespmem:v8+s29+$0x0], $0xffff  }
0x359: {  	v9 =	vld [tilespmem:s9+$0x0];
	_ =	sdelay $0x2  }
0x35a: {  	v10 =	vor.u32 s12, v1  }
0x35b: {  	vm2 =	vlt.s32 v10, v7;
	vm1 =	vgt.s32 v8, $0xFFFFFFFF;
	v8 =	vmul.u32 $0x90, v8  }
0x35c: {  	v9 =	vshra.s32 v9, $0x8;
	vm1 =	vmand vm2, vm1  }
0x35d: {  	v8 =	vadd.s32 v9, v8;
	vm2 =	vmand vm1, vm0  }
0x35e: {  	v8 =	vnsel vm1, $0x0, v8  }
0x35f: {  	v62 =	vld [tilespmem:s8+$0x0]  }
0x360: {  	v63 =	vld [tilespmem:s11+$0x0];
	vm3 =	vmand vm1, vm5;
	_ =	sdelay $0x2  }
0x361: {  	vm4 =	vmand vm1, vm6;
	[tilespmem:v8+s30+$0x0] =	vst.idx.add.s32.msk vm2, v5  }
0x362: {  	[tilespmem:v8+s31+$0x0] =	vst.idx.add.f32.msk vm2, v62  }
0x363: {  	[tilespmem:v8+s0+$0x0] =	vst.idx.add.f32.msk vm2, v63  }
0x364: {  	vm2 =	vmand vm1, vm12;
	[tilespmem:v8+s30+$0x0] =	vst.idx.add.s32.msk vm3, v5  }
0x365: {  	[tilespmem:v8+s31+$0x0] =	vst.idx.add.f32.msk vm3, v62  }
0x366: {  	[tilespmem:v8+s0+$0x0] =	vst.idx.add.f32.msk vm3, v63  }
0x367: {  	vm3 =	vmand vm1, vm14;
	[tilespmem:v8+s30+$0x0] =	vst.idx.add.s32.msk vm4, v5  }
0x368: {  	[tilespmem:v8+s31+$0x0] =	vst.idx.add.f32.msk vm4, v62  }
0x369: {  	[tilespmem:v8+s0+$0x0] =	vst.idx.add.f32.msk vm4, v63  }
0x36a: {  	vm4 =	vmand vm1, vm13;
	[tilespmem:v8+s30+$0x0] =	vst.idx.add.s32.msk vm2, v5  }
0x36b: {  	[tilespmem:v8+s31+$0x0] =	vst.idx.add.f32.msk vm2, v62  }
0x36c: {  	[tilespmem:v8+s0+$0x0] =	vst.idx.add.f32.msk vm2, v63  }
0x36d: {  	vm2 =	vmand vm1, vm10;
	[tilespmem:v8+s30+$0x0] =	vst.idx.add.s32.msk vm3, v5  }
0x36e: {  	[tilespmem:v8+s31+$0x0] =	vst.idx.add.f32.msk vm3, v62  }
0x36f: {  	[tilespmem:v8+s0+$0x0] =	vst.idx.add.f32.msk vm3, v63  }
0x370: {  	vm3 =	vmand vm1, vm11;
	[tilespmem:v8+s30+$0x0] =	vst.idx.add.s32.msk vm4, v5  }
0x371: {  	[tilespmem:v8+s31+$0x0] =	vst.idx.add.f32.msk vm4, v62  }
0x372: {  	[tilespmem:v8+s0+$0x0] =	vst.idx.add.f32.msk vm4, v63;
	vm4 =	vcmask $0x2320  }
0x373: {  	[tilespmem:v8+s30+$0x0] =	vst.idx.add.s32.msk vm2, v5;
	vm4 =	vmand vm1, vm4  }
0x374: {  	[tilespmem:v8+s31+$0x0] =	vst.idx.add.f32.msk vm2, v62  }
0x375: {  	[tilespmem:v8+s0+$0x0] =	vst.idx.add.f32.msk vm2, v63;
	vm2 =	vcmask $0x2724  }
0x376: {  	[tilespmem:v8+s30+$0x0] =	vst.idx.add.s32.msk vm3, v5;
	vm2 =	vmand vm1, vm2  }
0x377: {  	[tilespmem:v8+s31+$0x0] =	vst.idx.add.f32.msk vm3, v62  }
0x378: {  	[tilespmem:v8+s0+$0x0] =	vst.idx.add.f32.msk vm3, v63;
	vm3 =	vcmask $0x2B28  }
0x379: {  	[tilespmem:v8+s30+$0x0] =	vst.idx.add.s32.msk vm4, v5;
	vm3 =	vmand vm1, vm3  }
0x37a: {  	[tilespmem:v8+s31+$0x0] =	vst.idx.add.f32.msk vm4, v62  }
0x37b: {  	[tilespmem:v8+s0+$0x0] =	vst.idx.add.f32.msk vm4, v63;
	vm4 =	vcmask $0x2F2C  }
0x37c: {  	[tilespmem:v8+s30+$0x0] =	vst.idx.add.s32.msk vm2, v5;
	vm4 =	vmand vm1, vm4  }
0x37d: {  	[tilespmem:v8+s31+$0x0] =	vst.idx.add.f32.msk vm2, v62  }
0x37e: {  	[tilespmem:v8+s0+$0x0] =	vst.idx.add.f32.msk vm2, v63  }
0x37f: {  	vm2 =	vmand vm1, vm15;
	[tilespmem:v8+s30+$0x0] =	vst.idx.add.s32.msk vm3, v5  }
0x380: {  	[tilespmem:v8+s31+$0x0] =	vst.idx.add.f32.msk vm3, v62  }
0x381: {  	[tilespmem:v8+s0+$0x0] =	vst.idx.add.f32.msk vm3, v63  }
0x382: {  	vm3 =	vmand vm1, vm7;
	[tilespmem:v8+s30+$0x0] =	vst.idx.add.s32.msk vm4, v5  }
0x383: {  	[tilespmem:v8+s31+$0x0] =	vst.idx.add.f32.msk vm4, v62  }
0x384: {  	[tilespmem:v8+s0+$0x0] =	vst.idx.add.f32.msk vm4, v63  }
0x385: {  	vm4 =	vmand vm1, vm8;
	[tilespmem:v8+s30+$0x0] =	vst.idx.add.s32.msk vm2, v5  }
0x386: {  	[tilespmem:v8+s31+$0x0] =	vst.idx.add.f32.msk vm2, v62  }
0x387: {  	[tilespmem:v8+s0+$0x0] =	vst.idx.add.f32.msk vm2, v63  }
0x388: {  	vm1 =	vmand vm1, vm9;
	[tilespmem:v8+s30+$0x0] =	vst.idx.add.s32.msk vm3, v5  }
0x389: {  	[tilespmem:v8+s31+$0x0] =	vst.idx.add.f32.msk vm3, v62  }
0x38a: {  	[tilespmem:v8+s0+$0x0] =	vst.idx.add.f32.msk vm3, v63  }
0x38b: {  	p0 =	sne.s32 s7, $0x1;
	[tilespmem:v8+s30+$0x0] =	vst.idx.add.s32.msk vm4, v5  }
.Ltmp73:
0x38c: {  	[tilespmem:v8+s31+$0x0] =	vst.idx.add.f32.msk vm4, v62;
	(pc) =	sbr.rel @p0 .LBB2_141-.Ltmp73, $4  }
0x38d: {  	[tilespmem:v8+s0+$0x0] =	vst.idx.add.f32.msk vm4, v63  }
0x38e: {  	[tilespmem:v8+s30+$0x0] =	vst.idx.add.s32.msk vm1, v5  }
0x38f: {  	s9 =	sadd.s32 $0x10, s9;
	s10 =	sadd.s32 $0x10, s10;
	s8 =	sadd.s32 $0x10, s8;
	[tilespmem:v8+s31+$0x0] =	vst.idx.add.f32.msk vm1, v62  }
0x390: {  	s11 =	sadd.s32 $0x10, s11;
	s12 =	sadd.s32 $0x10, s12;
	s7 =	sadd.s32 $0xFFFFFFFF, s7;
	[tilespmem:v8+s0+$0x0] =	vst.idx.add.f32.msk vm1, v63  }
.LBB2_142:
.Ltmp74:
0x391: {  	(pc) =	sbr.rel .LBB2_143-.Ltmp74, $3  }
0x392: {  	_ =	sdelay $0x1  }
0x393: {  	s7 =	simm.s32 $0x0;
	s18 =	simm.s32 $0x17880  }
0x394: {  	s17 =	simm.s32 $0x19380;
	s15 =	simm.s32 $0x1AE80;
	s11 =	simm.s32 $0x0  }
.LBB2_147:
0x395: {  	p0 =	sgt.s32 s12, $0x1;
	s8 =	simm.s32 $0x1;
	s11 =	sadd.s32 $0x1, s11  }
0x396: {  	s8 =	simm.s32 @!p0 $0x0;
	p0 =	sne.s32 s11, $0x30  }
.Ltmp75:
0x397: {  	_ = 	snop;
	(pc) =	sbr.rel @!p0 .LBB2_148-.Ltmp75, $3  }
0x398: {  	_ =	sdelay $0x1  }
0x399: {  	s18 =	sadd.s32 $0x90, s18  }
0x39a: {  	s17 =	sadd.s32 $0x90, s17;
	s15 =	sadd.s32 $0x90, s15;
	s7 =	sadd.s32 s8, s7  }
.LBB2_143:
0x39b: {  	s8 =	smul.u32 $0x240, s11;
	_ =	sdelay $0x1  }
0x39c: {  	s8 =	sshra.s32 s8, $0x2  }
0x39d: {  	v7 =	vld [tilespmem:s8+$0x17800]  }
0x39e: {  	v8 =	vld [tilespmem:s8+$0x17810]  }
0x39f: {  	v9 =	vld [tilespmem:s8+$0x17820]  }
0x3a0: {  	v10 =	vld [tilespmem:s8+$0x17830]  }
0x3a1: {  	v11 =	vld [tilespmem:s8+$0x17840]  }
0x3a2: {  	vm1 =	vgt.s32 v7, $0x0;
	v7 =	vld [tilespmem:s8+$0x17850]  }
0x3a3: {  	v12 =	vsel vm1, $0x1, v0;
	vm1 =	vgt.s32 v8, $0x0;
	v8 =	vld [tilespmem:s8+$0x17860]  }
0x3a4: {  	v60 =	vld [tilespmem:s8+$0x17870];
	(xrf0) =	vadd.scan.msk.s32 $0xffff, v12;
	v59 =	vsel vm1, $0x1, v0;
	vm1 =	vgt.s32 v9, $0x0  }
0x3a5: {  	v62 =	vld [tilespmem:s8+$0x17880];
	(xrf0) =	vadd.scan.msk.s32 $0xffff, v59;
	v61 =	vsel vm1, $0x1, v0;
	vm1 =	vgt.s32 v10, $0x0  }
0x3a6: {  	(xrf0) =	vadd.scan.msk.s32 $0xffff, v61;
	v63 =	vsel vm1, $0x1, v0;
	vm1 =	vgt.s32 v11, $0x0  }
0x3a7: {  	(xrf0) =	vadd.scan.msk.s32 $0xffff, v63;
	v11 =	vsel vm1, $0x1, v0;
	vm1 =	vgt.s32 v7, $0x0  }
0x3a8: {  	(xrf0) =	vadd.scan.msk.s32 $0xffff, v11;
	v7 =	vsel vm1, $0x1, v0;
	vm1 =	vgt.s32 v8, $0x0  }
0x3a9: {  	(xrf0) =	vadd.scan.msk.s32 $0xffff, v7;
	v7 =	vsel vm1, $0x1, v0;
	vm1 =	vgt.s32 v60, $0x0  }
0x3aa: {  	v8, _, _ =	vpop (xrf0);
	(xrf0) =	vadd.scan.msk.s32 $0xffff, v7;
	v7 =	vsel vm1, $0x1, v0;
	vm1 =	vgt.s32 v62, $0x0  }
0x3ab: {  	(v2sf) =	vpush v8, $0xF;
	v8, _, _ =	vpop (xrf0);
	(xrf0) =	vadd.scan.msk.s32 $0xffff, v7;
	v7 =	vsel vm1, $0x1, v0;
	_ =	sdelay $0x1  }
0x3ac: {  	(v2sf) =	vpush v8, $0xF;
	v8, _, _ =	vpop (xrf0);
	(xrf0) =	vadd.scan.msk.s32 $0xffff, v7  }
0x3ad: {  	(v2sf) =	vpush v8, $0xF;
	v7, _, _ =	vpop (xrf0)  }
0x3ae: {  	v8, _, _ =	vpop (xrf0);
	(v2sf) =	vpush v7, $0xF  }
0x3af: {  	v7, _, _ =	vpop (xrf0);
	(v2sf) =	vpush v8, $0xF  }
0x3b0: {  	v8, _, _ =	vpop (xrf0);
	(v2sf) =	vpush v7, $0xF  }
0x3b1: {  	v7, _, _ =	vpop (xrf0);
	(v2sf) =	vpush v8, $0xF  }
0x3b2: {  	(v2sf) =	vpush v7, $0xF;
	v7, _, _ =	vpop (xrf0)  }
0x3b3: {  	(v2sf) =	vpush v7, $0xF;
	_ =	sdelay $0x6  }
0x3b4: {  	s23 =	spop (v2sf)  }
0x3b5: {  	s9 =	spop (v2sf)  }
0x3b6: {  	s10 =	spop (v2sf);
	s8 =	sadd.s32 s23, s9  }
0x3b7: {  	s8 =	sadd.s32 s8, s10;
	s12 =	spop (v2sf)  }
0x3b8: {  	s13 =	spop (v2sf);
	s8 =	sadd.s32 s8, s12  }
0x3b9: {  	s14 =	spop (v2sf);
	s8 =	sadd.s32 s8, s13  }
0x3ba: {  	s16 =	spop (v2sf);
	s8 =	sadd.s32 s8, s14  }
0x3bb: {  	s20 =	spop (v2sf);
	s8 =	sadd.s32 s8, s16  }
0x3bc: {  	s8 =	sadd.s32 s8, s20;
	s23 =	spop (v2sf)  }
0x3bd: {  	p0 =	sgt.s32 s7, $0x3;
	s12 =	sadd.s32 s8, s23  }
0x3be: {  	p1 =	slt.s32 @!p0 s12, $0x2  }
0x3bf: {  	p0 =	por p0, p1  }
.Ltmp76:
0x3c0: {  	_ = 	snop;
	(pc) =	sbr.rel @p0 .LBB2_147-.Ltmp76, $1  }
0x3c1: {  	_ =	sdelay $0x3  }
0x3c2: {  	v7 =	vld [tilespmem:s18+$0x0];
	_ =	sdelay $0x4  }
0x3c3: {  	vm1 =	vgt.s32 v7, $0x0  }
0x3c4: {  	v7 =	vnsel vm1, $0x1, v7  }
0x3c5: {  	v8 =	vmul.u32 $0xFFFFFFFF, v1;
	v7 =	vcvt.s32.f32 v7;
	_ =	sdelay $0x1  }
0x3c6: {  	v9 =	vsel vm1, $0x1, v0;
	(erf) = vrcp.f32 v7;
	v7 =	vadd.s32 $0xF, v8  }
0x3c7: {  	(xrf0) =	vadd.scan.msk.s32 $0xffff, v9;
	v8 =	vperm.xlane v9, v7;
	_ =	sdelay $0x1  }
0x3c8: {  	(xrf0) =	vadd.scan.msk.s32 $0xffff, v8;
	_ =	sdelay $0x3  }
0x3c9: {  	v12, _, _ =	vpop (xrf0)  }
0x3ca: {  	s8 =	simm.s32 $0x80;
	v8 =	vld [tilespmem:s17+$0x0];
	(v2sf) =	vpush v12, $0xF  }
0x3cb: {  	v10 =	vor.u32 s8, v1;
	v14, _, _ =	vpop (xrf0)  }
0x3cc: {  	s13 =	smul.u32 $0x90, s7;
	v10 =	vcvt.s32.f32 v10;
	v14 =	vperm.xlane v14, v7;
	_ =	sdelay $0x1  }
0x3cd: {  	v11 =	vld [tilespmem:s15+$0x0];
	s23 =	sadd.s32 $0x0, s13;
	v10 =	vadd.f32 $5.000000000e-01, v10;
	v13 =	vpop (erf);
	v9 =	vsub.s32 v14, v9  }
0x3ce: {  	v8 =	vmul.f32 v13, v8;
	v9 =	vadd.s32 s23, v9  }
0x3cf: {  	v10 =	vsub.f32 $1.000000000e+02, v10  }
0x3d0: {  	v15 =	vmul.f32 $5.000000000e-01, v8  }
0x3d1: {  	s14 =	simm.s32 $0x0;
	s16 =	simm.s32 $0x70;
	s20 =	simm.s32 $0x60;
	v10 =	vmul.f32 $5.000000000e-01, v10  }
0x3d2: {  	s9 =	smov.u32 s17;
	s10 =	smov.u32 s15;
	s8 =	smov.u32 s18;
	v8 =	vmul.f32 v13, v11;
	v11 =	vsub.f32 $6.400000000e+01, v15  }
.LBB2_145:
0x3d3: {  	p0 =	sne.s32 s20, $0x0;
	[tilespmem:v9+s1+$0x0] =	vst.idx.msk vm1, v10  }
0x3d4: {  	[tilespmem:v9+s3+$0x0] =	vst.idx.msk vm1, v11  }
0x3d5: {  	s8 =	sadd.s32 $0xFFFFFFF0, s8;
	[tilespmem:v9+s4+$0x0] =	vst.idx.msk vm1, v8  }
0x3d6: {  	s9 =	sadd.s32 $0xFFFFFFF0, s9;
	v8 =	vld [tilespmem:s8+$0x0]  }
0x3d7: {  	s10 =	sadd.s32 $0xFFFFFFF0, s10;
	v9 =	vld [tilespmem:s9+$0x0]  }
0x3d8: {  	v10 =	vld [tilespmem:s10+$0x0];
	s23 =	spop (v2sf)  }
0x3d9: {  	s14 =	sadd.s32 s14, s23;
	_ =	sdelay $0x1  }
0x3da: {  	vm1 =	vgt.s32 v8, $0x0  }
0x3db: {  	v11 =	vsel vm1, $0x1, v0;
	v8 =	vnsel vm1, $0x1, v8  }
0x3dc: {  	v8 =	vcvt.s32.f32 v8;
	v12 =	vperm.xlane v11, v7;
	(xrf0) =	vadd.scan.msk.s32 $0xffff, v11;
	_ =	sdelay $0x1  }
0x3dd: {  	(erf) = vrcp.f32 v8;
	(xrf0) =	vadd.scan.msk.s32 $0xffff, v12;
	_ =	sdelay $0x3  }
0x3de: {  	v8, _, _ =	vpop (xrf0)  }
0x3df: {  	(v2sf) =	vpush v8, $0xF  }
0x3e0: {  	v8 =	vor.u32 s16, v1;
	s16 =	smov.u32 s20;
	v12, _, _ =	vpop (xrf0)  }
0x3e1: {  	v14 =	vcvt.s32.f32 v8;
	v12 =	vperm.xlane v12, v7;
	_ =	sdelay $0x1  }
0x3e2: {  	s23 =	sadd.s32 s13, s14;
	v13 =	vadd.f32 $5.000000000e-01, v14;
	v11 =	vsub.s32 v12, v11;
	v8 =	vpop (erf)  }
.Ltmp77:
0x3e3: {  	v12 =	vmul.f32 v8, v9;
	v8 =	vmul.f32 v8, v10;
	v9 =	vadd.s32 s23, v11;
	(pc) =	sbr.rel @p0 .LBB2_145-.Ltmp77, $4  }
0x3e4: {  	v10 =	vsub.f32 $1.000000000e+02, v13  }
0x3e5: {  	v11 =	vmul.f32 $5.000000000e-01, v12  }
0x3e6: {  	v10 =	vmul.f32 $5.000000000e-01, v10  }
0x3e7: {  	s20 =	sadd.s32 $0xFFFFFFF0, s20;
	v11 =	vsub.f32 $6.400000000e+01, v11  }
0x3e8: {  	_ =	sdelay $0x4  }
0x3e9: {  	[tilespmem:v9+s1+$0x0] =	vst.idx.msk vm1, v10  }
0x3ea: {  	[tilespmem:v9+s3+$0x0] =	vst.idx.msk vm1, v11  }
0x3eb: {  	s8 =	sadd.s32 $0xFFFFFFF0, s8;
	[tilespmem:v9+s4+$0x0] =	vst.idx.msk vm1, v8  }
0x3ec: {  	v8 =	vld [tilespmem:s8+$0x0];
	_ =	sdelay $0x4  }
0x3ed: {  	vm1 =	vgt.s32 v8, $0x0  }
0x3ee: {  	v57 =	vsel vm1, $0x1, v0  }
0x3ef: {  	(xrf0) =	vadd.scan.msk.s32 $0xffff, v57;
	_ =	sdelay $0x3  }
0x3f0: {  	v8 =	vnsel vm1, $0x1, v8  }
0x3f1: {  	v8 =	vcvt.s32.f32 v8;
	v58 =	vperm.xlane v57, v7  }
0x3f2: {  	v59, _, _ =	vpop (xrf0)  }
0x3f3: {  	(erf) = vrcp.f32 v8;
	(xrf0) =	vadd.scan.msk.s32 $0xffff, v58;
	(v2sf) =	vpush v59, $0xF;
	_ =	sdelay $0x3  }
0x3f4: {  	s23 =	sadd.s32 $0xFFFFFFF0, s9  }
0x3f5: {  	v8 =	vld [tilespmem:s23+$0x0]  }
0x3f6: {  	v60 =	vor.u32 s16, v1;
	v61, _, _ =	vpop (xrf0)  }
0x3f7: {  	v10 =	vcvt.s32.f32 v60;
	s9 =	spop (v2sf);
	v7 =	vperm.xlane v61, v7  }
0x3f8: {  	s8 =	sadd.s32 s14, s9  }
0x3f9: {  	s16 =	sadd.s32 $0xFFFFFFF0, s10;
	v10 =	vadd.f32 $5.000000000e-01, v10;
	s20 =	sadd.s32 s13, s8;
	v62 =	vpop (erf);
	v7 =	vsub.s32 v7, v57  }
0x3fa: {  	v63 =	vld [tilespmem:s16+$0x0];
	v8 =	vmul.f32 v62, v8;
	v7 =	vadd.s32 s20, v7  }
0x3fb: {  	v10 =	vsub.f32 $1.000000000e+02, v10  }
0x3fc: {  	v8 =	vmul.f32 $5.000000000e-01, v8  }
0x3fd: {  	v12 =	vmov s7;
	v10 =	vmul.f32 $5.000000000e-01, v10  }
.Ltmp78:
0x3fe: {  	v8 =	vsub.f32 $6.400000000e+01, v8;
	(pc) =	sbr.rel .LBB2_147-.Ltmp78, $4  }
0x3ff: {  	v9 =	vmul.f32 v62, v63;
	[tilespmem:v7+s1+$0x0] =	vst.idx.msk vm1, v10;
	s23 =	spop (v2sf)  }
0x400: {  	[tilespmem:v7+s3+$0x0] =	vst.idx.msk vm1, v8;
	s8 =	sadd.s32 s8, s23  }
0x401: {  	[tilespmem:v7+s4+$0x0] =	vst.idx.msk vm1, v9;
	v7 =	vmov s8  }
0x402: {  	[tilespmem:v12+s5+$0x0] =	vst.idx.msk $0x1, v7  }
.LBB2_119:
0x403: {  	v8 =	vimm.s32 $0x9000;
	v9 =	vimm.f32 $+Inf  }
.LBB2_132:
0x404: {  	(xrf0) =	vmin.scan.msk.f32 $0xffff, v9;
	_ =	sdelay $0x5  }
0x405: {  	v10, _, _ =	vpop (xrf0)  }
0x406: {  	v11 =	vbroadcast v10, $0xF  }
0x407: {  	p1 =	sgt.s32 s11, $0x1  }
0x408: {  	v12 =	vxor.u32 @p1 $0x80000000, v8;
	vm1 =	veq.f32 @p1 v9, v11  }
0x409: {  	v12 =	vnsel @p1 vm1, $0x80009000, v12  }
0x40a: {  	(xrf0) =	vmin.scan.msk.u32 @p1 $0xffff, v12;
	_ =	sdelay $0x5  }
0x40b: {  	(v2sf) =	vpush v10, $0xF;
	v10, _, _ =	vpop @p1 (xrf0)  }
0x40c: {  	(v2sf) =	vpush @p1 v10, $0xF;
	_ =	sdelay $0xa  }
0x40d: {  	vm1 =	veq.f32 @!p1 v9, v11  }
0x40e: {  	v9 =	vmctz.xlane @!p1 vm1;
	_ =	sdelay $0x1  }
0x40f: {  	vm1 =	vlt.s32 @!p1 v9, $0xF;
	s23 =	spop (v2sf)  }
0x410: {  	v9 =	vnsel @!p1 vm1, $0xF, v9;
	p0 =	slt.f32 s23, $2.500000000e+01;
	s11 =	spop @p1 (v2sf)  }
0x411: {  	v8 =	vperm.xlane @!p1 v8, v9;
	s11 =	sxor.u32 @p1 $0x80000000, s11  }
0x412: {  	p2 =	slt.s32 s9, $0x1;
	p0 =	por !p0, !p0;
	v9 =	vmov @p1 s11  }
0x413: {  	p0 =	por p2, p0;
	v8 =	vpsel p1, v9, v8  }
0x414: {  	v8 =	vpsel p0, s9, v8  }
0x415: {  	vm1 =	vlt.s32 v8, $0x3FF  }
0x416: {  	v8 =	vnsel vm1, $0x3FF, v8;
	_ =	sdelay $0x4  }
0x417: {  	v58 =	vld.idx.msk [tilespmem:v8+s25+$0x0], $0xffff;
	_ =	sdelay $0x4  }
0x418: {  	v59 =	vadd.s32 v4, v8;
	v9 =	vcvt.s32.f32 v58;
	_ =	sdelay $0x1  }
0x419: {  	v60 =	vadd.s32 s10, v3;
	v61 =	vadd.f32 $1.000000000e+00, v9;
	_ =	sdelay $0x1  }
0x41a: {  	(erf) = vrcp.f32 v61  }
0x41b: {  	v62 =	vld.idx.msk [tilespmem:v59+s26+$0x0], $0xff;
	_ =	sdelay $0x1  }
0x41c: {  	v11 =	vld.idx.msk [tilespmem:v60+s24+$0x0], $0xff;
	_ =	sdelay $0x2  }
0x41d: {  	v9 =	vmul.f32 v9, v62;
	_ =	sdelay $0x1  }
0x41e: {  	s10 =	sadd.s32 $0x1, s10;
	s11 =	simm.s32 $0x1;
	v9 =	vadd.f32 v9, v11  }
0x41f: {  	s11 =	simm.s32 @!p0 $0x0;
	p0 =	sne.s32 s10, s8;
	v63 =	vpop (erf)  }
.Ltmp79:
0x420: {  	v9 =	vmul.f32 v63, v9;
	(pc) =	sbr.rel @!p0 .LBB2_133-.Ltmp79, $4  }
0x421: {  	_ = 	snop  }
0x422: {  	[tilespmem:v59+s26+$0x0] =	vst.idx.msk $0xff, v9  }
0x423: {  	[tilespmem:v8+s25+$0x0] =	vst.idx.add.s32.msk $0x1, v5  }
0x424: {  	s9 =	sadd.s32 s11, s9;
	[tilespmem:v7+s28+$0x0] =	vst.idx.msk $0x1, v8  }
.LBB2_118:
0x425: {  	s11 =	sadd.s32 $0xF, s9  }
0x426: {  	s12 =	sand.u32 $0xF, s11  }
0x427: {  	s13 =	sshra.s32 s11, $0x1F;
	p0 =	slt.s32 s11, $0x1;
	p1 =	sne.s32 s12, $0x0  }
0x428: {  	s23 =	sshrl.u32 s13, $0x1C;
	p0 =	por !p0, !p1  }
0x429: {  	s12 =	simm.s32 $0x1;
	s11 =	sadd.s32 s23, s11;
	p0 =	por !p0, !p0  }
0x42a: {  	s11 =	sshra.s32 s11, $0x4;
	s12 =	simm.s32 @!p0 $0x0  }
0x42b: {  	s11 =	ssub.s32 s11, s12  }
0x42c: {  	p0 =	slt.s32 s11, $0x1  }
.Ltmp80:
0x42d: {  	_ = 	snop;
	(pc) =	sbr.rel @p0 .LBB2_119-.Ltmp80, $2  }
0x42e: {  	_ =	sdelay $0x2  }
0x42f: {  	v7 =	vmov s10  }
0x430: {  	v8 =	vand.u32 $0x7FFFFFFF, v7  }
0x431: {  	v9 =	vadd.s32 $0x1000, v8;
	_ =	sdelay $0x1  }
0x432: {  	s13 =	simm.s32 $0x0  }
0x433: {  	v15 =	vld.idx.msk [tilespmem:v7+s24+$0x0], $0xffff;
	v10 =	vadd.s32 $0x2000, v8;
	s23 =	sand.u32 $0xFFFFFFF0, s13  }
0x434: {  	v20 =	vld [tilespmem:s23+$0x13400]  }
0x435: {  	v16 =	vld.idx.msk [tilespmem:v9+s24+$0x0], $0xffff;
	v9 =	vadd.s32 $0x6000, v8  }
0x436: {  	v21 =	vld [tilespmem:s23+$0x12400]  }
0x437: {  	v17 =	vadd.s32 $0x5000, v8;
	v19 =	vld [tilespmem:s23+$0x13000]  }
0x438: {  	v11 =	vld.idx.msk [tilespmem:v10+s24+$0x0], $0xffff  }
0x439: {  	v12 =	vadd.s32 $0x3000, v8;
	v10 =	vld [tilespmem:s23+$0x13800]  }
0x43a: {  	s12 =	simm.s32 $0x12000;
	v14 =	vadd.s32 $0x4000, v8;
	v18 =	vld.idx.msk [tilespmem:v9+s24+$0x0], $0xffff  }
0x43b: {  	v8 =	vadd.s32 $0x7000, v8;
	v9 =	vld [tilespmem:s12+$0x0]  }
0x43c: {  	v17 =	vld.idx.msk [tilespmem:v17+s24+$0x0], $0xffff  }
0x43d: {  	p1 =	sne.s32 s11, $0x1;
	v25 =	vld [tilespmem:s23+$0x12C00]  }
.Ltmp81:
0x43e: {  	v13 =	vld.idx.msk [tilespmem:v12+s24+$0x0], $0xffff;
	(pc) =	sbr.rel @!p1 .LBB2_126-.Ltmp81, $4  }
0x43f: {  	v12 =	vld.idx.msk [tilespmem:v14+s24+$0x0], $0xffff  }
0x440: {  	v14 =	vld.idx.msk [tilespmem:v8+s24+$0x0], $0xffff;
	v8 =	vmov s9;
	v22 =	vsub.f32 v9, v15;
	v23 =	vsub.f32 v10, v18  }
0x441: {  	s14 =	sadd.s32 $0xFFFFFFFF, s11;
	v26 =	vld [tilespmem:s23+$0x12800];
	v31 =	vsub.f32 v20, v17;
	v32 =	vsub.f32 v21, v16;
	v10 =	vimm.f32 $+Inf  }
0x442: {  	s15 =	simm.s32 $0x12010;
	p0 =	por $0x0, $0x0;
	v27 =	vld [tilespmem:s23+$0x13C00];
	s12 =	simm.s32 $0x10;
	v9 =	vimm.s32 $0x9000;
	v24 =	vmul.f32 v22, v22;
	v20 =	vmul.f32 v23, v23  }
0x443: {  	_ =	sdelay $0x1  }
0x444: {  	v21 =	vld [tilespmem:s15+$0x0];
	s23 =	sand.u32 $0xFFFFFFF0, s12;
	v19 =	vsub.f32 v19, v12  }
0x445: {  	v22 =	vsub.f32 v25, v13;
	v23 =	vmul.f32 v31, v31;
	v25 =	vsub.f32 v26, v11;
	v26 =	vld [tilespmem:s23+$0x13800]  }
0x446: {  	v28 =	vmul.f32 v32, v32;
	v29 =	vld [tilespmem:s23+$0x13400];
	v19 =	vmul.f32 v19, v19;
	v27 =	vsub.f32 v27, v14  }
0x447: {  	v63 =	vld [tilespmem:s23+$0x12400];
	v22 =	vmul.f32 v22, v22;
	v25 =	vmul.f32 v25, v25  }
0x448: {  	p1 =	sne.s32 s14, $0x1;
	v24 =	vadd.f32 v28, v24;
	v28 =	vadd.f32 v23, v19;
	v19 =	vld [tilespmem:s23+$0x13000];
	v27 =	vmul.f32 v27, v27  }
.Ltmp82:
0x449: {  	v33 =	vsub.f32 v21, v15;
	v21 =	vadd.f32 v22, v25;
	v25 =	vld [tilespmem:s23+$0x12C00];
	(pc) =	sbr.rel @!p1 .LBB2_128-.Ltmp82, $4  }
0x44a: {  	v30 =	vadd.f32 v27, v20;
	v20 =	vsub.f32 v26, v18;
	v26 =	vld [tilespmem:s23+$0x12800]  }
0x44b: {  	v23 =	vimm.s32 $0x9000;
	v31 =	vsub.f32 v29, v17;
	v27 =	vld [tilespmem:s23+$0x13C00]  }
0x44c: {  	s14 =	sadd.s32 $0xFFFFFFFF, s14;
	v32 =	vsub.f32 v63, v16;
	v22 =	vimm.f32 $+Inf;
	v29 =	vadd.f32 v21, v24  }
0x44d: {  	s15 =	simm.s32 $0x12020;
	p0 =	por $0x1, $0x1;
	v21 =	vor.u32 s13, v1;
	v24 =	vmul.f32 v33, v33;
	s13 =	simm.s32 $0x20;
	v20 =	vmul.f32 v20, v20  }
.LBB2_129:
0x44e: {  	v33 =	vld [tilespmem:s15+$0x0];
	s16 =	sand.u32 $0xFFFFFFF0, s13;
	p1 =	sne.s32 s14, $0x1;
	s14 =	sadd.s32 $0xFFFFFFFF, s14;
	v25 =	vsub.f32 v25, v13;
	v31 =	vmul.f32 v31, v31;
	v28 =	vadd.f32 v30, v28  }
0x44f: {  	v19 =	vsub.f32 v19, v12;
	v34 =	vld [tilespmem:s16+$0x13400];
	v30 =	vmul.f32 v32, v32;
	v26 =	vsub.f32 v26, v11  }
0x450: {  	v32 =	vld [tilespmem:s16+$0x13800];
	v35 =	vmul.f32 v25, v25;
	v25 =	vsub.f32 v27, v14;
	v27 =	vadd.f32 v28, v29  }
0x451: {  	vm1 =	vlt.s32 v21, v8;
	v28 =	vmul.f32 v19, v19;
	v36 =	vld [tilespmem:s16+$0x12400];
	v24 =	vadd.f32 v30, v24  }
0x452: {  	v29 =	vmul.f32 v26, v26;
	v19 =	vld [tilespmem:s16+$0x13000];
	v30 =	vmul.f32 v25, v25;
	v27 =	vnsel vm1, $0x7F800000, v27  }
.Ltmp83:
0x453: {  	v28 =	vadd.f32 v31, v28;
	v33 =	vsub.f32 v33, v15;
	v25 =	vld [tilespmem:s16+$0x12C00];
	vm1 =	vlt.f32 v27, v22;
	(pc) =	sbr.rel @p1 .LBB2_129-.Ltmp83, $4  }
0x454: {  	v29 =	vadd.f32 v35, v29;
	v26 =	vld [tilespmem:s16+$0x12800];
	v30 =	vadd.f32 v30, v20;
	v22 =	vsel vm1, v27, v22  }
0x455: {  	v23 =	vsel vm1, v21, v23;
	v20 =	vsub.f32 v32, v18;
	v27 =	vld [tilespmem:s16+$0x13C00]  }
0x456: {  	v31 =	vsub.f32 v34, v17;
	v21 =	vor.u32 s12, v1;
	s12 =	smov.u32 s13;
	v29 =	vadd.f32 v29, v24  }
0x457: {  	s15 =	sadd.s32 $0x10, s15;
	s13 =	sadd.s32 $0x10, s13;
	v24 =	vmul.f32 v33, v33;
	v32 =	vsub.f32 v36, v16;
	v20 =	vmul.f32 v20, v20  }
0x458: {  	s13 =	smov.u32 s12  }
.LBB2_131:
0x459: {  	v13 =	vsub.f32 v25, v13;
	v15 =	vmul.f32 v31, v31;
	v12 =	vsub.f32 v19, v12  }
0x45a: {  	v16 =	vmul.f32 v32, v32;
	v11 =	vsub.f32 v26, v11;
	v14 =	vsub.f32 v27, v14  }
0x45b: {  	v13 =	vmul.f32 v13, v13;
	v12 =	vmul.f32 v12, v12  }
0x45c: {  	v17 =	vadd.f32 @p0 v30, v28;
	v11 =	vmul.f32 v11, v11;
	v14 =	vmul.f32 v14, v14  }
0x45d: {  	v16 =	vadd.f32 v16, v24;
	v12 =	vadd.f32 v15, v12  }
0x45e: {  	v11 =	vadd.f32 v13, v11;
	v62 =	vadd.f32 v14, v20  }
0x45f: {  	v14 =	vadd.f32 @p0 v17, v29  }
0x460: {  	vm1 =	vlt.s32 @p0 v21, v8;
	v11 =	vadd.f32 v11, v16;
	v12 =	vadd.f32 v62, v12  }
0x461: {  	v13 =	vnsel @p0 vm1, $0x7F800000, v14  }
.Ltmp84:
0x462: {  	v63 =	vor.u32 s13, v1;
	vm1 =	vlt.f32 @p0 v13, v22;
	v11 =	vadd.f32 v12, v11;
	(pc) =	sbr.rel .LBB2_132-.Ltmp84, $4  }
0x463: {  	vm2 =	vlt.s32 v63, v8;
	v12 =	vsel @p0 vm1, v13, v22  }
0x464: {  	v8 =	vsel @p0 vm1, v21, v23;
	v10 =	vpsel p0, v12, v10;
	v11 =	vnsel vm2, $0x7F800000, v11  }
0x465: {  	v8 =	vpsel p0, v8, v9;
	vm1 =	vlt.f32 v11, v10  }
0x466: {  	v9 =	vsel vm1, v11, v10;
	v8 =	vsel vm1, v63, v8  }
.LBB2_126:
.Ltmp85:
0x467: {  	(pc) =	sbr.rel .LBB2_131-.Ltmp85, $2  }
0x468: {  	_ =	sdelay $0x2  }
0x469: {  	v22 =	vimm.f32 $+Inf;
	v23 =	vimm.s32 $0x9000  }
.LBB2_128:
.Ltmp86:
0x46a: {  	(pc) =	sbr.rel .LBB2_131-.Ltmp86, $2  }
0x46b: {  	_ =	sdelay $0x2  }
0x46c: {  	v22 =	vimm.f32 $+Inf;
	v23 =	vimm.s32 $0x9000;
	s13 =	simm.s32 $0x10  }
.LBB2_10:
.Ltmp87:
0x46d: {  	(pc) =	sbr.rel .LBB2_21-.Ltmp87, $2  }
0x46e: {  	_ =	sdelay $0x2  }
0x46f: {  	s12 =	simm.s32 $0xA020  }
.LBB2_16:
.Ltmp88:
0x470: {  	(pc) =	sbr.rel .LBB2_32-.Ltmp88, $2  }
0x471: {  	_ =	sdelay $0x2  }
0x472: {  	s14 =	simm.s32 $0x0;
	s15 =	simm.s32 $0xB030  }
.LBB2_27:
.Ltmp89:
0x473: {  	(pc) =	sbr.rel .LBB2_43-.Ltmp89, $2  }
0x474: {  	_ =	sdelay $0x2  }
0x475: {  	s15 =	simm.s32 $0x0;
	s16 =	simm.s32 $0xC030  }
.LBB2_38:
.Ltmp90:
0x476: {  	(pc) =	sbr.rel .LBB2_54-.Ltmp90, $2  }
0x477: {  	_ =	sdelay $0x2  }
0x478: {  	s15 =	simm.s32 $0x0;
	s16 =	simm.s32 $0xD030  }
.LBB2_49:
.Ltmp91:
0x479: {  	(pc) =	sbr.rel .LBB2_65-.Ltmp91, $2  }
0x47a: {  	_ =	sdelay $0x2  }
0x47b: {  	s15 =	simm.s32 $0x0;
	s16 =	simm.s32 $0xE030  }
.LBB2_60:
.Ltmp92:
0x47c: {  	(pc) =	sbr.rel .LBB2_76-.Ltmp92, $2  }
0x47d: {  	_ =	sdelay $0x2  }
0x47e: {  	s15 =	simm.s32 $0x0;
	s16 =	simm.s32 $0xF030  }
.LBB2_71:
.Ltmp93:
0x47f: {  	(pc) =	sbr.rel .LBB2_87-.Ltmp93, $2  }
0x480: {  	_ =	sdelay $0x2  }
0x481: {  	s15 =	simm.s32 $0x0;
	s16 =	simm.s32 $0x10030  }
.LBB2_82:
.Ltmp94:
0x482: {  	(pc) =	sbr.rel .LBB2_98-.Ltmp94, $2  }
0x483: {  	_ =	sdelay $0x2  }
0x484: {  	s15 =	simm.s32 $0x0;
	s16 =	simm.s32 $0x11030  }
.LBB2_93:
.Ltmp95:
0x485: {  	(pc) =	sbr.rel .LBB2_113-.Ltmp95, $2  }
0x486: {  	_ =	sdelay $0x2  }
0x487: {  	v7 =	vmov v9;
	s13 =	simm.s32 $0x15420;
	v10 =	vmov v12;
	v8 =	vmov v11  }
.LBB2_104:
.Ltmp96:
0x488: {  	(pc) =	sbr.rel .LBB2_124-.Ltmp96, $2  }
0x489: {  	_ =	sdelay $0x2  }
0x48a: {  	s13 =	simm.s32 $0x16420  }
.LBB2_18:
.Ltmp97:
0x48b: {  	(pc) =	sbr.rel .LBB2_21-.Ltmp97, $2  }
0x48c: {  	_ =	sdelay $0x2  }
0x48d: {  	s12 =	simm.s32 $0xA020;
	v16 =	vmov v13;
	v15 =	vmov v12;
	v14 =	vmov v10  }
.LBB2_29:
.Ltmp98:
0x48e: {  	(pc) =	sbr.rel .LBB2_32-.Ltmp98, $2  }
0x48f: {  	_ =	sdelay $0x2  }
0x490: {  	s14 =	simm.s32 $0x0;
	s15 =	simm.s32 $0xB030;
	v16 =	vmov v13;
	v15 =	vmov v12;
	v14 =	vmov v11  }
.LBB2_40:
.Ltmp99:
0x491: {  	(pc) =	sbr.rel .LBB2_43-.Ltmp99, $2  }
0x492: {  	_ =	sdelay $0x2  }
0x493: {  	s15 =	simm.s32 $0x0;
	s16 =	simm.s32 $0xC030;
	v16 =	vmov v13;
	v15 =	vmov v12;
	v14 =	vmov v11  }
.LBB2_51:
.Ltmp100:
0x494: {  	(pc) =	sbr.rel .LBB2_54-.Ltmp100, $2  }
0x495: {  	_ =	sdelay $0x2  }
0x496: {  	s15 =	simm.s32 $0x0;
	s16 =	simm.s32 $0xD030;
	v16 =	vmov v13;
	v15 =	vmov v12;
	v14 =	vmov v11  }
.LBB2_62:
.Ltmp101:
0x497: {  	(pc) =	sbr.rel .LBB2_65-.Ltmp101, $2  }
0x498: {  	_ =	sdelay $0x2  }
0x499: {  	s15 =	simm.s32 $0x0;
	s16 =	simm.s32 $0xE030;
	v16 =	vmov v13;
	v15 =	vmov v12;
	v14 =	vmov v11  }
.LBB2_73:
.Ltmp102:
0x49a: {  	(pc) =	sbr.rel .LBB2_76-.Ltmp102, $2  }
0x49b: {  	_ =	sdelay $0x2  }
0x49c: {  	s15 =	simm.s32 $0x0;
	s16 =	simm.s32 $0xF030;
	v16 =	vmov v13;
	v15 =	vmov v12;
	v14 =	vmov v11  }
.LBB2_84:
.Ltmp103:
0x49d: {  	(pc) =	sbr.rel .LBB2_87-.Ltmp103, $2  }
0x49e: {  	_ =	sdelay $0x2  }
0x49f: {  	s15 =	simm.s32 $0x0;
	s16 =	simm.s32 $0x10030;
	v16 =	vmov v13;
	v15 =	vmov v12;
	v14 =	vmov v11  }
.LBB2_95:
.Ltmp104:
0x4a0: {  	(pc) =	sbr.rel .LBB2_98-.Ltmp104, $2  }
0x4a1: {  	_ =	sdelay $0x2  }
0x4a2: {  	s15 =	simm.s32 $0x0;
	s16 =	simm.s32 $0x11030;
	v16 =	vmov v13;
	v15 =	vmov v12;
	v14 =	vmov v11  }
.LBB2_106:
.Ltmp105:
0x4a3: {  	(pc) =	sbr.rel .LBB2_113-.Ltmp105, $2  }
0x4a4: {  	_ =	sdelay $0x2  }
0x4a5: {  	v31 =	vmovc v12;
	v10 =	vmovc v16;
	v14 =	vmov v13;
	v33 =	vmov v9;
	v34 =	vmov v11;
	s13 =	simm.s32 $0x15420  }
.LBB2_121:
.Ltmp106:
0x4a6: {  	(pc) =	sbr.rel .LBB2_124-.Ltmp106, $2  }
0x4a7: {  	_ =	sdelay $0x2  }
0x4a8: {  	s13 =	simm.s32 $0x16420;
	v16 =	vmov v13;
	v15 =	vmov v12;
	v14 =	vmov v10  }
.LBB2_108:
.Ltmp107:
0x4a9: {  	(pc) =	sbr.rel .LBB2_113-.Ltmp107, $4  }
0x4aa: {  	_ = 	snop  }
0x4ab: {  	v31 =	vmov v16  }
0x4ac: {  	v33 =	vmovc v7;
	v34 =	vmovc v8;
	v27 =	vmov v17;
	v28 =	vmov v18;
	v35 =	vmov v13  }
0x4ad: {  	s13 =	simm.s32 $0x15420;
	v36 =	vmovc v11;
	v37 =	vmovc v9;
	v7 =	vmov v23;
	v16 =	vmov v12;
	v8 =	vmov v25  }
.LBB2_110:
.Ltmp108:
0x4ae: {  	(pc) =	sbr.rel .LBB2_113-.Ltmp108, $4  }
0x4af: {  	_ = 	snop  }
0x4b0: {  	v31 =	vmov v10;
	v35 =	vmov v14  }
0x4b1: {  	v36 =	vmovc v8;
	v37 =	vmovc v7;
	v24 =	vmov v11;
	v10 =	vmov v39;
	v26 =	vmov v13  }
0x4b2: {  	s13 =	simm.s32 $0x15420;
	v14 =	vmovc v33;
	v33 =	vmovc v23;
	v7 =	vmov v34;
	v34 =	vmov v25;
	v8 =	vmov v38  }
.LBB2_149:
0x4b3: {  	_ =	sfence.sel $0x180000  }
0x4b4: {  	[bflag:$0x0] =	sbarrier.arrive $0xFFFF  }
0x4b5: {  	_ =	strace $0x90000047  }
0x4b6: {  	s0 =	stileid.u32;
	[bflag:$0x2] =	sbarrier.arrive $0xFFFF  }
0x4b7: {  	p0 =	sne.s32 s0, $0x0;
	s0 =	rddreg [dreg:$0x3]  }
0x4b8: {  	s0 =	sadd.s32 @!p0 $0x100000, s0  }
0x4b9: {  	[sflag:s0] =	ssyncadd.tile.s32 @!p0 $0x1;
	_ =	shalt  }
.Lfunc_end2:
_tile_overlayer_lowered:
.L_overlay_start_2:
0x4ba: {  	(tag) =	ssettag $0x2  }
0x4bb: {  	s0 =	rddreg [dreg:$0x0];
	s2 =	stileid.u32  }
0x4bc: {  	s1 =	rddreg [dreg:$0x1];
	p0 =	sne.s32 s2, $0x0  }
0x4bd: {  	s3 =	rddreg [dreg:$0x2];
	[bflag:$0x3] =	sbarrier.arrive $0xFFFF;
	s2 =	simm.s32 @!p0 $0x1C01  }
0x4be: {  	[timem:s3], [sflag:s2] =	dma.local @!p0 [hbm:s0], s1  }
0x4bf: {  	s0 =	simm.s32 @!p0 $0x1  }
0x4c0: {  	_ =	swait.ge @!p0 [sflag:s0], s1  }
0x4c1: {  	s1 =	ssub.s32 @!p0 $0x0, s1;
	[sflag:s0] =	ssyncset.done @!p0 $0x0  }
0x4c2: {  	[sflag:s0] =	ssyncadd.s32 @!p0 s1  }
0x4c3: {  	[bflag:$0x3] =	sbarrier.arrive $0xFFFF  }
0x4c4: {  	_ =	shalt  }

</sc_bundles>
